<compile_context>
chip_gen: v7x
topology: tpu7x:2x2x1
jax: 0.10.2.dev20260603
libtpu: 0.0.44.dev20260713+nightly
codegen_flags: <defaults>
</compile_context>

<pallas_src>
import functools

import jax
import jax.numpy as jnp
from jax import lax
from jax.experimental import pallas as pl
from jax.experimental.pallas import tpu as pltpu
from jax.experimental.pallas import tpu_sc as plsc

_N = 10000
_E = 320000
_D = 128
_NC = 2
_NS = 16
_NW = _NC * _NS
_L = 16
_NPAD = 10112
_RPT = _NPAD // _NS
_EPAD = 327680
_EPT = _EPAD // _NW
_CH = 128
_NCHUNK = _EPT // _CH
_BLK = 2000

_mesh = functools.lru_cache(maxsize=None)(
    lambda: plsc.VectorSubcoreMesh(core_axis_name="c", subcore_axis_name="s",
                                   num_cores=_NC, num_subcores=_NS))


def _fill(ref, value):
  v16 = jnp.full((_L,), value, jnp.float32)

  def row(r, carry):
    for cc in range(_D // _L):
      ref[r, pl.ds(cc * _L, _L)] = v16
    return carry

  lax.fori_loop(0, _CH, row, 0)


def _clear_stripe(acc, rbase, zeros_v):
  for k in range(4):
    pltpu.sync_copy(zeros_v, acc.at[pl.ds(rbase + k * _CH, _CH)])
  pltpu.sync_copy(zeros_v.at[pl.ds(0, _RPT - 4 * _CH)],
                  acc.at[pl.ds(rbase + 4 * _CH, _RPT - 4 * _CH)])


_NBUF = 4
_K0 = 120
_K1 = 2 * _NCHUNK - _K0
_PADC = _E // _CH


@functools.lru_cache(maxsize=None)
def _make_agg():
  def body(y_hbm, src_hbm, dst_hbm, part_hbm, acc, srcv, dstv, rows,
           isems, gsems, ssems):
    c = lax.axis_index("c")
    s = lax.axis_index("s")
    rbase = s * _RPT
    K = jnp.where(c == 0, _K0, _K1)
    if _K1 > 0:
      cbase = jnp.where(c == 0, s * _K0, _NS * _K0 + s * _K1)
    else:
      cbase = jnp.where(c == 0, s * _K0, _PADC)
    NG = K // 2

    def issue_idx(j, b):
      pltpu.async_copy(src_hbm.at[cbase + j], srcv[b], isems[b])
      pltpu.async_copy(dst_hbm.at[cbase + j], dstv[b], isems[b])

    def wait_idx(j, b):
      pltpu.make_async_copy(src_hbm.at[cbase + j], srcv[b], isems[b]).wait()
      pltpu.make_async_copy(dst_hbm.at[cbase + j], dstv[b], isems[b]).wait()

    _fill(rows[0], 0.0)
    _clear_stripe(acc, rbase, rows[0])
    plsc.subcore_barrier()

    issue_idx(0, 0)
    issue_idx(1, 1)
    for b in (0, 1):
      wait_idx(b, b)
      pltpu.async_copy(y_hbm.at[srcv[b]], rows[b], gsems[b])

    def stage(g, pf_gather):
      for b in (0, 1):
        j = 2 * g + b
        pltpu.make_async_copy(y_hbm.at[srcv[b]], rows[b], gsems[b]).wait()
        pltpu.async_copy(rows[b], acc.at[dstv[b]], ssems[b], add=True)
        if pf_gather:
          pltpu.async_copy(src_hbm.at[cbase + j + 2], srcv[b], isems[b])
      for b in (0, 1):
        j = 2 * (g + 1) + b
        pltpu.make_async_copy(rows[b], acc.at[dstv[b]], ssems[b]).wait()
        if pf_gather:
          pltpu.make_async_copy(src_hbm.at[cbase + j], srcv[b],
                                isems[b]).wait()
          pltpu.async_copy(dst_hbm.at[cbase + j], dstv[b], isems[b])
          pltpu.async_copy(y_hbm.at[srcv[b]], rows[b], gsems[b])
          pltpu.make_async_copy(dst_hbm.at[cbase + j], dstv[b],
                                isems[b]).wait()

    lax.fori_loop(0, NG - 1, lambda g, cy: (stage(g, True), cy)[1], 0)
    stage(NG - 1, False)

    plsc.subcore_barrier()
    pltpu.sync_copy(acc.at[pl.ds(rbase, _RPT)],
                    part_hbm.at[c, pl.ds(rbase, _RPT)])

  return pl.kernel(
      body,
      out_type=jax.ShapeDtypeStruct((_NC, _NPAD, _D), jnp.float32),
      mesh=_mesh(),
      scratch_types=[
          pltpu.VMEM_SHARED((_NPAD, _D), jnp.float32),
          [pltpu.VMEM((_CH,), jnp.int32) for _ in range(2)],
          [pltpu.VMEM((_CH,), jnp.int32) for _ in range(2)],
          [pltpu.VMEM((_CH, _D), jnp.float32) for _ in range(2)],
          [pltpu.SemaphoreType.DMA for _ in range(2)],
          [pltpu.SemaphoreType.DMA for _ in range(2)],
          [pltpu.SemaphoreType.DMA for _ in range(2)],
      ])


@functools.lru_cache(maxsize=None)
def _make_cnt():

  def body(dst_hbm, cnt_hbm, acc, dst_all, ones_v, ssems):
    c = lax.axis_index("c")
    s = lax.axis_index("s")
    wid = s * _NC + c
    cbase = wid * _NCHUNK
    rbase = s * _RPT

    _fill(ones_v, 0.0)
    _clear_stripe(acc, rbase, ones_v)
    _fill(ones_v, 1.0)
    pltpu.sync_copy(dst_hbm.at[pl.ds(cbase, _NCHUNK)], dst_all)
    plsc.subcore_barrier()

    for b in range(_NBUF):
      pltpu.async_copy(ones_v, acc.at[dst_all.at[b]], ssems[b], add=True)

    def stage(g, prefetch):
      for b in range(_NBUF):
        j = g * _NBUF + b
        pltpu.make_async_copy(ones_v, acc.at[dst_all.at[j]], ssems[b]).wait()
        if prefetch:
          pltpu.async_copy(ones_v, acc.at[dst_all.at[j + _NBUF]], ssems[b],
                           add=True)

    lax.fori_loop(0, _NCHUNK // _NBUF - 1,
                  lambda g, carry: (stage(g, True), carry)[1], 0)
    stage(_NCHUNK // _NBUF - 1, False)

    plsc.subcore_barrier()
    pltpu.sync_copy(acc.at[pl.ds(rbase, _RPT)],
                    cnt_hbm.at[c, pl.ds(rbase, _RPT)])

  return pl.kernel(
      body,
      out_type=jax.ShapeDtypeStruct((_NC, _NPAD, _D), jnp.float32),
      mesh=_mesh(),
      scratch_types=[
          pltpu.VMEM_SHARED((_NPAD, _D), jnp.float32),
          pltpu.VMEM((_NCHUNK, _CH), jnp.int32),
          pltpu.VMEM((_CH, _D), jnp.float32),
          [pltpu.SemaphoreType.DMA for _ in range(_NBUF)],
      ])


def _pre_body(h_ref, wl_ref, wr_ref, b_ref, y_ref, r_ref):
  h = h_ref[...]
  y_ref[...] = jnp.dot(h, wl_ref[...], preferred_element_type=jnp.float32)
  r_ref[...] = jnp.dot(h, wr_ref[...], preferred_element_type=jnp.float32) + b_ref[...]


_pre = pl.pallas_call(
    _pre_body,
    grid=(_N // _BLK,),
    in_specs=[
        pl.BlockSpec((_BLK, _D), lambda i: (i, 0)),
        pl.BlockSpec((_D, _D), lambda i: (0, 0)),
        pl.BlockSpec((_D, _D), lambda i: (0, 0)),
        pl.BlockSpec((1, _D), lambda i: (0, 0)),
    ],
    out_specs=[pl.BlockSpec((_BLK, _D), lambda i: (i, 0))] * 2,
    out_shape=[jax.ShapeDtypeStruct((_N, _D), jnp.float32)] * 2,
)


def _mean_prelu(p_ref, cnt_ref, r_ref, a_ref):
  cnt = cnt_ref[0, :, 0:1] + cnt_ref[1, :, 0:1]
  scale = 1.0 / jnp.maximum(cnt, 1.0)
  h = (p_ref[0] + p_ref[1]) * scale + r_ref[...]
  a = a_ref[...]
  return jnp.where(h >= 0, h, a * h)


def _mid_body(p_ref, cnt_ref, r_ref, a_ref, wl_ref, wr_ref, b_ref, y_ref, r1_ref):
  h = _mean_prelu(p_ref, cnt_ref, r_ref, a_ref)
  y_ref[...] = jnp.dot(h, wl_ref[...], preferred_element_type=jnp.float32)
  r1_ref[...] = jnp.dot(h, wr_ref[...], preferred_element_type=jnp.float32) + b_ref[...]


_mid = pl.pallas_call(
    _mid_body,
    grid=(_N // _BLK,),
    in_specs=[
        pl.BlockSpec((_NC, _BLK, _D), lambda i: (0, i, 0)),
        pl.BlockSpec((_NC, _BLK, _D), lambda i: (0, i, 0)),
        pl.BlockSpec((_BLK, _D), lambda i: (i, 0)),
        pl.BlockSpec((1, _D), lambda i: (0, 0)),
        pl.BlockSpec((_D, _D), lambda i: (0, 0)),
        pl.BlockSpec((_D, _D), lambda i: (0, 0)),
        pl.BlockSpec((1, _D), lambda i: (0, 0)),
    ],
    out_specs=[pl.BlockSpec((_BLK, _D), lambda i: (i, 0))] * 2,
    out_shape=[jax.ShapeDtypeStruct((_N, _D), jnp.float32)] * 2,
)


def _fin_body(p_ref, cnt_ref, r_ref, a_ref, o_ref):
  o_ref[...] = _mean_prelu(p_ref, cnt_ref, r_ref, a_ref)


_fin = pl.pallas_call(
    _fin_body,
    grid=(_N // _BLK,),
    in_specs=[
        pl.BlockSpec((_NC, _BLK, _D), lambda i: (0, i, 0)),
        pl.BlockSpec((_NC, _BLK, _D), lambda i: (0, i, 0)),
        pl.BlockSpec((_BLK, _D), lambda i: (i, 0)),
        pl.BlockSpec((1, _D), lambda i: (0, 0)),
    ],
    out_specs=pl.BlockSpec((_BLK, _D), lambda i: (i, 0)),
    out_shape=jax.ShapeDtypeStruct((_N, _D), jnp.float32),
)


def kernel(x, edge_index, W_l0, b_l0, W_r0, a0, W_l1, b_l1, W_r1, a1):
  src = edge_index[0].astype(jnp.int32)
  dst = edge_index[1].astype(jnp.int32)
  src_p = jnp.concatenate(
      [src, jnp.zeros((_EPAD - _E,), jnp.int32)]).reshape(_EPAD // _CH, _CH)
  dst_p = jnp.concatenate(
      [dst, jnp.full((_EPAD - _E,), _N, jnp.int32)]).reshape(_EPAD // _CH, _CH)

  cnt = _make_cnt()(dst_p)
  y0, r0 = _pre(x, W_l0.T, W_r0.T, b_l0.reshape(1, _D))
  p0 = _make_agg()(y0, src_p, dst_p)
  y1, r1 = _mid(p0, cnt, r0, a0.reshape(1, _D),
                W_l1.T, W_r1.T, b_l1.reshape(1, _D))
  p1 = _make_agg()(y1, src_p, dst_p)
  return _fin(p1, cnt, r1, a1.reshape(1, _D))

# --- scband reference (transcript-rebuilt; emitter-appended) ---
"""Pipeline reference for scband-encoder-34127810134591 (READ-ONLY COPY).

The authoritative reference and input builder live on the scoring server;
editing this copy changes nothing except your own understanding.
"""

import jax, jax.numpy as jnp
import numpy as np

N_NODES = 10000
N_EDGES = 320000
D = 128
NUM_LAYERS = 2


def setup_inputs(seed: int = 0) -> dict:
    key = jax.random.key(seed)
    ks = jax.random.split(key, 16)
    inp = {}
    inp['x'] = jax.random.normal(ks[0], (N_NODES, D), dtype=jnp.float32)
    inp['edge_index'] = jax.random.randint(ks[1], (2, N_EDGES), 0, N_NODES, dtype=jnp.int64 if jax.config.jax_enable_x64 else jnp.int32)
    scale = 1.0 / np.sqrt(D)
    for i in range(NUM_LAYERS):
        inp[f'W_l{i}'] = jax.random.uniform(ks[2 + 4 * i], (D, D), dtype=jnp.float32, minval=-scale, maxval=scale)
        inp[f'b_l{i}'] = jax.random.uniform(ks[3 + 4 * i], (D,), dtype=jnp.float32, minval=-scale, maxval=scale)
        inp[f'W_r{i}'] = jax.random.uniform(ks[4 + 4 * i], (D, D), dtype=jnp.float32, minval=-scale, maxval=scale)
        inp[f'a{i}'] = jnp.full((D,), 0.25, dtype=jnp.float32)
    return inp


def _sage_conv(x, src, dst, W_l, b_l, W_r):
    # message: x_j gathered from source nodes
    msg = jnp.take(x, src, axis=0)
    # mean aggregation over destination nodes
    agg = jax.ops.segment_sum(msg, dst, num_segments=N_NODES)
    cnt = jax.ops.segment_sum(jnp.ones((msg.shape[0],), dtype=x.dtype), dst, num_segments=N_NODES)
    agg = agg / jnp.clip(cnt, 1.0, None)[:, None]
    # lin_l(aggregated) + lin_r(root)
    out = agg @ W_l.T + b_l + x @ W_r.T
    return out


def _prelu(h, a):
    return jnp.where(h >= 0, h, a[None, :] * h)


def reference(x, edge_index, W_l0, b_l0, W_r0, a0, W_l1, b_l1, W_r1, a1):
    # Heterogeneous graph degenerates to a single node type ('domain_node')
    # and a single edge type; HeteroConv aggr='sum' over one relation is identity.
    src = edge_index[0]
    dst = edge_index[1]
    h = x
    params = [(W_l0, b_l0, W_r0, a0), (W_l1, b_l1, W_r1, a1)]
    for (W_l, b_l, W_r, a) in params:
        h = _sage_conv(h, src, dst, W_l, b_l, W_r)
        h = _prelu(h, a)
    return h

if __name__ == "__main__":
    import jax
    _d = setup_inputs()
    print(jax.jit(kernel)(*tuple(_d.values())))

</pallas_src>

<mosaic_0001>
#map = affine_map<(d0, d1) -> (0, 0)>
#map1 = affine_map<(d0, d1) -> (0, 0, 0)>
module attributes {stable_mosaic.version = 14 : i64} {
  func.func @body(%arg0: i32, %arg1: i32, %arg2: memref<10000x128xf32, #tpu.memory_space<hbm>>, %arg3: memref<2560x128xi32, #tpu.memory_space<hbm>>, %arg4: memref<2560x128xi32, #tpu.memory_space<hbm>>, %arg5: memref<2x10112x128xf32, #tpu.memory_space<hbm>>, %arg6: memref<10112x128xf32, #tpu.memory_space<vmem_shared>>, %arg7: memref<128xi32, #tpu.memory_space<vmem>>, %arg8: memref<128xi32, #tpu.memory_space<vmem>>, %arg9: memref<128xi32, #tpu.memory_space<vmem>>, %arg10: memref<128xi32, #tpu.memory_space<vmem>>, %arg11: memref<128x128xf32, #tpu.memory_space<vmem>>, %arg12: memref<128x128xf32, #tpu.memory_space<vmem>>, %arg13: memref<!tpu.dma_semaphore, #tpu.memory_space<semaphore_mem>>, %arg14: memref<!tpu.dma_semaphore, #tpu.memory_space<semaphore_mem>>, %arg15: memref<!tpu.dma_semaphore, #tpu.memory_space<semaphore_mem>>, %arg16: memref<!tpu.dma_semaphore, #tpu.memory_space<semaphore_mem>>, %arg17: memref<!tpu.dma_semaphore, #tpu.memory_space<semaphore_mem>>, %arg18: memref<!tpu.dma_semaphore, #tpu.memory_space<semaphore_mem>>) attributes {dimension_semantics = [#tpu.dimension_semantics<core_parallel>, #tpu.dimension_semantics<subcore_parallel>], iteration_bounds = array<i64: 2, 16>, scalar_prefetch = 0 : i64, scratch_operands = 13 : i64, tpu.core_type = #tpu.core_type<sc_vector_subcore>, window_params = [{transform_indices = #map}, {transform_indices = #map}, {transform_indices = #map}, {transform_indices = #map1}]} {
    %mul3A = arith.constant 632 : i32
    %mul3A_0 = arith.muli %arg1, %mul3A : i32
    %eq3A = arith.constant 0 : i32
    %eq3A_1 = arith.cmpi eq, %arg0, %eq3A : i32
    %jit3A = arith.constant 120 : i32
    %jit3A_2 = arith.constant 40 : i32
    %select_n3A = arith.select %eq3A_1, %jit3A, %jit3A_2 : i32
    %eq3A_3 = arith.constant 0 : i32
    %eq3A_4 = arith.cmpi eq, %arg0, %eq3A_3 : i32
    %mul3A_5 = arith.constant 120 : i32
    %mul3A_6 = arith.muli %arg1, %mul3A_5 : i32
    %mul3A_7 = arith.constant 40 : i32
    %mul3A_8 = arith.muli %arg1, %mul3A_7 : i32
    %add3A = arith.constant 1920 : i32
    %add3A_9 = arith.addi %add3A, %mul3A_8 : i32
    %select_n3A_10 = arith.select %eq3A_4, %mul3A_6, %add3A_9 : i32
    %jit3A_11 = arith.constant 2 : i32
    %div3A = arith.divsi %select_n3A, %jit3A_11 : i32
    %sign3A = arith.constant 0 : i32
    %sign3A_12 = arith.cmpi sgt, %select_n3A, %sign3A : i32
    %sign3A_13 = arith.extui %sign3A_12 : i1 to i32
    %sign3A_14 = arith.constant 0 : i32
    %sign3A_15 = arith.cmpi slt, %select_n3A, %sign3A_14 : i32
    %sign3A_16 = arith.extui %sign3A_15 : i1 to i32
    %sign3A_17 = arith.subi %sign3A_13, %sign3A_16 : i32
    %sign3A_18 = arith.constant 0 : i32
    %sign3A_19 = arith.cmpi sgt, %jit3A_11, %sign3A_18 : i32
    %sign3A_20 = arith.extui %sign3A_19 : i1 to i32
    %sign3A_21 = arith.constant 0 : i32
    %sign3A_22 = arith.cmpi slt, %jit3A_11, %sign3A_21 : i32
    %sign3A_23 = arith.extui %sign3A_22 : i1 to i32
    %sign3A_24 = arith.subi %sign3A_20, %sign3A_23 : i32
    %ne3A = arith.cmpi ne, %sign3A_17, %sign3A_24 : i32
    %rem3A = arith.remsi %select_n3A, %jit3A_11 : i32
    %ne3A_25 = arith.constant 0 : i32
    %ne3A_26 = arith.cmpi ne, %rem3A, %ne3A_25 : i32
    %and3A = arith.andi %ne3A, %ne3A_26 : i1
    %sub3A = arith.constant 1 : i32
    %sub3A_27 = arith.subi %div3A, %sub3A : i32
    %select_n3A_28 = arith.select %and3A, %sub3A_27, %div3A : i32
    %broadcast_in_dim3A = arith.constant 0.000000e+00 : f32
    %broadcast_in_dim3A_29 = vector.broadcast %broadcast_in_dim3A : f32 to vector<16xf32>
    %scan3A = arith.constant 0 : i32
    %scan3A_30 = arith.constant 0 : i32
    %scan3A_31 = arith.constant 128 : i32
    %scan3A_32 = arith.addi %scan3A_30, %scan3A_31 : i32
    %scan3A_33 = arith.constant 1 : i32
    scf.for %scan3A_165 = %scan3A_30 to %scan3A_32 step %scan3A_33  : i32 {
      %swap3A = arith.index_cast %scan3A_165 : i32 to index
      %swap3A_166 = arith.constant 0 : index
      %swap3A_167 = tpu.vector_load %arg11[%swap3A, %swap3A_166] {strides = array<i32>} : memref<128x128xf32, #tpu.memory_space<vmem>>, vector<1x16xf32>,
      %swap3A_168 = vector.shape_cast %swap3A_167 : vector<1x16xf32> to vector<16xf32>
      %swap3A_169 = vector.shape_cast %broadcast_in_dim3A_29 : vector<16xf32> to vector<1x16xf32>
      tpu.vector_store %arg11[%swap3A, %swap3A_166], %swap3A_169 {strides = array<i32>} : memref<128x128xf32, #tpu.memory_space<vmem>>, vector<1x16xf32>,
      %swap3A_170 = arith.index_cast %scan3A_165 : i32 to index
      %swap3A_171 = arith.constant 16 : index
      %swap3A_172 = tpu.vector_load %arg11[%swap3A_170, %swap3A_171] {strides = array<i32>} : memref<128x128xf32, #tpu.memory_space<vmem>>, vector<1x16xf32>,
      %swap3A_173 = vector.shape_cast %swap3A_172 : vector<1x16xf32> to vector<16xf32>
      %swap3A_174 = vector.shape_cast %broadcast_in_dim3A_29 : vector<16xf32> to vector<1x16xf32>
      tpu.vector_store %arg11[%swap3A_170, %swap3A_171], %swap3A_174 {strides = array<i32>} : memref<128x128xf32, #tpu.memory_space<vmem>>, vector<1x16xf32>,
      %swap3A_175 = arith.index_cast %scan3A_165 : i32 to index
      %swap3A_176 = arith.constant 32 : index
      %swap3A_177 = tpu.vector_load %arg11[%swap3A_175, %swap3A_176] {strides = array<i32>} : memref<128x128xf32, #tpu.memory_space<vmem>>, vector<1x16xf32>,
      %swap3A_178 = vector.shape_cast %swap3A_177 : vector<1x16xf32> to vector<16xf32>
      %swap3A_179 = vector.shape_cast %broadcast_in_dim3A_29 : vector<16xf32> to vector<1x16xf32>
      tpu.vector_store %arg11[%swap3A_175, %swap3A_176], %swap3A_179 {strides = array<i32>} : memref<128x128xf32, #tpu.memory_space<vmem>>, vector<1x16xf32>,
      %swap3A_180 = arith.index_cast %scan3A_165 : i32 to index
      %swap3A_181 = arith.constant 48 : index
      %swap3A_182 = tpu.vector_load %arg11[%swap3A_180, %swap3A_181] {strides = array<i32>} : memref<128x128xf32, #tpu.memory_space<vmem>>, vector<1x16xf32>,
      %swap3A_183 = vector.shape_cast %swap3A_182 : vector<1x16xf32> to vector<16xf32>
      %swap3A_184 = vector.shape_cast %broadcast_in_dim3A_29 : vector<16xf32> to vector<1x16xf32>
      tpu.vector_store %arg11[%swap3A_180, %swap3A_181], %swap3A_184 {strides = array<i32>} : memref<128x128xf32, #tpu.memory_space<vmem>>, vector<1x16xf32>,
      %swap3A_185 = arith.index_cast %scan3A_165 : i32 to index
      %swap3A_186 = arith.constant 64 : index
      %swap3A_187 = tpu.vector_load %arg11[%swap3A_185, %swap3A_186] {strides = array<i32>} : memref<128x128xf32, #tpu.memory_space<vmem>>, vector<1x16xf32>,
      %swap3A_188 = vector.shape_cast %swap3A_187 : vector<1x16xf32> to vector<16xf32>
      %swap3A_189 = vector.shape_cast %broadcast_in_dim3A_29 : vector<16xf32> to vector<1x16xf32>
      tpu.vector_store %arg11[%swap3A_185, %swap3A_186], %swap3A_189 {strides = array<i32>} : memref<128x128xf32, #tpu.memory_space<vmem>>, vector<1x16xf32>,
      %swap3A_190 = arith.index_cast %scan3A_165 : i32 to index
      %swap3A_191 = arith.constant 80 : index
      %swap3A_192 = tpu.vector_load %arg11[%swap3A_190, %swap3A_191] {strides = array<i32>} : memref<128x128xf32, #tpu.memory_space<vmem>>, vector<1x16xf32>,
      %swap3A_193 = vector.shape_cast %swap3A_192 : vector<1x16xf32> to vector<16xf32>
      %swap3A_194 = vector.shape_cast %broadcast_in_dim3A_29 : vector<16xf32> to vector<1x16xf32>
      tpu.vector_store %arg11[%swap3A_190, %swap3A_191], %swap3A_194 {strides = array<i32>} : memref<128x128xf32, #tpu.memory_space<vmem>>, vector<1x16xf32>,
      %swap3A_195 = arith.index_cast %scan3A_165 : i32 to index
      %swap3A_196 = arith.constant 96 : index
      %swap3A_197 = tpu.vector_load %arg11[%swap3A_195, %swap3A_196] {strides = array<i32>} : memref<128x128xf32, #tpu.memory_space<vmem>>, vector<1x16xf32>,
      %swap3A_198 = vector.shape_cast %swap3A_197 : vector<1x16xf32> to vector<16xf32>
      %swap3A_199 = vector.shape_cast %broadcast_in_dim3A_29 : vector<16xf32> to vector<1x16xf32>
      tpu.vector_store %arg11[%swap3A_195, %swap3A_196], %swap3A_199 {strides = array<i32>} : memref<128x128xf32, #tpu.memory_space<vmem>>, vector<1x16xf32>,
      %swap3A_200 = arith.index_cast %scan3A_165 : i32 to index
      %swap3A_201 = arith.constant 112 : index
      %swap3A_202 = tpu.vector_load %arg11[%swap3A_200, %swap3A_201] {strides = array<i32>} : memref<128x128xf32, #tpu.memory_space<vmem>>, vector<1x16xf32>,
      %swap3A_203 = vector.shape_cast %swap3A_202 : vector<1x16xf32> to vector<16xf32>
      %swap3A_204 = vector.shape_cast %broadcast_in_dim3A_29 : vector<16xf32> to vector<1x16xf32>
      tpu.vector_store %arg11[%swap3A_200, %swap3A_201], %swap3A_204 {strides = array<i32>} : memref<128x128xf32, #tpu.memory_space<vmem>>, vector<1x16xf32>,
    }
    %scan3A_34 = arith.constant 128 : i32
    %add3A_35 = arith.constant 0 : i32
    %add3A_36 = arith.addi %mul3A_0, %add3A_35 : i32
    "tpu.region"() ({
      %run_scoped3A = tpu.sem_alloc : memref<!tpu.dma_semaphore, #tpu.memory_space<semaphore_mem>>
      %dma_start3A_165 = arith.constant 0 : i32
      %dma_start3A_166 = tpu.memref_slice %arg6[%add3A_36, %dma_start3A_165] : memref<10112x128xf32, #tpu.memory_space<vmem_shared>> -> memref<128x128xf32, #tpu.memory_space<vmem_shared>>
      %dma_start3A_167 = arith.constant 0 : i32
      %dma_start3A_168 = tpu.memref_slice %arg6[%add3A_36, %dma_start3A_167] : memref<10112x128xf32, #tpu.memory_space<vmem_shared>> -> memref<128x128xf32, #tpu.memory_space<vmem_shared>>
      tpu.enqueue_dma source(%arg11 : memref<128x128xf32, #tpu.memory_space<vmem>>) target(%dma_start3A_168 : memref<128x128xf32, #tpu.memory_space<vmem_shared>>) target_semaphore(%run_scoped3A : memref<!tpu.dma_semaphore, #tpu.memory_space<semaphore_mem>>)
      %dma_wait3A_169 = arith.constant 0 : i32
      %dma_wait3A_170 = tpu.memref_slice %arg6[%add3A_36, %dma_wait3A_169] : memref<10112x128xf32, #tpu.memory_space<vmem_shared>> -> memref<128x128xf32, #tpu.memory_space<vmem_shared>>
      %dma_wait3A_171 = arith.constant 0 : i32
      %dma_wait3A_172 = tpu.memref_slice %arg6[%add3A_36, %dma_wait3A_171] : memref<10112x128xf32, #tpu.memory_space<vmem_shared>> -> memref<128x128xf32, #tpu.memory_space<vmem_shared>>
      tpu.wait_dma2 semaphore(%run_scoped3A : memref<!tpu.dma_semaphore, #tpu.memory_space<semaphore_mem>>) src(%arg11 : memref<128x128xf32, #tpu.memory_space<vmem>>) dst(%dma_wait3A_172 : memref<128x128xf32, #tpu.memory_space<vmem_shared>>)
      tpu.yield
    }) : () -> ()
    %add3A_37 = arith.constant 128 : i32
    %add3A_38 = arith.addi %mul3A_0, %add3A_37 : i32
    "tpu.region"() ({
      %run_scoped3A = tpu.sem_alloc : memref<!tpu.dma_semaphore, #tpu.memory_space<semaphore_mem>>
      %dma_start3A_165 = arith.constant 0 : i32
      %dma_start3A_166 = tpu.memref_slice %arg6[%add3A_38, %dma_start3A_165] : memref<10112x128xf32, #tpu.memory_space<vmem_shared>> -> memref<128x128xf32, #tpu.memory_space<vmem_shared>>
      %dma_start3A_167 = arith.constant 0 : i32
      %dma_start3A_168 = tpu.memref_slice %arg6[%add3A_38, %dma_start3A_167] : memref<10112x128xf32, #tpu.memory_space<vmem_shared>> -> memref<128x128xf32, #tpu.memory_space<vmem_shared>>
      tpu.enqueue_dma source(%arg11 : memref<128x128xf32, #tpu.memory_space<vmem>>) target(%dma_start3A_168 : memref<128x128xf32, #tpu.memory_space<vmem_shared>>) target_semaphore(%run_scoped3A : memref<!tpu.dma_semaphore, #tpu.memory_space<semaphore_mem>>)
      %dma_wait3A_169 = arith.constant 0 : i32
      %dma_wait3A_170 = tpu.memref_slice %arg6[%add3A_38, %dma_wait3A_169] : memref<10112x128xf32, #tpu.memory_space<vmem_shared>> -> memref<128x128xf32, #tpu.memory_space<vmem_shared>>
      %dma_wait3A_171 = arith.constant 0 : i32
      %dma_wait3A_172 = tpu.memref_slice %arg6[%add3A_38, %dma_wait3A_171] : memref<10112x128xf32, #tpu.memory_space<vmem_shared>> -> memref<128x128xf32, #tpu.memory_space<vmem_shared>>
      tpu.wait_dma2 semaphore(%run_scoped3A : memref<!tpu.dma_semaphore, #tpu.memory_space<semaphore_mem>>) src(%arg11 : memref<128x128xf32, #tpu.memory_space<vmem>>) dst(%dma_wait3A_172 : memref<128x128xf32, #tpu.memory_space<vmem_shared>>)
      tpu.yield
    }) : () -> ()
    %add3A_39 = arith.constant 256 : i32
    %add3A_40 = arith.addi %mul3A_0, %add3A_39 : i32
    "tpu.region"() ({
      %run_scoped3A = tpu.sem_alloc : memref<!tpu.dma_semaphore, #tpu.memory_space<semaphore_mem>>
      %dma_start3A_165 = arith.constant 0 : i32
      %dma_start3A_166 = tpu.memref_slice %arg6[%add3A_40, %dma_start3A_165] : memref<10112x128xf32, #tpu.memory_space<vmem_shared>> -> memref<128x128xf32, #tpu.memory_space<vmem_shared>>
      %dma_start3A_167 = arith.constant 0 : i32
      %dma_start3A_168 = tpu.memref_slice %arg6[%add3A_40, %dma_start3A_167] : memref<10112x128xf32, #tpu.memory_space<vmem_shared>> -> memref<128x128xf32, #tpu.memory_space<vmem_shared>>
      tpu.enqueue_dma source(%arg11 : memref<128x128xf32, #tpu.memory_space<vmem>>) target(%dma_start3A_168 : memref<128x128xf32, #tpu.memory_space<vmem_shared>>) target_semaphore(%run_scoped3A : memref<!tpu.dma_semaphore, #tpu.memory_space<semaphore_mem>>)
      %dma_wait3A_169 = arith.constant 0 : i32
      %dma_wait3A_170 = tpu.memref_slice %arg6[%add3A_40, %dma_wait3A_169] : memref<10112x128xf32, #tpu.memory_space<vmem_shared>> -> memref<128x128xf32, #tpu.memory_space<vmem_shared>>
      %dma_wait3A_171 = arith.constant 0 : i32
      %dma_wait3A_172 = tpu.memref_slice %arg6[%add3A_40, %dma_wait3A_171] : memref<10112x128xf32, #tpu.memory_space<vmem_shared>> -> memref<128x128xf32, #tpu.memory_space<vmem_shared>>
      tpu.wait_dma2 semaphore(%run_scoped3A : memref<!tpu.dma_semaphore, #tpu.memory_space<semaphore_mem>>) src(%arg11 : memref<128x128xf32, #tpu.memory_space<vmem>>) dst(%dma_wait3A_172 : memref<128x128xf32, #tpu.memory_space<vmem_shared>>)
      tpu.yield
    }) : () -> ()
    %add3A_41 = arith.constant 384 : i32
    %add3A_42 = arith.addi %mul3A_0, %add3A_41 : i32
    "tpu.region"() ({
      %run_scoped3A = tpu.sem_alloc : memref<!tpu.dma_semaphore, #tpu.memory_space<semaphore_mem>>
      %dma_start3A_165 = arith.constant 0 : i32
      %dma_start3A_166 = tpu.memref_slice %arg6[%add3A_42, %dma_start3A_165] : memref<10112x128xf32, #tpu.memory_space<vmem_shared>> -> memref<128x128xf32, #tpu.memory_space<vmem_shared>>
      %dma_start3A_167 = arith.constant 0 : i32
      %dma_start3A_168 = tpu.memref_slice %arg6[%add3A_42, %dma_start3A_167] : memref<10112x128xf32, #tpu.memory_space<vmem_shared>> -> memref<128x128xf32, #tpu.memory_space<vmem_shared>>
      tpu.enqueue_dma source(%arg11 : memref<128x128xf32, #tpu.memory_space<vmem>>) target(%dma_start3A_168 : memref<128x128xf32, #tpu.memory_space<vmem_shared>>) target_semaphore(%run_scoped3A : memref<!tpu.dma_semaphore, #tpu.memory_space<semaphore_mem>>)
      %dma_wait3A_169 = arith.constant 0 : i32
      %dma_wait3A_170 = tpu.memref_slice %arg6[%add3A_42, %dma_wait3A_169] : memref<10112x128xf32, #tpu.memory_space<vmem_shared>> -> memref<128x128xf32, #tpu.memory_space<vmem_shared>>
      %dma_wait3A_171 = arith.constant 0 : i32
      %dma_wait3A_172 = tpu.memref_slice %arg6[%add3A_42, %dma_wait3A_171] : memref<10112x128xf32, #tpu.memory_space<vmem_shared>> -> memref<128x128xf32, #tpu.memory_space<vmem_shared>>
      tpu.wait_dma2 semaphore(%run_scoped3A : memref<!tpu.dma_semaphore, #tpu.memory_space<semaphore_mem>>) src(%arg11 : memref<128x128xf32, #tpu.memory_space<vmem>>) dst(%dma_wait3A_172 : memref<128x128xf32, #tpu.memory_space<vmem_shared>>)
      tpu.yield
    }) : () -> ()
    %add3A_43 = arith.constant 512 : i32
    %add3A_44 = arith.addi %mul3A_0, %add3A_43 : i32
    "tpu.region"() ({
      %run_scoped3A = tpu.sem_alloc : memref<!tpu.dma_semaphore, #tpu.memory_space<semaphore_mem>>
      %dma_start3A_165 = arith.constant 0 : i32
      %dma_start3A_166 = arith.constant 0 : i32
      %dma_start3A_167 = tpu.memref_slice %arg11[%dma_start3A_165, %dma_start3A_166] : memref<128x128xf32, #tpu.memory_space<vmem>> -> memref<120x128xf32, #tpu.memory_space<vmem>>
      %dma_start3A_168 = arith.constant 0 : i32
      %dma_start3A_169 = tpu.memref_slice %arg6[%add3A_44, %dma_start3A_168] : memref<10112x128xf32, #tpu.memory_space<vmem_shared>> -> memref<120x128xf32, #tpu.memory_space<vmem_shared>>
      %dma_start3A_170 = arith.constant 0 : i32
      %dma_start3A_171 = tpu.memref_slice %arg6[%add3A_44, %dma_start3A_170] : memref<10112x128xf32, #tpu.memory_space<vmem_shared>> -> memref<120x128xf32, #tpu.memory_space<vmem_shared>>
      %dma_start3A_172 = arith.constant 0 : i32
      %dma_start3A_173 = arith.constant 0 : i32
      %dma_start3A_174 = tpu.memref_slice %arg11[%dma_start3A_172, %dma_start3A_173] : memref<128x128xf32, #tpu.memory_space<vmem>> -> memref<120x128xf32, #tpu.memory_space<vmem>>
      tpu.enqueue_dma source(%dma_start3A_174 : memref<120x128xf32, #tpu.memory_space<vmem>>) target(%dma_start3A_171 : memref<120x128xf32, #tpu.memory_space<vmem_shared>>) target_semaphore(%run_scoped3A : memref<!tpu.dma_semaphore, #tpu.memory_space<semaphore_mem>>)
      %dma_wait3A_175 = arith.constant 0 : i32
      %dma_wait3A_176 = arith.constant 0 : i32
      %dma_wait3A_177 = tpu.memref_slice %arg11[%dma_wait3A_175, %dma_wait3A_176] : memref<128x128xf32, #tpu.memory_space<vmem>> -> memref<120x128xf32, #tpu.memory_space<vmem>>
      %dma_wait3A_178 = arith.constant 0 : i32
      %dma_wait3A_179 = tpu.memref_slice %arg6[%add3A_44, %dma_wait3A_178] : memref<10112x128xf32, #tpu.memory_space<vmem_shared>> -> memref<120x128xf32, #tpu.memory_space<vmem_shared>>
      %dma_wait3A_180 = arith.constant 0 : i32
      %dma_wait3A_181 = tpu.memref_slice %arg6[%add3A_44, %dma_wait3A_180] : memref<10112x128xf32, #tpu.memory_space<vmem_shared>> -> memref<120x128xf32, #tpu.memory_space<vmem_shared>>
      %dma_wait3A_182 = arith.constant 0 : i32
      %dma_wait3A_183 = arith.constant 0 : i32
      %dma_wait3A_184 = tpu.memref_slice %arg11[%dma_wait3A_182, %dma_wait3A_183] : memref<128x128xf32, #tpu.memory_space<vmem>> -> memref<120x128xf32, #tpu.memory_space<vmem>>
      tpu.wait_dma2 semaphore(%run_scoped3A : memref<!tpu.dma_semaphore, #tpu.memory_space<semaphore_mem>>) src(%dma_wait3A_184 : memref<120x128xf32, #tpu.memory_space<vmem>>) dst(%dma_wait3A_181 : memref<120x128xf32, #tpu.memory_space<vmem_shared>>)
      tpu.yield
    }) : () -> ()
    %barrier3A = arith.constant 0 : index
    tpu.barrier barrier_id(%barrier3A)
    %add3A_45 = arith.constant 0 : i32
    %add3A_46 = arith.addi %select_n3A_10, %add3A_45 : i32
    %dma_start3A = arith.constant 0 : i32
    %dma_start3A_47 = tpu.memref_slice %arg3[%add3A_46, %dma_start3A] : memref<2560x128xi32, #tpu.memory_space<hbm>> -> memref<1x128xi32, #tpu.memory_space<hbm>>
    %dma_start3A_48 = tpu.memref_squeeze %dma_start3A_47 : memref<1x128xi32, #tpu.memory_space<hbm>> -> memref<128xi32, #tpu.memory_space<hbm>>
    %dma_start3A_49 = arith.constant 0 : i32
    %dma_start3A_50 = tpu.memref_slice %arg3[%add3A_46, %dma_start3A_49] : memref<2560x128xi32, #tpu.memory_space<hbm>> -> memref<1x128xi32, #tpu.memory_space<hbm>>
    %dma_start3A_51 = tpu.memref_squeeze %dma_start3A_50 : memref<1x128xi32, #tpu.memory_space<hbm>> -> memref<128xi32, #tpu.memory_space<hbm>>
    tpu.enqueue_dma source(%dma_start3A_51 : memref<128xi32, #tpu.memory_space<hbm>>) target(%arg7 : memref<128xi32, #tpu.memory_space<vmem>>) target_semaphore(%arg13 : memref<!tpu.dma_semaphore, #tpu.memory_space<semaphore_mem>>)
    %add3A_52 = arith.constant 0 : i32
    %add3A_53 = arith.addi %select_n3A_10, %add3A_52 : i32
    %dma_start3A_54 = arith.constant 0 : i32
    %dma_start3A_55 = tpu.memref_slice %arg4[%add3A_53, %dma_start3A_54] : memref<2560x128xi32, #tpu.memory_space<hbm>> -> memref<1x128xi32, #tpu.memory_space<hbm>>
    %dma_start3A_56 = tpu.memref_squeeze %dma_start3A_55 : memref<1x128xi32, #tpu.memory_space<hbm>> -> memref<128xi32, #tpu.memory_space<hbm>>
    %dma_start3A_57 = arith.constant 0 : i32
    %dma_start3A_58 = tpu.memref_slice %arg4[%add3A_53, %dma_start3A_57] : memref<2560x128xi32, #tpu.memory_space<hbm>> -> memref<1x128xi32, #tpu.memory_space<hbm>>
    %dma_start3A_59 = tpu.memref_squeeze %dma_start3A_58 : memref<1x128xi32, #tpu.memory_space<hbm>> -> memref<128xi32, #tpu.memory_space<hbm>>
    tpu.enqueue_dma source(%dma_start3A_59 : memref<128xi32, #tpu.memory_space<hbm>>) target(%arg9 : memref<128xi32, #tpu.memory_space<vmem>>) target_semaphore(%arg13 : memref<!tpu.dma_semaphore, #tpu.memory_space<semaphore_mem>>)
    %add3A_60 = arith.constant 1 : i32
    %add3A_61 = arith.addi %select_n3A_10, %add3A_60 : i32
    %dma_start3A_62 = arith.constant 0 : i32
    %dma_start3A_63 = tpu.memref_slice %arg3[%add3A_61, %dma_start3A_62] : memref<2560x128xi32, #tpu.memory_space<hbm>> -> memref<1x128xi32, #tpu.memory_space<hbm>>
    %dma_start3A_64 = tpu.memref_squeeze %dma_start3A_63 : memref<1x128xi32, #tpu.memory_space<hbm>> -> memref<128xi32, #tpu.memory_space<hbm>>
    %dma_start3A_65 = arith.constant 0 : i32
    %dma_start3A_66 = tpu.memref_slice %arg3[%add3A_61, %dma_start3A_65] : memref<2560x128xi32, #tpu.memory_space<hbm>> -> memref<1x128xi32, #tpu.memory_space<hbm>>
    %dma_start3A_67 = tpu.memref_squeeze %dma_start3A_66 : memref<1x128xi32, #tpu.memory_space<hbm>> -> memref<128xi32, #tpu.memory_space<hbm>>
    tpu.enqueue_dma source(%dma_start3A_67 : memref<128xi32, #tpu.memory_space<hbm>>) target(%arg8 : memref<128xi32, #tpu.memory_space<vmem>>) target_semaphore(%arg14 : memref<!tpu.dma_semaphore, #tpu.memory_space<semaphore_mem>>)
    %add3A_68 = arith.constant 1 : i32
    %add3A_69 = arith.addi %select_n3A_10, %add3A_68 : i32
    %dma_start3A_70 = arith.constant 0 : i32
    %dma_start3A_71 = tpu.memref_slice %arg4[%add3A_69, %dma_start3A_70] : memref<2560x128xi32, #tpu.memory_space<hbm>> -> memref<1x128xi32, #tpu.memory_space<hbm>>
    %dma_start3A_72 = tpu.memref_squeeze %dma_start3A_71 : memref<1x128xi32, #tpu.memory_space<hbm>> -> memref<128xi32, #tpu.memory_space<hbm>>
    %dma_start3A_73 = arith.constant 0 : i32
    %dma_start3A_74 = tpu.memref_slice %arg4[%add3A_69, %dma_start3A_73] : memref<2560x128xi32, #tpu.memory_space<hbm>> -> memref<1x128xi32, #tpu.memory_space<hbm>>
    %dma_start3A_75 = tpu.memref_squeeze %dma_start3A_74 : memref<1x128xi32, #tpu.memory_space<hbm>> -> memref<128xi32, #tpu.memory_space<hbm>>
    tpu.enqueue_dma source(%dma_start3A_75 : memref<128xi32, #tpu.memory_space<hbm>>) target(%arg10 : memref<128xi32, #tpu.memory_space<vmem>>) target_semaphore(%arg14 : memref<!tpu.dma_semaphore, #tpu.memory_space<semaphore_mem>>)
    %add3A_76 = arith.constant 0 : i32
    %add3A_77 = arith.addi %select_n3A_10, %add3A_76 : i32
    %dma_wait3A = arith.constant 0 : i32
    %dma_wait3A_78 = tpu.memref_slice %arg3[%add3A_77, %dma_wait3A] : memref<2560x128xi32, #tpu.memory_space<hbm>> -> memref<1x128xi32, #tpu.memory_space<hbm>>
    %dma_wait3A_79 = tpu.memref_squeeze %dma_wait3A_78 : memref<1x128xi32, #tpu.memory_space<hbm>> -> memref<128xi32, #tpu.memory_space<hbm>>
    %dma_wait3A_80 = arith.constant 0 : i32
    %dma_wait3A_81 = tpu.memref_slice %arg3[%add3A_77, %dma_wait3A_80] : memref<2560x128xi32, #tpu.memory_space<hbm>> -> memref<1x128xi32, #tpu.memory_space<hbm>>
    %dma_wait3A_82 = tpu.memref_squeeze %dma_wait3A_81 : memref<1x128xi32, #tpu.memory_space<hbm>> -> memref<128xi32, #tpu.memory_space<hbm>>
    tpu.wait_dma2 semaphore(%arg13 : memref<!tpu.dma_semaphore, #tpu.memory_space<semaphore_mem>>) src(%dma_wait3A_82 : memref<128xi32, #tpu.memory_space<hbm>>) dst(%arg7 : memref<128xi32, #tpu.memory_space<vmem>>)
    %add3A_83 = arith.constant 0 : i32
    %add3A_84 = arith.addi %select_n3A_10, %add3A_83 : i32
    %dma_wait3A_85 = arith.constant 0 : i32
    %dma_wait3A_86 = tpu.memref_slice %arg4[%add3A_84, %dma_wait3A_85] : memref<2560x128xi32, #tpu.memory_space<hbm>> -> memref<1x128xi32, #tpu.memory_space<hbm>>
    %dma_wait3A_87 = tpu.memref_squeeze %dma_wait3A_86 : memref<1x128xi32, #tpu.memory_space<hbm>> -> memref<128xi32, #tpu.memory_space<hbm>>
    %dma_wait3A_88 = arith.constant 0 : i32
    %dma_wait3A_89 = tpu.memref_slice %arg4[%add3A_84, %dma_wait3A_88] : memref<2560x128xi32, #tpu.memory_space<hbm>> -> memref<1x128xi32, #tpu.memory_space<hbm>>
    %dma_wait3A_90 = tpu.memref_squeeze %dma_wait3A_89 : memref<1x128xi32, #tpu.memory_space<hbm>> -> memref<128xi32, #tpu.memory_space<hbm>>
    tpu.wait_dma2 semaphore(%arg13 : memref<!tpu.dma_semaphore, #tpu.memory_space<semaphore_mem>>) src(%dma_wait3A_90 : memref<128xi32, #tpu.memory_space<hbm>>) dst(%arg9 : memref<128xi32, #tpu.memory_space<vmem>>)
    %dma_start3A_91 = arith.constant 0 : i32
    %dma_start3A_92 = arith.constant 0 : i32
    %dma_start3A_93 = tpu.memref_slice %arg2[%dma_start3A_91, %dma_start3A_92] : memref<10000x128xf32, #tpu.memory_space<hbm>> -> memref<10000x128xf32, #tpu.memory_space<hbm>>
    tpu.enqueue_indirect_dma source(%dma_start3A_93 : memref<10000x128xf32, #tpu.memory_space<hbm>>) target(%arg11 : memref<128x128xf32, #tpu.memory_space<vmem>>) offsets(%arg7 : memref<128xi32, #tpu.memory_space<vmem>>) semaphore(%arg15 : memref<!tpu.dma_semaphore, #tpu.memory_space<semaphore_mem>>)
    %add3A_94 = arith.constant 1 : i32
    %add3A_95 = arith.addi %select_n3A_10, %add3A_94 : i32
    %dma_wait3A_96 = arith.constant 0 : i32
    %dma_wait3A_97 = tpu.memref_slice %arg3[%add3A_95, %dma_wait3A_96] : memref<2560x128xi32, #tpu.memory_space<hbm>> -> memref<1x128xi32, #tpu.memory_space<hbm>>
    %dma_wait3A_98 = tpu.memref_squeeze %dma_wait3A_97 : memref<1x128xi32, #tpu.memory_space<hbm>> -> memref<128xi32, #tpu.memory_space<hbm>>
    %dma_wait3A_99 = arith.constant 0 : i32
    %dma_wait3A_100 = tpu.memref_slice %arg3[%add3A_95, %dma_wait3A_99] : memref<2560x128xi32, #tpu.memory_space<hbm>> -> memref<1x128xi32, #tpu.memory_space<hbm>>
    %dma_wait3A_101 = tpu.memref_squeeze %dma_wait3A_100 : memref<1x128xi32, #tpu.memory_space<hbm>> -> memref<128xi32, #tpu.memory_space<hbm>>
    tpu.wait_dma2 semaphore(%arg14 : memref<!tpu.dma_semaphore, #tpu.memory_space<semaphore_mem>>) src(%dma_wait3A_101 : memref<128xi32, #tpu.memory_space<hbm>>) dst(%arg8 : memref<128xi32, #tpu.memory_space<vmem>>)
    %add3A_102 = arith.constant 1 : i32
    %add3A_103 = arith.addi %select_n3A_10, %add3A_102 : i32
    %dma_wait3A_104 = arith.constant 0 : i32
    %dma_wait3A_105 = tpu.memref_slice %arg4[%add3A_103, %dma_wait3A_104] : memref<2560x128xi32, #tpu.memory_space<hbm>> -> memref<1x128xi32, #tpu.memory_space<hbm>>
    %dma_wait3A_106 = tpu.memref_squeeze %dma_wait3A_105 : memref<1x128xi32, #tpu.memory_space<hbm>> -> memref<128xi32, #tpu.memory_space<hbm>>
    %dma_wait3A_107 = arith.constant 0 : i32
    %dma_wait3A_108 = tpu.memref_slice %arg4[%add3A_103, %dma_wait3A_107] : memref<2560x128xi32, #tpu.memory_space<hbm>> -> memref<1x128xi32, #tpu.memory_space<hbm>>
    %dma_wait3A_109 = tpu.memref_squeeze %dma_wait3A_108 : memref<1x128xi32, #tpu.memory_space<hbm>> -> memref<128xi32, #tpu.memory_space<hbm>>
    tpu.wait_dma2 semaphore(%arg14 : memref<!tpu.dma_semaphore, #tpu.memory_space<semaphore_mem>>) src(%dma_wait3A_109 : memref<128xi32, #tpu.memory_space<hbm>>) dst(%arg10 : memref<128xi32, #tpu.memory_space<vmem>>)
    %dma_start3A_110 = arith.constant 0 : i32
    %dma_start3A_111 = arith.constant 0 : i32
    %dma_start3A_112 = tpu.memref_slice %arg2[%dma_start3A_110, %dma_start3A_111] : memref<10000x128xf32, #tpu.memory_space<hbm>> -> memref<10000x128xf32, #tpu.memory_space<hbm>>
    tpu.enqueue_indirect_dma source(%dma_start3A_112 : memref<10000x128xf32, #tpu.memory_space<hbm>>) target(%arg12 : memref<128x128xf32, #tpu.memory_space<vmem>>) offsets(%arg8 : memref<128xi32, #tpu.memory_space<vmem>>) semaphore(%arg16 : memref<!tpu.dma_semaphore, #tpu.memory_space<semaphore_mem>>)
    %sub3A_113 = arith.constant 1 : i32
    %sub3A_114 = arith.subi %select_n3A_28, %sub3A_113 : i32
    %while3A = arith.constant 0 : i32
    %while3A_115 = arith.constant 0 : i32
    %while3A_116 = arith.subi %sub3A_114, %while3A_115 : i32
    %while3A_117 = arith.addi %while3A_115, %while3A_116 : i32
    %while3A_118 = arith.constant 1 : i32
    %while3A_119 = arith.divsi %while3A_116, %while3A_118 : i32
    %while3A_120 = arith.muli %while3A_119, %while3A_118 : i32
    %while3A_121 = arith.addi %while3A_115, %while3A_120 : i32
    %while3A_122 = arith.constant 1 : i32
    scf.for %while3A_165 = %while3A_115 to %while3A_121 step %while3A_122  : i32 {
      %mul3A_166 = arith.constant 2 : i32
      %mul3A_167 = arith.muli %mul3A_166, %while3A_165 : i32
      %add3A_168 = arith.constant 0 : i32
      %add3A_169 = arith.addi %mul3A_167, %add3A_168 : i32
      %dma_wait3A_170 = arith.constant 0 : i32
      %dma_wait3A_171 = arith.constant 0 : i32
      %dma_wait3A_172 = tpu.memref_slice %arg2[%dma_wait3A_170, %dma_wait3A_171] : memref<10000x128xf32, #tpu.memory_space<hbm>> -> memref<10000x128xf32, #tpu.memory_space<hbm>>
      tpu.wait_indirect_dma semaphore(%arg15 : memref<!tpu.dma_semaphore, #tpu.memory_space<semaphore_mem>>) src(%dma_wait3A_172 : memref<10000x128xf32, #tpu.memory_space<hbm>>) dst(%arg11 : memref<128x128xf32, #tpu.memory_space<vmem>>)
      %dma_start3A_173 = arith.constant 0 : i32
      %dma_start3A_174 = arith.constant 0 : i32
      %dma_start3A_175 = tpu.memref_slice %arg6[%dma_start3A_173, %dma_start3A_174] : memref<10112x128xf32, #tpu.memory_space<vmem_shared>> -> memref<10112x128xf32, #tpu.memory_space<vmem_shared>>
      tpu.enqueue_indirect_dma source(%arg11 : memref<128x128xf32, #tpu.memory_space<vmem>>) target(%dma_start3A_175 : memref<10112x128xf32, #tpu.memory_space<vmem_shared>>) offsets(%arg9 : memref<128xi32, #tpu.memory_space<vmem>>) semaphore(%arg17 : memref<!tpu.dma_semaphore, #tpu.memory_space<semaphore_mem>>) {add = true}
      %add3A_176 = arith.addi %select_n3A_10, %add3A_169 : i32
      %add3A_177 = arith.constant 2 : i32
      %add3A_178 = arith.addi %add3A_176, %add3A_177 : i32
      %dma_start3A_179 = arith.constant 0 : i32
      %dma_start3A_180 = tpu.memref_slice %arg3[%add3A_178, %dma_start3A_179] : memref<2560x128xi32, #tpu.memory_space<hbm>> -> memref<1x128xi32, #tpu.memory_space<hbm>>
      %dma_start3A_181 = tpu.memref_squeeze %dma_start3A_180 : memref<1x128xi32, #tpu.memory_space<hbm>> -> memref<128xi32, #tpu.memory_space<hbm>>
      %dma_start3A_182 = arith.constant 0 : i32
      %dma_start3A_183 = tpu.memref_slice %arg3[%add3A_178, %dma_start3A_182] : memref<2560x128xi32, #tpu.memory_space<hbm>> -> memref<1x128xi32, #tpu.memory_space<hbm>>
      %dma_start3A_184 = tpu.memref_squeeze %dma_start3A_183 : memref<1x128xi32, #tpu.memory_space<hbm>> -> memref<128xi32, #tpu.memory_space<hbm>>
      tpu.enqueue_dma source(%dma_start3A_184 : memref<128xi32, #tpu.memory_space<hbm>>) target(%arg7 : memref<128xi32, #tpu.memory_space<vmem>>) target_semaphore(%arg13 : memref<!tpu.dma_semaphore, #tpu.memory_space<semaphore_mem>>)
      %mul3A_185 = arith.constant 2 : i32
      %mul3A_186 = arith.muli %mul3A_185, %while3A_165 : i32
      %add3A_187 = arith.constant 1 : i32
      %add3A_188 = arith.addi %mul3A_186, %add3A_187 : i32
      %dma_wait3A_189 = arith.constant 0 : i32
      %dma_wait3A_190 = arith.constant 0 : i32
      %dma_wait3A_191 = tpu.memref_slice %arg2[%dma_wait3A_189, %dma_wait3A_190] : memref<10000x128xf32, #tpu.memory_space<hbm>> -> memref<10000x128xf32, #tpu.memory_space<hbm>>
      tpu.wait_indirect_dma semaphore(%arg16 : memref<!tpu.dma_semaphore, #tpu.memory_space<semaphore_mem>>) src(%dma_wait3A_191 : memref<10000x128xf32, #tpu.memory_space<hbm>>) dst(%arg12 : memref<128x128xf32, #tpu.memory_space<vmem>>)
      %dma_start3A_192 = arith.constant 0 : i32
      %dma_start3A_193 = arith.constant 0 : i32
      %dma_start3A_194 = tpu.memref_slice %arg6[%dma_start3A_192, %dma_start3A_193] : memref<10112x128xf32, #tpu.memory_space<vmem_shared>> -> memref<10112x128xf32, #tpu.memory_space<vmem_shared>>
      tpu.enqueue_indirect_dma source(%arg12 : memref<128x128xf32, #tpu.memory_space<vmem>>) target(%dma_start3A_194 : memref<10112x128xf32, #tpu.memory_space<vmem_shared>>) offsets(%arg10 : memref<128xi32, #tpu.memory_space<vmem>>) semaphore(%arg18 : memref<!tpu.dma_semaphore, #tpu.memory_space<semaphore_mem>>) {add = true}
      %add3A_195 = arith.addi %select_n3A_10, %add3A_188 : i32
      %add3A_196 = arith.constant 2 : i32
      %add3A_197 = arith.addi %add3A_195, %add3A_196 : i32
      %dma_start3A_198 = arith.constant 0 : i32
      %dma_start3A_199 = tpu.memref_slice %arg3[%add3A_197, %dma_start3A_198] : memref<2560x128xi32, #tpu.memory_space<hbm>> -> memref<1x128xi32, #tpu.memory_space<hbm>>
      %dma_start3A_200 = tpu.memref_squeeze %dma_start3A_199 : memref<1x128xi32, #tpu.memory_space<hbm>> -> memref<128xi32, #tpu.memory_space<hbm>>
      %dma_start3A_201 = arith.constant 0 : i32
      %dma_start3A_202 = tpu.memref_slice %arg3[%add3A_197, %dma_start3A_201] : memref<2560x128xi32, #tpu.memory_space<hbm>> -> memref<1x128xi32, #tpu.memory_space<hbm>>
      %dma_start3A_203 = tpu.memref_squeeze %dma_start3A_202 : memref<1x128xi32, #tpu.memory_space<hbm>> -> memref<128xi32, #tpu.memory_space<hbm>>
      tpu.enqueue_dma source(%dma_start3A_203 : memref<128xi32, #tpu.memory_space<hbm>>) target(%arg8 : memref<128xi32, #tpu.memory_space<vmem>>) target_semaphore(%arg14 : memref<!tpu.dma_semaphore, #tpu.memory_space<semaphore_mem>>)
      %add3A_204 = arith.constant 1 : i32
      %add3A_205 = arith.addi %while3A_165, %add3A_204 : i32
      %mul3A_206 = arith.constant 2 : i32
      %mul3A_207 = arith.muli %mul3A_206, %add3A_205 : i32
      %add3A_208 = arith.constant 0 : i32
      %add3A_209 = arith.addi %mul3A_207, %add3A_208 : i32
      %dma_wait3A_210 = arith.constant 0 : i32
      %dma_wait3A_211 = arith.constant 0 : i32
      %dma_wait3A_212 = tpu.memref_slice %arg6[%dma_wait3A_210, %dma_wait3A_211] : memref<10112x128xf32, #tpu.memory_space<vmem_shared>> -> memref<10112x128xf32, #tpu.memory_space<vmem_shared>>
      tpu.wait_indirect_dma semaphore(%arg17 : memref<!tpu.dma_semaphore, #tpu.memory_space<semaphore_mem>>) src(%arg11 : memref<128x128xf32, #tpu.memory_space<vmem>>) dst(%dma_wait3A_212 : memref<10112x128xf32, #tpu.memory_space<vmem_shared>>)
      %add3A_213 = arith.addi %select_n3A_10, %add3A_209 : i32
      %dma_wait3A_214 = arith.constant 0 : i32
      %dma_wait3A_215 = tpu.memref_slice %arg3[%add3A_213, %dma_wait3A_214] : memref<2560x128xi32, #tpu.memory_space<hbm>> -> memref<1x128xi32, #tpu.memory_space<hbm>>
      %dma_wait3A_216 = tpu.memref_squeeze %dma_wait3A_215 : memref<1x128xi32, #tpu.memory_space<hbm>> -> memref<128xi32, #tpu.memory_space<hbm>>
      %dma_wait3A_217 = arith.constant 0 : i32
      %dma_wait3A_218 = tpu.memref_slice %arg3[%add3A_213, %dma_wait3A_217] : memref<2560x128xi32, #tpu.memory_space<hbm>> -> memref<1x128xi32, #tpu.memory_space<hbm>>
      %dma_wait3A_219 = tpu.memref_squeeze %dma_wait3A_218 : memref<1x128xi32, #tpu.memory_space<hbm>> -> memref<128xi32, #tpu.memory_space<hbm>>
      tpu.wait_dma2 semaphore(%arg13 : memref<!tpu.dma_semaphore, #tpu.memory_space<semaphore_mem>>) src(%dma_wait3A_219 : memref<128xi32, #tpu.memory_space<hbm>>) dst(%arg7 : memref<128xi32, #tpu.memory_space<vmem>>)
      %add3A_220 = arith.addi %select_n3A_10, %add3A_209 : i32
      %dma_start3A_221 = arith.constant 0 : i32
      %dma_start3A_222 = tpu.memref_slice %arg4[%add3A_220, %dma_start3A_221] : memref<2560x128xi32, #tpu.memory_space<hbm>> -> memref<1x128xi32, #tpu.memory_space<hbm>>
      %dma_start3A_223 = tpu.memref_squeeze %dma_start3A_222 : memref<1x128xi32, #tpu.memory_space<hbm>> -> memref<128xi32, #tpu.memory_space<hbm>>
      %dma_start3A_224 = arith.constant 0 : i32
      %dma_start3A_225 = tpu.memref_slice %arg4[%add3A_220, %dma_start3A_224] : memref<2560x128xi32, #tpu.memory_space<hbm>> -> memref<1x128xi32, #tpu.memory_space<hbm>>
      %dma_start3A_226 = tpu.memref_squeeze %dma_start3A_225 : memref<1x128xi32, #tpu.memory_space<hbm>> -> memref<128xi32, #tpu.memory_space<hbm>>
      tpu.enqueue_dma source(%dma_start3A_226 : memref<128xi32, #tpu.memory_space<hbm>>) target(%arg9 : memref<128xi32, #tpu.memory_space<vmem>>) target_semaphore(%arg13 : memref<!tpu.dma_semaphore, #tpu.memory_space<semaphore_mem>>)
      %dma_start3A_227 = arith.constant 0 : i32
      %dma_start3A_228 = arith.constant 0 : i32
      %dma_start3A_229 = tpu.memref_slice %arg2[%dma_start3A_227, %dma_start3A_228] : memref<10000x128xf32, #tpu.memory_space<hbm>> -> memref<10000x128xf32, #tpu.memory_space<hbm>>
      tpu.enqueue_indirect_dma source(%dma_start3A_229 : memref<10000x128xf32, #tpu.memory_space<hbm>>) target(%arg11 : memref<128x128xf32, #tpu.memory_space<vmem>>) offsets(%arg7 : memref<128xi32, #tpu.memory_space<vmem>>) semaphore(%arg15 : memref<!tpu.dma_semaphore, #tpu.memory_space<semaphore_mem>>)
      %add3A_230 = arith.addi %select_n3A_10, %add3A_209 : i32
      %dma_wait3A_231 = arith.constant 0 : i32
      %dma_wait3A_232 = tpu.memref_slice %arg4[%add3A_230, %dma_wait3A_231] : memref<2560x128xi32, #tpu.memory_space<hbm>> -> memref<1x128xi32, #tpu.memory_space<hbm>>
      %dma_wait3A_233 = tpu.memref_squeeze %dma_wait3A_232 : memref<1x128xi32, #tpu.memory_space<hbm>> -> memref<128xi32, #tpu.memory_space<hbm>>
      %dma_wait3A_234 = arith.constant 0 : i32
      %dma_wait3A_235 = tpu.memref_slice %arg4[%add3A_230, %dma_wait3A_234] : memref<2560x128xi32, #tpu.memory_space<hbm>> -> memref<1x128xi32, #tpu.memory_space<hbm>>
      %dma_wait3A_236 = tpu.memref_squeeze %dma_wait3A_235 : memref<1x128xi32, #tpu.memory_space<hbm>> -> memref<128xi32, #tpu.memory_space<hbm>>
      tpu.wait_dma2 semaphore(%arg13 : memref<!tpu.dma_semaphore, #tpu.memory_space<semaphore_mem>>) src(%dma_wait3A_236 : memref<128xi32, #tpu.memory_space<hbm>>) dst(%arg9 : memref<128xi32, #tpu.memory_space<vmem>>)
      %add3A_237 = arith.constant 1 : i32
      %add3A_238 = arith.addi %while3A_165, %add3A_237 : i32
      %mul3A_239 = arith.constant 2 : i32
      %mul3A_240 = arith.muli %mul3A_239, %add3A_238 : i32
      %add3A_241 = arith.constant 1 : i32
      %add3A_242 = arith.addi %mul3A_240, %add3A_241 : i32
      %dma_wait3A_243 = arith.constant 0 : i32
      %dma_wait3A_244 = arith.constant 0 : i32
      %dma_wait3A_245 = tpu.memref_slice %arg6[%dma_wait3A_243, %dma_wait3A_244] : memref<10112x128xf32, #tpu.memory_space<vmem_shared>> -> memref<10112x128xf32, #tpu.memory_space<vmem_shared>>
      tpu.wait_indirect_dma semaphore(%arg18 : memref<!tpu.dma_semaphore, #tpu.memory_space<semaphore_mem>>) src(%arg12 : memref<128x128xf32, #tpu.memory_space<vmem>>) dst(%dma_wait3A_245 : memref<10112x128xf32, #tpu.memory_space<vmem_shared>>)
      %add3A_246 = arith.addi %select_n3A_10, %add3A_242 : i32
      %dma_wait3A_247 = arith.constant 0 : i32
      %dma_wait3A_248 = tpu.memref_slice %arg3[%add3A_246, %dma_wait3A_247] : memref<2560x128xi32, #tpu.memory_space<hbm>> -> memref<1x128xi32, #tpu.memory_space<hbm>>
      %dma_wait3A_249 = tpu.memref_squeeze %dma_wait3A_248 : memref<1x128xi32, #tpu.memory_space<hbm>> -> memref<128xi32, #tpu.memory_space<hbm>>
      %dma_wait3A_250 = arith.constant 0 : i32
      %dma_wait3A_251 = tpu.memref_slice %arg3[%add3A_246, %dma_wait3A_250] : memref<2560x128xi32, #tpu.memory_space<hbm>> -> memref<1x128xi32, #tpu.memory_space<hbm>>
      %dma_wait3A_252 = tpu.memref_squeeze %dma_wait3A_251 : memref<1x128xi32, #tpu.memory_space<hbm>> -> memref<128xi32, #tpu.memory_space<hbm>>
      tpu.wait_dma2 semaphore(%arg14 : memref<!tpu.dma_semaphore, #tpu.memory_space<semaphore_mem>>) src(%dma_wait3A_252 : memref<128xi32, #tpu.memory_space<hbm>>) dst(%arg8 : memref<128xi32, #tpu.memory_space<vmem>>)
      %add3A_253 = arith.addi %select_n3A_10, %add3A_242 : i32
      %dma_start3A_254 = arith.constant 0 : i32
      %dma_start3A_255 = tpu.memref_slice %arg4[%add3A_253, %dma_start3A_254] : memref<2560x128xi32, #tpu.memory_space<hbm>> -> memref<1x128xi32, #tpu.memory_space<hbm>>
      %dma_start3A_256 = tpu.memref_squeeze %dma_start3A_255 : memref<1x128xi32, #tpu.memory_space<hbm>> -> memref<128xi32, #tpu.memory_space<hbm>>
      %dma_start3A_257 = arith.constant 0 : i32
      %dma_start3A_258 = tpu.memref_slice %arg4[%add3A_253, %dma_start3A_257] : memref<2560x128xi32, #tpu.memory_space<hbm>> -> memref<1x128xi32, #tpu.memory_space<hbm>>
      %dma_start3A_259 = tpu.memref_squeeze %dma_start3A_258 : memref<1x128xi32, #tpu.memory_space<hbm>> -> memref<128xi32, #tpu.memory_space<hbm>>
      tpu.enqueue_dma source(%dma_start3A_259 : memref<128xi32, #tpu.memory_space<hbm>>) target(%arg10 : memref<128xi32, #tpu.memory_space<vmem>>) target_semaphore(%arg14 : memref<!tpu.dma_semaphore, #tpu.memory_space<semaphore_mem>>)
      %dma_start3A_260 = arith.constant 0 : i32
      %dma_start3A_261 = arith.constant 0 : i32
      %dma_start3A_262 = tpu.memref_slice %arg2[%dma_start3A_260, %dma_start3A_261] : memref<10000x128xf32, #tpu.memory_space<hbm>> -> memref<10000x128xf32, #tpu.memory_space<hbm>>
      tpu.enqueue_indirect_dma source(%dma_start3A_262 : memref<10000x128xf32, #tpu.memory_space<hbm>>) target(%arg12 : memref<128x128xf32, #tpu.memory_space<vmem>>) offsets(%arg8 : memref<128xi32, #tpu.memory_space<vmem>>) semaphore(%arg16 : memref<!tpu.dma_semaphore, #tpu.memory_space<semaphore_mem>>)
      %add3A_263 = arith.addi %select_n3A_10, %add3A_242 : i32
      %dma_wait3A_264 = arith.constant 0 : i32
      %dma_wait3A_265 = tpu.memref_slice %arg4[%add3A_263, %dma_wait3A_264] : memref<2560x128xi32, #tpu.memory_space<hbm>> -> memref<1x128xi32, #tpu.memory_space<hbm>>
      %dma_wait3A_266 = tpu.memref_squeeze %dma_wait3A_265 : memref<1x128xi32, #tpu.memory_space<hbm>> -> memref<128xi32, #tpu.memory_space<hbm>>
      %dma_wait3A_267 = arith.constant 0 : i32
      %dma_wait3A_268 = tpu.memref_slice %arg4[%add3A_263, %dma_wait3A_267] : memref<2560x128xi32, #tpu.memory_space<hbm>> -> memref<1x128xi32, #tpu.memory_space<hbm>>
      %dma_wait3A_269 = tpu.memref_squeeze %dma_wait3A_268 : memref<1x128xi32, #tpu.memory_space<hbm>> -> memref<128xi32, #tpu.memory_space<hbm>>
      tpu.wait_dma2 semaphore(%arg14 : memref<!tpu.dma_semaphore, #tpu.memory_space<semaphore_mem>>) src(%dma_wait3A_269 : memref<128xi32, #tpu.memory_space<hbm>>) dst(%arg10 : memref<128xi32, #tpu.memory_space<vmem>>)
    }
    %while3A_123 = arith.constant 1 : i32
    scf.for %while3A_165 = %while3A_121 to %while3A_117 step %while3A_123  : i32 {
      %mul3A_166 = arith.constant 2 : i32
      %mul3A_167 = arith.muli %mul3A_166, %while3A_165 : i32
      %add3A_168 = arith.constant 0 : i32
      %add3A_169 = arith.addi %mul3A_167, %add3A_168 : i32
      %dma_wait3A_170 = arith.constant 0 : i32
      %dma_wait3A_171 = arith.constant 0 : i32
      %dma_wait3A_172 = tpu.memref_slice %arg2[%dma_wait3A_170, %dma_wait3A_171] : memref<10000x128xf32, #tpu.memory_space<hbm>> -> memref<10000x128xf32, #tpu.memory_space<hbm>>
      tpu.wait_indirect_dma semaphore(%arg15 : memref<!tpu.dma_semaphore, #tpu.memory_space<semaphore_mem>>) src(%dma_wait3A_172 : memref<10000x128xf32, #tpu.memory_space<hbm>>) dst(%arg11 : memref<128x128xf32, #tpu.memory_space<vmem>>)
      %dma_start3A_173 = arith.constant 0 : i32
      %dma_start3A_174 = arith.constant 0 : i32
      %dma_start3A_175 = tpu.memref_slice %arg6[%dma_start3A_173, %dma_start3A_174] : memref<10112x128xf32, #tpu.memory_space<vmem_shared>> -> memref<10112x128xf32, #tpu.memory_space<vmem_shared>>
      tpu.enqueue_indirect_dma source(%arg11 : memref<128x128xf32, #tpu.memory_space<vmem>>) target(%dma_start3A_175 : memref<10112x128xf32, #tpu.memory_space<vmem_shared>>) offsets(%arg9 : memref<128xi32, #tpu.memory_space<vmem>>) semaphore(%arg17 : memref<!tpu.dma_semaphore, #tpu.memory_space<semaphore_mem>>) {add = true}
      %add3A_176 = arith.addi %select_n3A_10, %add3A_169 : i32
      %add3A_177 = arith.constant 2 : i32
      %add3A_178 = arith.addi %add3A_176, %add3A_177 : i32
      %dma_start3A_179 = arith.constant 0 : i32
      %dma_start3A_180 = tpu.memref_slice %arg3[%add3A_178, %dma_start3A_179] : memref<2560x128xi32, #tpu.memory_space<hbm>> -> memref<1x128xi32, #tpu.memory_space<hbm>>
      %dma_start3A_181 = tpu.memref_squeeze %dma_start3A_180 : memref<1x128xi32, #tpu.memory_space<hbm>> -> memref<128xi32, #tpu.memory_space<hbm>>
      %dma_start3A_182 = arith.constant 0 : i32
      %dma_start3A_183 = tpu.memref_slice %arg3[%add3A_178, %dma_start3A_182] : memref<2560x128xi32, #tpu.memory_space<hbm>> -> memref<1x128xi32, #tpu.memory_space<hbm>>
      %dma_start3A_184 = tpu.memref_squeeze %dma_start3A_183 : memref<1x128xi32, #tpu.memory_space<hbm>> -> memref<128xi32, #tpu.memory_space<hbm>>
      tpu.enqueue_dma source(%dma_start3A_184 : memref<128xi32, #tpu.memory_space<hbm>>) target(%arg7 : memref<128xi32, #tpu.memory_space<vmem>>) target_semaphore(%arg13 : memref<!tpu.dma_semaphore, #tpu.memory_space<semaphore_mem>>)
      %mul3A_185 = arith.constant 2 : i32
      %mul3A_186 = arith.muli %mul3A_185, %while3A_165 : i32
      %add3A_187 = arith.constant 1 : i32
      %add3A_188 = arith.addi %mul3A_186, %add3A_187 : i32
      %dma_wait3A_189 = arith.constant 0 : i32
      %dma_wait3A_190 = arith.constant 0 : i32
      %dma_wait3A_191 = tpu.memref_slice %arg2[%dma_wait3A_189, %dma_wait3A_190] : memref<10000x128xf32, #tpu.memory_space<hbm>> -> memref<10000x128xf32, #tpu.memory_space<hbm>>
      tpu.wait_indirect_dma semaphore(%arg16 : memref<!tpu.dma_semaphore, #tpu.memory_space<semaphore_mem>>) src(%dma_wait3A_191 : memref<10000x128xf32, #tpu.memory_space<hbm>>) dst(%arg12 : memref<128x128xf32, #tpu.memory_space<vmem>>)
      %dma_start3A_192 = arith.constant 0 : i32
      %dma_start3A_193 = arith.constant 0 : i32
      %dma_start3A_194 = tpu.memref_slice %arg6[%dma_start3A_192, %dma_start3A_193] : memref<10112x128xf32, #tpu.memory_space<vmem_shared>> -> memref<10112x128xf32, #tpu.memory_space<vmem_shared>>
      tpu.enqueue_indirect_dma source(%arg12 : memref<128x128xf32, #tpu.memory_space<vmem>>) target(%dma_start3A_194 : memref<10112x128xf32, #tpu.memory_space<vmem_shared>>) offsets(%arg10 : memref<128xi32, #tpu.memory_space<vmem>>) semaphore(%arg18 : memref<!tpu.dma_semaphore, #tpu.memory_space<semaphore_mem>>) {add = true}
      %add3A_195 = arith.addi %select_n3A_10, %add3A_188 : i32
      %add3A_196 = arith.constant 2 : i32
      %add3A_197 = arith.addi %add3A_195, %add3A_196 : i32
      %dma_start3A_198 = arith.constant 0 : i32
      %dma_start3A_199 = tpu.memref_slice %arg3[%add3A_197, %dma_start3A_198] : memref<2560x128xi32, #tpu.memory_space<hbm>> -> memref<1x128xi32, #tpu.memory_space<hbm>>
      %dma_start3A_200 = tpu.memref_squeeze %dma_start3A_199 : memref<1x128xi32, #tpu.memory_space<hbm>> -> memref<128xi32, #tpu.memory_space<hbm>>
      %dma_start3A_201 = arith.constant 0 : i32
      %dma_start3A_202 = tpu.memref_slice %arg3[%add3A_197, %dma_start3A_201] : memref<2560x128xi32, #tpu.memory_space<hbm>> -> memref<1x128xi32, #tpu.memory_space<hbm>>
      %dma_start3A_203 = tpu.memref_squeeze %dma_start3A_202 : memref<1x128xi32, #tpu.memory_space<hbm>> -> memref<128xi32, #tpu.memory_space<hbm>>
      tpu.enqueue_dma source(%dma_start3A_203 : memref<128xi32, #tpu.memory_space<hbm>>) target(%arg8 : memref<128xi32, #tpu.memory_space<vmem>>) target_semaphore(%arg14 : memref<!tpu.dma_semaphore, #tpu.memory_space<semaphore_mem>>)
      %add3A_204 = arith.constant 1 : i32
      %add3A_205 = arith.addi %while3A_165, %add3A_204 : i32
      %mul3A_206 = arith.constant 2 : i32
      %mul3A_207 = arith.muli %mul3A_206, %add3A_205 : i32
      %add3A_208 = arith.constant 0 : i32
      %add3A_209 = arith.addi %mul3A_207, %add3A_208 : i32
      %dma_wait3A_210 = arith.constant 0 : i32
      %dma_wait3A_211 = arith.constant 0 : i32
      %dma_wait3A_212 = tpu.memref_slice %arg6[%dma_wait3A_210, %dma_wait3A_211] : memref<10112x128xf32, #tpu.memory_space<vmem_shared>> -> memref<10112x128xf32, #tpu.memory_space<vmem_shared>>
      tpu.wait_indirect_dma semaphore(%arg17 : memref<!tpu.dma_semaphore, #tpu.memory_space<semaphore_mem>>) src(%arg11 : memref<128x128xf32, #tpu.memory_space<vmem>>) dst(%dma_wait3A_212 : memref<10112x128xf32, #tpu.memory_space<vmem_shared>>)
      %add3A_213 = arith.addi %select_n3A_10, %add3A_209 : i32
      %dma_wait3A_214 = arith.constant 0 : i32
      %dma_wait3A_215 = tpu.memref_slice %arg3[%add3A_213, %dma_wait3A_214] : memref<2560x128xi32, #tpu.memory_space<hbm>> -> memref<1x128xi32, #tpu.memory_space<hbm>>
      %dma_wait3A_216 = tpu.memref_squeeze %dma_wait3A_215 : memref<1x128xi32, #tpu.memory_space<hbm>> -> memref<128xi32, #tpu.memory_space<hbm>>
      %dma_wait3A_217 = arith.constant 0 : i32
      %dma_wait3A_218 = tpu.memref_slice %arg3[%add3A_213, %dma_wait3A_217] : memref<2560x128xi32, #tpu.memory_space<hbm>> -> memref<1x128xi32, #tpu.memory_space<hbm>>
      %dma_wait3A_219 = tpu.memref_squeeze %dma_wait3A_218 : memref<1x128xi32, #tpu.memory_space<hbm>> -> memref<128xi32, #tpu.memory_space<hbm>>
      tpu.wait_dma2 semaphore(%arg13 : memref<!tpu.dma_semaphore, #tpu.memory_space<semaphore_mem>>) src(%dma_wait3A_219 : memref<128xi32, #tpu.memory_space<hbm>>) dst(%arg7 : memref<128xi32, #tpu.memory_space<vmem>>)
      %add3A_220 = arith.addi %select_n3A_10, %add3A_209 : i32
      %dma_start3A_221 = arith.constant 0 : i32
      %dma_start3A_222 = tpu.memref_slice %arg4[%add3A_220, %dma_start3A_221] : memref<2560x128xi32, #tpu.memory_space<hbm>> -> memref<1x128xi32, #tpu.memory_space<hbm>>
      %dma_start3A_223 = tpu.memref_squeeze %dma_start3A_222 : memref<1x128xi32, #tpu.memory_space<hbm>> -> memref<128xi32, #tpu.memory_space<hbm>>
      %dma_start3A_224 = arith.constant 0 : i32
      %dma_start3A_225 = tpu.memref_slice %arg4[%add3A_220, %dma_start3A_224] : memref<2560x128xi32, #tpu.memory_space<hbm>> -> memref<1x128xi32, #tpu.memory_space<hbm>>
      %dma_start3A_226 = tpu.memref_squeeze %dma_start3A_225 : memref<1x128xi32, #tpu.memory_space<hbm>> -> memref<128xi32, #tpu.memory_space<hbm>>
      tpu.enqueue_dma source(%dma_start3A_226 : memref<128xi32, #tpu.memory_space<hbm>>) target(%arg9 : memref<128xi32, #tpu.memory_space<vmem>>) target_semaphore(%arg13 : memref<!tpu.dma_semaphore, #tpu.memory_space<semaphore_mem>>)
      %dma_start3A_227 = arith.constant 0 : i32
      %dma_start3A_228 = arith.constant 0 : i32
      %dma_start3A_229 = tpu.memref_slice %arg2[%dma_start3A_227, %dma_start3A_228] : memref<10000x128xf32, #tpu.memory_space<hbm>> -> memref<10000x128xf32, #tpu.memory_space<hbm>>
      tpu.enqueue_indirect_dma source(%dma_start3A_229 : memref<10000x128xf32, #tpu.memory_space<hbm>>) target(%arg11 : memref<128x128xf32, #tpu.memory_space<vmem>>) offsets(%arg7 : memref<128xi32, #tpu.memory_space<vmem>>) semaphore(%arg15 : memref<!tpu.dma_semaphore, #tpu.memory_space<semaphore_mem>>)
      %add3A_230 = arith.addi %select_n3A_10, %add3A_209 : i32
      %dma_wait3A_231 = arith.constant 0 : i32
      %dma_wait3A_232 = tpu.memref_slice %arg4[%add3A_230, %dma_wait3A_231] : memref<2560x128xi32, #tpu.memory_space<hbm>> -> memref<1x128xi32, #tpu.memory_space<hbm>>
      %dma_wait3A_233 = tpu.memref_squeeze %dma_wait3A_232 : memref<1x128xi32, #tpu.memory_space<hbm>> -> memref<128xi32, #tpu.memory_space<hbm>>
      %dma_wait3A_234 = arith.constant 0 : i32
      %dma_wait3A_235 = tpu.memref_slice %arg4[%add3A_230, %dma_wait3A_234] : memref<2560x128xi32, #tpu.memory_space<hbm>> -> memref<1x128xi32, #tpu.memory_space<hbm>>
      %dma_wait3A_236 = tpu.memref_squeeze %dma_wait3A_235 : memref<1x128xi32, #tpu.memory_space<hbm>> -> memref<128xi32, #tpu.memory_space<hbm>>
      tpu.wait_dma2 semaphore(%arg13 : memref<!tpu.dma_semaphore, #tpu.memory_space<semaphore_mem>>) src(%dma_wait3A_236 : memref<128xi32, #tpu.memory_space<hbm>>) dst(%arg9 : memref<128xi32, #tpu.memory_space<vmem>>)
      %add3A_237 = arith.constant 1 : i32
      %add3A_238 = arith.addi %while3A_165, %add3A_237 : i32
      %mul3A_239 = arith.constant 2 : i32
      %mul3A_240 = arith.muli %mul3A_239, %add3A_238 : i32
      %add3A_241 = arith.constant 1 : i32
      %add3A_242 = arith.addi %mul3A_240, %add3A_241 : i32
      %dma_wait3A_243 = arith.constant 0 : i32
      %dma_wait3A_244 = arith.constant 0 : i32
      %dma_wait3A_245 = tpu.memref_slice %arg6[%dma_wait3A_243, %dma_wait3A_244] : memref<10112x128xf32, #tpu.memory_space<vmem_shared>> -> memref<10112x128xf32, #tpu.memory_space<vmem_shared>>
      tpu.wait_indirect_dma semaphore(%arg18 : memref<!tpu.dma_semaphore, #tpu.memory_space<semaphore_mem>>) src(%arg12 : memref<128x128xf32, #tpu.memory_space<vmem>>) dst(%dma_wait3A_245 : memref<10112x128xf32, #tpu.memory_space<vmem_shared>>)
      %add3A_246 = arith.addi %select_n3A_10, %add3A_242 : i32
      %dma_wait3A_247 = arith.constant 0 : i32
      %dma_wait3A_248 = tpu.memref_slice %arg3[%add3A_246, %dma_wait3A_247] : memref<2560x128xi32, #tpu.memory_space<hbm>> -> memref<1x128xi32, #tpu.memory_space<hbm>>
      %dma_wait3A_249 = tpu.memref_squeeze %dma_wait3A_248 : memref<1x128xi32, #tpu.memory_space<hbm>> -> memref<128xi32, #tpu.memory_space<hbm>>
      %dma_wait3A_250 = arith.constant 0 : i32
      %dma_wait3A_251 = tpu.memref_slice %arg3[%add3A_246, %dma_wait3A_250] : memref<2560x128xi32, #tpu.memory_space<hbm>> -> memref<1x128xi32, #tpu.memory_space<hbm>>
      %dma_wait3A_252 = tpu.memref_squeeze %dma_wait3A_251 : memref<1x128xi32, #tpu.memory_space<hbm>> -> memref<128xi32, #tpu.memory_space<hbm>>
      tpu.wait_dma2 semaphore(%arg14 : memref<!tpu.dma_semaphore, #tpu.memory_space<semaphore_mem>>) src(%dma_wait3A_252 : memref<128xi32, #tpu.memory_space<hbm>>) dst(%arg8 : memref<128xi32, #tpu.memory_space<vmem>>)
      %add3A_253 = arith.addi %select_n3A_10, %add3A_242 : i32
      %dma_start3A_254 = arith.constant 0 : i32
      %dma_start3A_255 = tpu.memref_slice %arg4[%add3A_253, %dma_start3A_254] : memref<2560x128xi32, #tpu.memory_space<hbm>> -> memref<1x128xi32, #tpu.memory_space<hbm>>
      %dma_start3A_256 = tpu.memref_squeeze %dma_start3A_255 : memref<1x128xi32, #tpu.memory_space<hbm>> -> memref<128xi32, #tpu.memory_space<hbm>>
      %dma_start3A_257 = arith.constant 0 : i32
      %dma_start3A_258 = tpu.memref_slice %arg4[%add3A_253, %dma_start3A_257] : memref<2560x128xi32, #tpu.memory_space<hbm>> -> memref<1x128xi32, #tpu.memory_space<hbm>>
      %dma_start3A_259 = tpu.memref_squeeze %dma_start3A_258 : memref<1x128xi32, #tpu.memory_space<hbm>> -> memref<128xi32, #tpu.memory_space<hbm>>
      tpu.enqueue_dma source(%dma_start3A_259 : memref<128xi32, #tpu.memory_space<hbm>>) target(%arg10 : memref<128xi32, #tpu.memory_space<vmem>>) target_semaphore(%arg14 : memref<!tpu.dma_semaphore, #tpu.memory_space<semaphore_mem>>)
      %dma_start3A_260 = arith.constant 0 : i32
      %dma_start3A_261 = arith.constant 0 : i32
      %dma_start3A_262 = tpu.memref_slice %arg2[%dma_start3A_260, %dma_start3A_261] : memref<10000x128xf32, #tpu.memory_space<hbm>> -> memref<10000x128xf32, #tpu.memory_space<hbm>>
      tpu.enqueue_indirect_dma source(%dma_start3A_262 : memref<10000x128xf32, #tpu.memory_space<hbm>>) target(%arg12 : memref<128x128xf32, #tpu.memory_space<vmem>>) offsets(%arg8 : memref<128xi32, #tpu.memory_space<vmem>>) semaphore(%arg16 : memref<!tpu.dma_semaphore, #tpu.memory_space<semaphore_mem>>)
      %add3A_263 = arith.addi %select_n3A_10, %add3A_242 : i32
      %dma_wait3A_264 = arith.constant 0 : i32
      %dma_wait3A_265 = tpu.memref_slice %arg4[%add3A_263, %dma_wait3A_264] : memref<2560x128xi32, #tpu.memory_space<hbm>> -> memref<1x128xi32, #tpu.memory_space<hbm>>
      %dma_wait3A_266 = tpu.memref_squeeze %dma_wait3A_265 : memref<1x128xi32, #tpu.memory_space<hbm>> -> memref<128xi32, #tpu.memory_space<hbm>>
      %dma_wait3A_267 = arith.constant 0 : i32
      %dma_wait3A_268 = tpu.memref_slice %arg4[%add3A_263, %dma_wait3A_267] : memref<2560x128xi32, #tpu.memory_space<hbm>> -> memref<1x128xi32, #tpu.memory_space<hbm>>
      %dma_wait3A_269 = tpu.memref_squeeze %dma_wait3A_268 : memref<1x128xi32, #tpu.memory_space<hbm>> -> memref<128xi32, #tpu.memory_space<hbm>>
      tpu.wait_dma2 semaphore(%arg14 : memref<!tpu.dma_semaphore, #tpu.memory_space<semaphore_mem>>) src(%dma_wait3A_269 : memref<128xi32, #tpu.memory_space<hbm>>) dst(%arg10 : memref<128xi32, #tpu.memory_space<vmem>>)
    }
    %sub3A_124 = arith.constant 1 : i32
    %sub3A_125 = arith.subi %select_n3A_28, %sub3A_124 : i32
    %mul3A_126 = arith.constant 2 : i32
    %mul3A_127 = arith.muli %mul3A_126, %sub3A_125 : i32
    %add3A_128 = arith.constant 0 : i32
    %add3A_129 = arith.addi %mul3A_127, %add3A_128 : i32
    %dma_wait3A_130 = arith.constant 0 : i32
    %dma_wait3A_131 = arith.constant 0 : i32
    %dma_wait3A_132 = tpu.memref_slice %arg2[%dma_wait3A_130, %dma_wait3A_131] : memref<10000x128xf32, #tpu.memory_space<hbm>> -> memref<10000x128xf32, #tpu.memory_space<hbm>>
    tpu.wait_indirect_dma semaphore(%arg15 : memref<!tpu.dma_semaphore, #tpu.memory_space<semaphore_mem>>) src(%dma_wait3A_132 : memref<10000x128xf32, #tpu.memory_space<hbm>>) dst(%arg11 : memref<128x128xf32, #tpu.memory_space<vmem>>)
    %dma_start3A_133 = arith.constant 0 : i32
    %dma_start3A_134 = arith.constant 0 : i32
    %dma_start3A_135 = tpu.memref_slice %arg6[%dma_start3A_133, %dma_start3A_134] : memref<10112x128xf32, #tpu.memory_space<vmem_shared>> -> memref<10112x128xf32, #tpu.memory_space<vmem_shared>>
    tpu.enqueue_indirect_dma source(%arg11 : memref<128x128xf32, #tpu.memory_space<vmem>>) target(%dma_start3A_135 : memref<10112x128xf32, #tpu.memory_space<vmem_shared>>) offsets(%arg9 : memref<128xi32, #tpu.memory_space<vmem>>) semaphore(%arg17 : memref<!tpu.dma_semaphore, #tpu.memory_space<semaphore_mem>>) {add = true}
    %mul3A_136 = arith.constant 2 : i32
    %mul3A_137 = arith.muli %mul3A_136, %sub3A_125 : i32
    %add3A_138 = arith.constant 1 : i32
    %add3A_139 = arith.addi %mul3A_137, %add3A_138 : i32
    %dma_wait3A_140 = arith.constant 0 : i32
    %dma_wait3A_141 = arith.constant 0 : i32
    %dma_wait3A_142 = tpu.memref_slice %arg2[%dma_wait3A_140, %dma_wait3A_141] : memref<10000x128xf32, #tpu.memory_space<hbm>> -> memref<10000x128xf32, #tpu.memory_space<hbm>>
    tpu.wait_indirect_dma semaphore(%arg16 : memref<!tpu.dma_semaphore, #tpu.memory_space<semaphore_mem>>) src(%dma_wait3A_142 : memref<10000x128xf32, #tpu.memory_space<hbm>>) dst(%arg12 : memref<128x128xf32, #tpu.memory_space<vmem>>)
    %dma_start3A_143 = arith.constant 0 : i32
    %dma_start3A_144 = arith.constant 0 : i32
    %dma_start3A_145 = tpu.memref_slice %arg6[%dma_start3A_143, %dma_start3A_144] : memref<10112x128xf32, #tpu.memory_space<vmem_shared>> -> memref<10112x128xf32, #tpu.memory_space<vmem_shared>>
    tpu.enqueue_indirect_dma source(%arg12 : memref<128x128xf32, #tpu.memory_space<vmem>>) target(%dma_start3A_145 : memref<10112x128xf32, #tpu.memory_space<vmem_shared>>) offsets(%arg10 : memref<128xi32, #tpu.memory_space<vmem>>) semaphore(%arg18 : memref<!tpu.dma_semaphore, #tpu.memory_space<semaphore_mem>>) {add = true}
    %add3A_146 = arith.constant 1 : i32
    %add3A_147 = arith.addi %sub3A_125, %add3A_146 : i32
    %mul3A_148 = arith.constant 2 : i32
    %mul3A_149 = arith.muli %mul3A_148, %add3A_147 : i32
    %add3A_150 = arith.constant 0 : i32
    %add3A_151 = arith.addi %mul3A_149, %add3A_150 : i32
    %dma_wait3A_152 = arith.constant 0 : i32
    %dma_wait3A_153 = arith.constant 0 : i32
    %dma_wait3A_154 = tpu.memref_slice %arg6[%dma_wait3A_152, %dma_wait3A_153] : memref<10112x128xf32, #tpu.memory_space<vmem_shared>> -> memref<10112x128xf32, #tpu.memory_space<vmem_shared>>
    tpu.wait_indirect_dma semaphore(%arg17 : memref<!tpu.dma_semaphore, #tpu.memory_space<semaphore_mem>>) src(%arg11 : memref<128x128xf32, #tpu.memory_space<vmem>>) dst(%dma_wait3A_154 : memref<10112x128xf32, #tpu.memory_space<vmem_shared>>)
    %add3A_155 = arith.constant 1 : i32
    %add3A_156 = arith.addi %sub3A_125, %add3A_155 : i32
    %mul3A_157 = arith.constant 2 : i32
    %mul3A_158 = arith.muli %mul3A_157, %add3A_156 : i32
    %add3A_159 = arith.constant 1 : i32
    %add3A_160 = arith.addi %mul3A_158, %add3A_159 : i32
    %dma_wait3A_161 = arith.constant 0 : i32
    %dma_wait3A_162 = arith.constant 0 : i32
    %dma_wait3A_163 = tpu.memref_slice %arg6[%dma_wait3A_161, %dma_wait3A_162] : memref<10112x128xf32, #tpu.memory_space<vmem_shared>> -> memref<10112x128xf32, #tpu.memory_space<vmem_shared>>
    tpu.wait_indirect_dma semaphore(%arg18 : memref<!tpu.dma_semaphore, #tpu.memory_space<semaphore_mem>>) src(%arg12 : memref<128x128xf32, #tpu.memory_space<vmem>>) dst(%dma_wait3A_163 : memref<10112x128xf32, #tpu.memory_space<vmem_shared>>)
    %barrier3A_164 = arith.constant 0 : index
    tpu.barrier barrier_id(%barrier3A_164)
    "tpu.region"() ({
      %run_scoped3A = tpu.sem_alloc : memref<!tpu.dma_semaphore, #tpu.memory_space<semaphore_mem>>
      %dma_start3A_165 = arith.constant 0 : i32
      %dma_start3A_166 = tpu.memref_slice %arg5[%arg0, %mul3A_0, %dma_start3A_165] : memref<2x10112x128xf32, #tpu.memory_space<hbm>> -> memref<1x632x128xf32, #tpu.memory_space<hbm>>
      %dma_start3A_167 = tpu.memref_squeeze %dma_start3A_166 : memref<1x632x128xf32, #tpu.memory_space<hbm>> -> memref<632x128xf32, #tpu.memory_space<hbm>>
      %dma_start3A_168 = arith.constant 0 : i32
      %dma_start3A_169 = tpu.memref_slice %arg6[%mul3A_0, %dma_start3A_168] : memref<10112x128xf32, #tpu.memory_space<vmem_shared>> -> memref<632x128xf32, #tpu.memory_space<vmem_shared>>
      tpu.enqueue_dma source(%dma_start3A_169 : memref<632x128xf32, #tpu.memory_space<vmem_shared>>) target(%dma_start3A_167 : memref<632x128xf32, #tpu.memory_space<hbm>>) target_semaphore(%run_scoped3A : memref<!tpu.dma_semaphore, #tpu.memory_space<semaphore_mem>>)
      %dma_wait3A_170 = arith.constant 0 : i32
      %dma_wait3A_171 = tpu.memref_slice %arg5[%arg0, %mul3A_0, %dma_wait3A_170] : memref<2x10112x128xf32, #tpu.memory_space<hbm>> -> memref<1x632x128xf32, #tpu.memory_space<hbm>>
      %dma_wait3A_172 = tpu.memref_squeeze %dma_wait3A_171 : memref<1x632x128xf32, #tpu.memory_space<hbm>> -> memref<632x128xf32, #tpu.memory_space<hbm>>
      %dma_wait3A_173 = arith.constant 0 : i32
      %dma_wait3A_174 = tpu.memref_slice %arg6[%mul3A_0, %dma_wait3A_173] : memref<10112x128xf32, #tpu.memory_space<vmem_shared>> -> memref<632x128xf32, #tpu.memory_space<vmem_shared>>
      tpu.wait_dma2 semaphore(%run_scoped3A : memref<!tpu.dma_semaphore, #tpu.memory_space<semaphore_mem>>) src(%dma_wait3A_174 : memref<632x128xf32, #tpu.memory_space<vmem_shared>>) dst(%dma_wait3A_172 : memref<632x128xf32, #tpu.memory_space<hbm>>)
      tpu.yield
    }) : () -> ()
    return
  }
}

#map = affine_map<(d0, d1) -> (0, 0)>
#map1 = affine_map<(d0, d1) -> (0, 0, 0)>
module attributes {stable_mosaic.version = 14 : i64} {
  func.func @body(%arg0: i32, %arg1: i32, %arg2: memref<2560x128xi32, #tpu.memory_space<hbm>>, %arg3: memref<2x10112x128xf32, #tpu.memory_space<hbm>>, %arg4: memref<10112x128xf32, #tpu.memory_space<vmem_shared>>, %arg5: memref<80x128xi32, #tpu.memory_space<vmem>>, %arg6: memref<128x128xf32, #tpu.memory_space<vmem>>, %arg7: memref<!tpu.dma_semaphore, #tpu.memory_space<semaphore_mem>>, %arg8: memref<!tpu.dma_semaphore, #tpu.memory_space<semaphore_mem>>, %arg9: memref<!tpu.dma_semaphore, #tpu.memory_space<semaphore_mem>>, %arg10: memref<!tpu.dma_semaphore, #tpu.memory_space<semaphore_mem>>) attributes {dimension_semantics = [#tpu.dimension_semantics<core_parallel>, #tpu.dimension_semantics<subcore_parallel>], iteration_bounds = array<i64: 2, 16>, scalar_prefetch = 0 : i64, scratch_operands = 7 : i64, tpu.core_type = #tpu.core_type<sc_vector_subcore>, window_params = [{transform_indices = #map}, {transform_indices = #map1}]} {
    %mul3A = arith.constant 2 : i32
    %mul3A_0 = arith.muli %arg1, %mul3A : i32
    %add3A = arith.addi %mul3A_0, %arg0 : i32
    %mul3A_1 = arith.constant 80 : i32
    %mul3A_2 = arith.muli %add3A, %mul3A_1 : i32
    %mul3A_3 = arith.constant 632 : i32
    %mul3A_4 = arith.muli %arg1, %mul3A_3 : i32
    %broadcast_in_dim3A = arith.constant 0.000000e+00 : f32
    %broadcast_in_dim3A_5 = vector.broadcast %broadcast_in_dim3A : f32 to vector<16xf32>
    %scan3A = arith.constant 0 : i32
    %scan3A_6 = arith.constant 0 : i32
    %scan3A_7 = arith.constant 128 : i32
    %scan3A_8 = arith.addi %scan3A_6, %scan3A_7 : i32
    %scan3A_9 = arith.constant 1 : i32
    scf.for %scan3A_90 = %scan3A_6 to %scan3A_8 step %scan3A_9  : i32 {
      %swap3A = arith.index_cast %scan3A_90 : i32 to index
      %swap3A_91 = arith.constant 0 : index
      %swap3A_92 = tpu.vector_load %arg6[%swap3A, %swap3A_91] {strides = array<i32>} : memref<128x128xf32, #tpu.memory_space<vmem>>, vector<1x16xf32>,
      %swap3A_93 = vector.shape_cast %swap3A_92 : vector<1x16xf32> to vector<16xf32>
      %swap3A_94 = vector.shape_cast %broadcast_in_dim3A_5 : vector<16xf32> to vector<1x16xf32>
      tpu.vector_store %arg6[%swap3A, %swap3A_91], %swap3A_94 {strides = array<i32>} : memref<128x128xf32, #tpu.memory_space<vmem>>, vector<1x16xf32>,
      %swap3A_95 = arith.index_cast %scan3A_90 : i32 to index
      %swap3A_96 = arith.constant 16 : index
      %swap3A_97 = tpu.vector_load %arg6[%swap3A_95, %swap3A_96] {strides = array<i32>} : memref<128x128xf32, #tpu.memory_space<vmem>>, vector<1x16xf32>,
      %swap3A_98 = vector.shape_cast %swap3A_97 : vector<1x16xf32> to vector<16xf32>
      %swap3A_99 = vector.shape_cast %broadcast_in_dim3A_5 : vector<16xf32> to vector<1x16xf32>
      tpu.vector_store %arg6[%swap3A_95, %swap3A_96], %swap3A_99 {strides = array<i32>} : memref<128x128xf32, #tpu.memory_space<vmem>>, vector<1x16xf32>,
      %swap3A_100 = arith.index_cast %scan3A_90 : i32 to index
      %swap3A_101 = arith.constant 32 : index
      %swap3A_102 = tpu.vector_load %arg6[%swap3A_100, %swap3A_101] {strides = array<i32>} : memref<128x128xf32, #tpu.memory_space<vmem>>, vector<1x16xf32>,
      %swap3A_103 = vector.shape_cast %swap3A_102 : vector<1x16xf32> to vector<16xf32>
      %swap3A_104 = vector.shape_cast %broadcast_in_dim3A_5 : vector<16xf32> to vector<1x16xf32>
      tpu.vector_store %arg6[%swap3A_100, %swap3A_101], %swap3A_104 {strides = array<i32>} : memref<128x128xf32, #tpu.memory_space<vmem>>, vector<1x16xf32>,
      %swap3A_105 = arith.index_cast %scan3A_90 : i32 to index
      %swap3A_106 = arith.constant 48 : index
      %swap3A_107 = tpu.vector_load %arg6[%swap3A_105, %swap3A_106] {strides = array<i32>} : memref<128x128xf32, #tpu.memory_space<vmem>>, vector<1x16xf32>,
      %swap3A_108 = vector.shape_cast %swap3A_107 : vector<1x16xf32> to vector<16xf32>
      %swap3A_109 = vector.shape_cast %broadcast_in_dim3A_5 : vector<16xf32> to vector<1x16xf32>
      tpu.vector_store %arg6[%swap3A_105, %swap3A_106], %swap3A_109 {strides = array<i32>} : memref<128x128xf32, #tpu.memory_space<vmem>>, vector<1x16xf32>,
      %swap3A_110 = arith.index_cast %scan3A_90 : i32 to index
      %swap3A_111 = arith.constant 64 : index
      %swap3A_112 = tpu.vector_load %arg6[%swap3A_110, %swap3A_111] {strides = array<i32>} : memref<128x128xf32, #tpu.memory_space<vmem>>, vector<1x16xf32>,
      %swap3A_113 = vector.shape_cast %swap3A_112 : vector<1x16xf32> to vector<16xf32>
      %swap3A_114 = vector.shape_cast %broadcast_in_dim3A_5 : vector<16xf32> to vector<1x16xf32>
      tpu.vector_store %arg6[%swap3A_110, %swap3A_111], %swap3A_114 {strides = array<i32>} : memref<128x128xf32, #tpu.memory_space<vmem>>, vector<1x16xf32>,
      %swap3A_115 = arith.index_cast %scan3A_90 : i32 to index
      %swap3A_116 = arith.constant 80 : index
      %swap3A_117 = tpu.vector_load %arg6[%swap3A_115, %swap3A_116] {strides = array<i32>} : memref<128x128xf32, #tpu.memory_space<vmem>>, vector<1x16xf32>,
      %swap3A_118 = vector.shape_cast %swap3A_117 : vector<1x16xf32> to vector<16xf32>
      %swap3A_119 = vector.shape_cast %broadcast_in_dim3A_5 : vector<16xf32> to vector<1x16xf32>
      tpu.vector_store %arg6[%swap3A_115, %swap3A_116], %swap3A_119 {strides = array<i32>} : memref<128x128xf32, #tpu.memory_space<vmem>>, vector<1x16xf32>,
      %swap3A_120 = arith.index_cast %scan3A_90 : i32 to index
      %swap3A_121 = arith.constant 96 : index
      %swap3A_122 = tpu.vector_load %arg6[%swap3A_120, %swap3A_121] {strides = array<i32>} : memref<128x128xf32, #tpu.memory_space<vmem>>, vector<1x16xf32>,
      %swap3A_123 = vector.shape_cast %swap3A_122 : vector<1x16xf32> to vector<16xf32>
      %swap3A_124 = vector.shape_cast %broadcast_in_dim3A_5 : vector<16xf32> to vector<1x16xf32>
      tpu.vector_store %arg6[%swap3A_120, %swap3A_121], %swap3A_124 {strides = array<i32>} : memref<128x128xf32, #tpu.memory_space<vmem>>, vector<1x16xf32>,
      %swap3A_125 = arith.index_cast %scan3A_90 : i32 to index
      %swap3A_126 = arith.constant 112 : index
      %swap3A_127 = tpu.vector_load %arg6[%swap3A_125, %swap3A_126] {strides = array<i32>} : memref<128x128xf32, #tpu.memory_space<vmem>>, vector<1x16xf32>,
      %swap3A_128 = vector.shape_cast %swap3A_127 : vector<1x16xf32> to vector<16xf32>
      %swap3A_129 = vector.shape_cast %broadcast_in_dim3A_5 : vector<16xf32> to vector<1x16xf32>
      tpu.vector_store %arg6[%swap3A_125, %swap3A_126], %swap3A_129 {strides = array<i32>} : memref<128x128xf32, #tpu.memory_space<vmem>>, vector<1x16xf32>,
    }
    %scan3A_10 = arith.constant 128 : i32
    %add3A_11 = arith.constant 0 : i32
    %add3A_12 = arith.addi %mul3A_4, %add3A_11 : i32
    "tpu.region"() ({
      %run_scoped3A = tpu.sem_alloc : memref<!tpu.dma_semaphore, #tpu.memory_space<semaphore_mem>>
      %dma_start3A_90 = arith.constant 0 : i32
      %dma_start3A_91 = tpu.memref_slice %arg4[%add3A_12, %dma_start3A_90] : memref<10112x128xf32, #tpu.memory_space<vmem_shared>> -> memref<128x128xf32, #tpu.memory_space<vmem_shared>>
      %dma_start3A_92 = arith.constant 0 : i32
      %dma_start3A_93 = tpu.memref_slice %arg4[%add3A_12, %dma_start3A_92] : memref<10112x128xf32, #tpu.memory_space<vmem_shared>> -> memref<128x128xf32, #tpu.memory_space<vmem_shared>>
      tpu.enqueue_dma source(%arg6 : memref<128x128xf32, #tpu.memory_space<vmem>>) target(%dma_start3A_93 : memref<128x128xf32, #tpu.memory_space<vmem_shared>>) target_semaphore(%run_scoped3A : memref<!tpu.dma_semaphore, #tpu.memory_space<semaphore_mem>>)
      %dma_wait3A_94 = arith.constant 0 : i32
      %dma_wait3A_95 = tpu.memref_slice %arg4[%add3A_12, %dma_wait3A_94] : memref<10112x128xf32, #tpu.memory_space<vmem_shared>> -> memref<128x128xf32, #tpu.memory_space<vmem_shared>>
      %dma_wait3A_96 = arith.constant 0 : i32
      %dma_wait3A_97 = tpu.memref_slice %arg4[%add3A_12, %dma_wait3A_96] : memref<10112x128xf32, #tpu.memory_space<vmem_shared>> -> memref<128x128xf32, #tpu.memory_space<vmem_shared>>
      tpu.wait_dma2 semaphore(%run_scoped3A : memref<!tpu.dma_semaphore, #tpu.memory_space<semaphore_mem>>) src(%arg6 : memref<128x128xf32, #tpu.memory_space<vmem>>) dst(%dma_wait3A_97 : memref<128x128xf32, #tpu.memory_space<vmem_shared>>)
      tpu.yield
    }) : () -> ()
    %add3A_13 = arith.constant 128 : i32
    %add3A_14 = arith.addi %mul3A_4, %add3A_13 : i32
    "tpu.region"() ({
      %run_scoped3A = tpu.sem_alloc : memref<!tpu.dma_semaphore, #tpu.memory_space<semaphore_mem>>
      %dma_start3A_90 = arith.constant 0 : i32
      %dma_start3A_91 = tpu.memref_slice %arg4[%add3A_14, %dma_start3A_90] : memref<10112x128xf32, #tpu.memory_space<vmem_shared>> -> memref<128x128xf32, #tpu.memory_space<vmem_shared>>
      %dma_start3A_92 = arith.constant 0 : i32
      %dma_start3A_93 = tpu.memref_slice %arg4[%add3A_14, %dma_start3A_92] : memref<10112x128xf32, #tpu.memory_space<vmem_shared>> -> memref<128x128xf32, #tpu.memory_space<vmem_shared>>
      tpu.enqueue_dma source(%arg6 : memref<128x128xf32, #tpu.memory_space<vmem>>) target(%dma_start3A_93 : memref<128x128xf32, #tpu.memory_space<vmem_shared>>) target_semaphore(%run_scoped3A : memref<!tpu.dma_semaphore, #tpu.memory_space<semaphore_mem>>)
      %dma_wait3A_94 = arith.constant 0 : i32
      %dma_wait3A_95 = tpu.memref_slice %arg4[%add3A_14, %dma_wait3A_94] : memref<10112x128xf32, #tpu.memory_space<vmem_shared>> -> memref<128x128xf32, #tpu.memory_space<vmem_shared>>
      %dma_wait3A_96 = arith.constant 0 : i32
      %dma_wait3A_97 = tpu.memref_slice %arg4[%add3A_14, %dma_wait3A_96] : memref<10112x128xf32, #tpu.memory_space<vmem_shared>> -> memref<128x128xf32, #tpu.memory_space<vmem_shared>>
      tpu.wait_dma2 semaphore(%run_scoped3A : memref<!tpu.dma_semaphore, #tpu.memory_space<semaphore_mem>>) src(%arg6 : memref<128x128xf32, #tpu.memory_space<vmem>>) dst(%dma_wait3A_97 : memref<128x128xf32, #tpu.memory_space<vmem_shared>>)
      tpu.yield
    }) : () -> ()
    %add3A_15 = arith.constant 256 : i32
    %add3A_16 = arith.addi %mul3A_4, %add3A_15 : i32
    "tpu.region"() ({
      %run_scoped3A = tpu.sem_alloc : memref<!tpu.dma_semaphore, #tpu.memory_space<semaphore_mem>>
      %dma_start3A_90 = arith.constant 0 : i32
      %dma_start3A_91 = tpu.memref_slice %arg4[%add3A_16, %dma_start3A_90] : memref<10112x128xf32, #tpu.memory_space<vmem_shared>> -> memref<128x128xf32, #tpu.memory_space<vmem_shared>>
      %dma_start3A_92 = arith.constant 0 : i32
      %dma_start3A_93 = tpu.memref_slice %arg4[%add3A_16, %dma_start3A_92] : memref<10112x128xf32, #tpu.memory_space<vmem_shared>> -> memref<128x128xf32, #tpu.memory_space<vmem_shared>>
      tpu.enqueue_dma source(%arg6 : memref<128x128xf32, #tpu.memory_space<vmem>>) target(%dma_start3A_93 : memref<128x128xf32, #tpu.memory_space<vmem_shared>>) target_semaphore(%run_scoped3A : memref<!tpu.dma_semaphore, #tpu.memory_space<semaphore_mem>>)
      %dma_wait3A_94 = arith.constant 0 : i32
      %dma_wait3A_95 = tpu.memref_slice %arg4[%add3A_16, %dma_wait3A_94] : memref<10112x128xf32, #tpu.memory_space<vmem_shared>> -> memref<128x128xf32, #tpu.memory_space<vmem_shared>>
      %dma_wait3A_96 = arith.constant 0 : i32
      %dma_wait3A_97 = tpu.memref_slice %arg4[%add3A_16, %dma_wait3A_96] : memref<10112x128xf32, #tpu.memory_space<vmem_shared>> -> memref<128x128xf32, #tpu.memory_space<vmem_shared>>
      tpu.wait_dma2 semaphore(%run_scoped3A : memref<!tpu.dma_semaphore, #tpu.memory_space<semaphore_mem>>) src(%arg6 : memref<128x128xf32, #tpu.memory_space<vmem>>) dst(%dma_wait3A_97 : memref<128x128xf32, #tpu.memory_space<vmem_shared>>)
      tpu.yield
    }) : () -> ()
    %add3A_17 = arith.constant 384 : i32
    %add3A_18 = arith.addi %mul3A_4, %add3A_17 : i32
    "tpu.region"() ({
      %run_scoped3A = tpu.sem_alloc : memref<!tpu.dma_semaphore, #tpu.memory_space<semaphore_mem>>
      %dma_start3A_90 = arith.constant 0 : i32
      %dma_start3A_91 = tpu.memref_slice %arg4[%add3A_18, %dma_start3A_90] : memref<10112x128xf32, #tpu.memory_space<vmem_shared>> -> memref<128x128xf32, #tpu.memory_space<vmem_shared>>
      %dma_start3A_92 = arith.constant 0 : i32
      %dma_start3A_93 = tpu.memref_slice %arg4[%add3A_18, %dma_start3A_92] : memref<10112x128xf32, #tpu.memory_space<vmem_shared>> -> memref<128x128xf32, #tpu.memory_space<vmem_shared>>
      tpu.enqueue_dma source(%arg6 : memref<128x128xf32, #tpu.memory_space<vmem>>) target(%dma_start3A_93 : memref<128x128xf32, #tpu.memory_space<vmem_shared>>) target_semaphore(%run_scoped3A : memref<!tpu.dma_semaphore, #tpu.memory_space<semaphore_mem>>)
      %dma_wait3A_94 = arith.constant 0 : i32
      %dma_wait3A_95 = tpu.memref_slice %arg4[%add3A_18, %dma_wait3A_94] : memref<10112x128xf32, #tpu.memory_space<vmem_shared>> -> memref<128x128xf32, #tpu.memory_space<vmem_shared>>
      %dma_wait3A_96 = arith.constant 0 : i32
      %dma_wait3A_97 = tpu.memref_slice %arg4[%add3A_18, %dma_wait3A_96] : memref<10112x128xf32, #tpu.memory_space<vmem_shared>> -> memref<128x128xf32, #tpu.memory_space<vmem_shared>>
      tpu.wait_dma2 semaphore(%run_scoped3A : memref<!tpu.dma_semaphore, #tpu.memory_space<semaphore_mem>>) src(%arg6 : memref<128x128xf32, #tpu.memory_space<vmem>>) dst(%dma_wait3A_97 : memref<128x128xf32, #tpu.memory_space<vmem_shared>>)
      tpu.yield
    }) : () -> ()
    %add3A_19 = arith.constant 512 : i32
    %add3A_20 = arith.addi %mul3A_4, %add3A_19 : i32
    "tpu.region"() ({
      %run_scoped3A = tpu.sem_alloc : memref<!tpu.dma_semaphore, #tpu.memory_space<semaphore_mem>>
      %dma_start3A_90 = arith.constant 0 : i32
      %dma_start3A_91 = arith.constant 0 : i32
      %dma_start3A_92 = tpu.memref_slice %arg6[%dma_start3A_90, %dma_start3A_91] : memref<128x128xf32, #tpu.memory_space<vmem>> -> memref<120x128xf32, #tpu.memory_space<vmem>>
      %dma_start3A_93 = arith.constant 0 : i32
      %dma_start3A_94 = tpu.memref_slice %arg4[%add3A_20, %dma_start3A_93] : memref<10112x128xf32, #tpu.memory_space<vmem_shared>> -> memref<120x128xf32, #tpu.memory_space<vmem_shared>>
      %dma_start3A_95 = arith.constant 0 : i32
      %dma_start3A_96 = tpu.memref_slice %arg4[%add3A_20, %dma_start3A_95] : memref<10112x128xf32, #tpu.memory_space<vmem_shared>> -> memref<120x128xf32, #tpu.memory_space<vmem_shared>>
      %dma_start3A_97 = arith.constant 0 : i32
      %dma_start3A_98 = arith.constant 0 : i32
      %dma_start3A_99 = tpu.memref_slice %arg6[%dma_start3A_97, %dma_start3A_98] : memref<128x128xf32, #tpu.memory_space<vmem>> -> memref<120x128xf32, #tpu.memory_space<vmem>>
      tpu.enqueue_dma source(%dma_start3A_99 : memref<120x128xf32, #tpu.memory_space<vmem>>) target(%dma_start3A_96 : memref<120x128xf32, #tpu.memory_space<vmem_shared>>) target_semaphore(%run_scoped3A : memref<!tpu.dma_semaphore, #tpu.memory_space<semaphore_mem>>)
      %dma_wait3A_100 = arith.constant 0 : i32
      %dma_wait3A_101 = arith.constant 0 : i32
      %dma_wait3A_102 = tpu.memref_slice %arg6[%dma_wait3A_100, %dma_wait3A_101] : memref<128x128xf32, #tpu.memory_space<vmem>> -> memref<120x128xf32, #tpu.memory_space<vmem>>
      %dma_wait3A_103 = arith.constant 0 : i32
      %dma_wait3A_104 = tpu.memref_slice %arg4[%add3A_20, %dma_wait3A_103] : memref<10112x128xf32, #tpu.memory_space<vmem_shared>> -> memref<120x128xf32, #tpu.memory_space<vmem_shared>>
      %dma_wait3A_105 = arith.constant 0 : i32
      %dma_wait3A_106 = tpu.memref_slice %arg4[%add3A_20, %dma_wait3A_105] : memref<10112x128xf32, #tpu.memory_space<vmem_shared>> -> memref<120x128xf32, #tpu.memory_space<vmem_shared>>
      %dma_wait3A_107 = arith.constant 0 : i32
      %dma_wait3A_108 = arith.constant 0 : i32
      %dma_wait3A_109 = tpu.memref_slice %arg6[%dma_wait3A_107, %dma_wait3A_108] : memref<128x128xf32, #tpu.memory_space<vmem>> -> memref<120x128xf32, #tpu.memory_space<vmem>>
      tpu.wait_dma2 semaphore(%run_scoped3A : memref<!tpu.dma_semaphore, #tpu.memory_space<semaphore_mem>>) src(%dma_wait3A_109 : memref<120x128xf32, #tpu.memory_space<vmem>>) dst(%dma_wait3A_106 : memref<120x128xf32, #tpu.memory_space<vmem_shared>>)
      tpu.yield
    }) : () -> ()
    %broadcast_in_dim3A_21 = arith.constant 1.000000e+00 : f32
    %broadcast_in_dim3A_22 = vector.broadcast %broadcast_in_dim3A_21 : f32 to vector<16xf32>
    %scan3A_23 = arith.constant 0 : i32
    %scan3A_24 = arith.constant 0 : i32
    %scan3A_25 = arith.constant 128 : i32
    %scan3A_26 = arith.addi %scan3A_24, %scan3A_25 : i32
    %scan3A_27 = arith.constant 1 : i32
    scf.for %scan3A_90 = %scan3A_24 to %scan3A_26 step %scan3A_27  : i32 {
      %swap3A = arith.index_cast %scan3A_90 : i32 to index
      %swap3A_91 = arith.constant 0 : index
      %swap3A_92 = tpu.vector_load %arg6[%swap3A, %swap3A_91] {strides = array<i32>} : memref<128x128xf32, #tpu.memory_space<vmem>>, vector<1x16xf32>,
      %swap3A_93 = vector.shape_cast %swap3A_92 : vector<1x16xf32> to vector<16xf32>
      %swap3A_94 = vector.shape_cast %broadcast_in_dim3A_22 : vector<16xf32> to vector<1x16xf32>
      tpu.vector_store %arg6[%swap3A, %swap3A_91], %swap3A_94 {strides = array<i32>} : memref<128x128xf32, #tpu.memory_space<vmem>>, vector<1x16xf32>,
      %swap3A_95 = arith.index_cast %scan3A_90 : i32 to index
      %swap3A_96 = arith.constant 16 : index
      %swap3A_97 = tpu.vector_load %arg6[%swap3A_95, %swap3A_96] {strides = array<i32>} : memref<128x128xf32, #tpu.memory_space<vmem>>, vector<1x16xf32>,
      %swap3A_98 = vector.shape_cast %swap3A_97 : vector<1x16xf32> to vector<16xf32>
      %swap3A_99 = vector.shape_cast %broadcast_in_dim3A_22 : vector<16xf32> to vector<1x16xf32>
      tpu.vector_store %arg6[%swap3A_95, %swap3A_96], %swap3A_99 {strides = array<i32>} : memref<128x128xf32, #tpu.memory_space<vmem>>, vector<1x16xf32>,
      %swap3A_100 = arith.index_cast %scan3A_90 : i32 to index
      %swap3A_101 = arith.constant 32 : index
      %swap3A_102 = tpu.vector_load %arg6[%swap3A_100, %swap3A_101] {strides = array<i32>} : memref<128x128xf32, #tpu.memory_space<vmem>>, vector<1x16xf32>,
      %swap3A_103 = vector.shape_cast %swap3A_102 : vector<1x16xf32> to vector<16xf32>
      %swap3A_104 = vector.shape_cast %broadcast_in_dim3A_22 : vector<16xf32> to vector<1x16xf32>
      tpu.vector_store %arg6[%swap3A_100, %swap3A_101], %swap3A_104 {strides = array<i32>} : memref<128x128xf32, #tpu.memory_space<vmem>>, vector<1x16xf32>,
      %swap3A_105 = arith.index_cast %scan3A_90 : i32 to index
      %swap3A_106 = arith.constant 48 : index
      %swap3A_107 = tpu.vector_load %arg6[%swap3A_105, %swap3A_106] {strides = array<i32>} : memref<128x128xf32, #tpu.memory_space<vmem>>, vector<1x16xf32>,
      %swap3A_108 = vector.shape_cast %swap3A_107 : vector<1x16xf32> to vector<16xf32>
      %swap3A_109 = vector.shape_cast %broadcast_in_dim3A_22 : vector<16xf32> to vector<1x16xf32>
      tpu.vector_store %arg6[%swap3A_105, %swap3A_106], %swap3A_109 {strides = array<i32>} : memref<128x128xf32, #tpu.memory_space<vmem>>, vector<1x16xf32>,
      %swap3A_110 = arith.index_cast %scan3A_90 : i32 to index
      %swap3A_111 = arith.constant 64 : index
      %swap3A_112 = tpu.vector_load %arg6[%swap3A_110, %swap3A_111] {strides = array<i32>} : memref<128x128xf32, #tpu.memory_space<vmem>>, vector<1x16xf32>,
      %swap3A_113 = vector.shape_cast %swap3A_112 : vector<1x16xf32> to vector<16xf32>
      %swap3A_114 = vector.shape_cast %broadcast_in_dim3A_22 : vector<16xf32> to vector<1x16xf32>
      tpu.vector_store %arg6[%swap3A_110, %swap3A_111], %swap3A_114 {strides = array<i32>} : memref<128x128xf32, #tpu.memory_space<vmem>>, vector<1x16xf32>,
      %swap3A_115 = arith.index_cast %scan3A_90 : i32 to index
      %swap3A_116 = arith.constant 80 : index
      %swap3A_117 = tpu.vector_load %arg6[%swap3A_115, %swap3A_116] {strides = array<i32>} : memref<128x128xf32, #tpu.memory_space<vmem>>, vector<1x16xf32>,
      %swap3A_118 = vector.shape_cast %swap3A_117 : vector<1x16xf32> to vector<16xf32>
      %swap3A_119 = vector.shape_cast %broadcast_in_dim3A_22 : vector<16xf32> to vector<1x16xf32>
      tpu.vector_store %arg6[%swap3A_115, %swap3A_116], %swap3A_119 {strides = array<i32>} : memref<128x128xf32, #tpu.memory_space<vmem>>, vector<1x16xf32>,
      %swap3A_120 = arith.index_cast %scan3A_90 : i32 to index
      %swap3A_121 = arith.constant 96 : index
      %swap3A_122 = tpu.vector_load %arg6[%swap3A_120, %swap3A_121] {strides = array<i32>} : memref<128x128xf32, #tpu.memory_space<vmem>>, vector<1x16xf32>,
      %swap3A_123 = vector.shape_cast %swap3A_122 : vector<1x16xf32> to vector<16xf32>
      %swap3A_124 = vector.shape_cast %broadcast_in_dim3A_22 : vector<16xf32> to vector<1x16xf32>
      tpu.vector_store %arg6[%swap3A_120, %swap3A_121], %swap3A_124 {strides = array<i32>} : memref<128x128xf32, #tpu.memory_space<vmem>>, vector<1x16xf32>,
      %swap3A_125 = arith.index_cast %scan3A_90 : i32 to index
      %swap3A_126 = arith.constant 112 : index
      %swap3A_127 = tpu.vector_load %arg6[%swap3A_125, %swap3A_126] {strides = array<i32>} : memref<128x128xf32, #tpu.memory_space<vmem>>, vector<1x16xf32>,
      %swap3A_128 = vector.shape_cast %swap3A_127 : vector<1x16xf32> to vector<16xf32>
      %swap3A_129 = vector.shape_cast %broadcast_in_dim3A_22 : vector<16xf32> to vector<1x16xf32>
      tpu.vector_store %arg6[%swap3A_125, %swap3A_126], %swap3A_129 {strides = array<i32>} : memref<128x128xf32, #tpu.memory_space<vmem>>, vector<1x16xf32>,
    }
    %scan3A_28 = arith.constant 128 : i32
    "tpu.region"() ({
      %run_scoped3A = tpu.sem_alloc : memref<!tpu.dma_semaphore, #tpu.memory_space<semaphore_mem>>
      %dma_start3A_90 = arith.constant 0 : i32
      %dma_start3A_91 = tpu.memref_slice %arg2[%mul3A_2, %dma_start3A_90] : memref<2560x128xi32, #tpu.memory_space<hbm>> -> memref<80x128xi32, #tpu.memory_space<hbm>>
      %dma_start3A_92 = arith.constant 0 : i32
      %dma_start3A_93 = tpu.memref_slice %arg2[%mul3A_2, %dma_start3A_92] : memref<2560x128xi32, #tpu.memory_space<hbm>> -> memref<80x128xi32, #tpu.memory_space<hbm>>
      tpu.enqueue_dma source(%dma_start3A_93 : memref<80x128xi32, #tpu.memory_space<hbm>>) target(%arg5 : memref<80x128xi32, #tpu.memory_space<vmem>>) target_semaphore(%run_scoped3A : memref<!tpu.dma_semaphore, #tpu.memory_space<semaphore_mem>>)
      %dma_wait3A_94 = arith.constant 0 : i32
      %dma_wait3A_95 = tpu.memref_slice %arg2[%mul3A_2, %dma_wait3A_94] : memref<2560x128xi32, #tpu.memory_space<hbm>> -> memref<80x128xi32, #tpu.memory_space<hbm>>
      %dma_wait3A_96 = arith.constant 0 : i32
      %dma_wait3A_97 = tpu.memref_slice %arg2[%mul3A_2, %dma_wait3A_96] : memref<2560x128xi32, #tpu.memory_space<hbm>> -> memref<80x128xi32, #tpu.memory_space<hbm>>
      tpu.wait_dma2 semaphore(%run_scoped3A : memref<!tpu.dma_semaphore, #tpu.memory_space<semaphore_mem>>) src(%dma_wait3A_97 : memref<80x128xi32, #tpu.memory_space<hbm>>) dst(%arg5 : memref<80x128xi32, #tpu.memory_space<vmem>>)
      tpu.yield
    }) : () -> ()
    %barrier3A = arith.constant 0 : index
    tpu.barrier barrier_id(%barrier3A)
    %dma_start3A = arith.constant 0 : i32
    %dma_start3A_29 = arith.constant 0 : i32
    %dma_start3A_30 = tpu.memref_slice %arg5[%dma_start3A, %dma_start3A_29] : memref<80x128xi32, #tpu.memory_space<vmem>> -> memref<1x128xi32, #tpu.memory_space<vmem>>
    %dma_start3A_31 = tpu.memref_squeeze %dma_start3A_30 : memref<1x128xi32, #tpu.memory_space<vmem>> -> memref<128xi32, #tpu.memory_space<vmem>>
    %dma_start3A_32 = arith.constant 0 : i32
    %dma_start3A_33 = arith.constant 0 : i32
    %dma_start3A_34 = tpu.memref_slice %arg4[%dma_start3A_32, %dma_start3A_33] : memref<10112x128xf32, #tpu.memory_space<vmem_shared>> -> memref<10112x128xf32, #tpu.memory_space<vmem_shared>>
    tpu.enqueue_indirect_dma source(%arg6 : memref<128x128xf32, #tpu.memory_space<vmem>>) target(%dma_start3A_34 : memref<10112x128xf32, #tpu.memory_space<vmem_shared>>) offsets(%dma_start3A_31 : memref<128xi32, #tpu.memory_space<vmem>>) semaphore(%arg7 : memref<!tpu.dma_semaphore, #tpu.memory_space<semaphore_mem>>) {add = true}
    %dma_start3A_35 = arith.constant 1 : i32
    %dma_start3A_36 = arith.constant 0 : i32
    %dma_start3A_37 = tpu.memref_slice %arg5[%dma_start3A_35, %dma_start3A_36] : memref<80x128xi32, #tpu.memory_space<vmem>> -> memref<1x128xi32, #tpu.memory_space<vmem>>
    %dma_start3A_38 = tpu.memref_squeeze %dma_start3A_37 : memref<1x128xi32, #tpu.memory_space<vmem>> -> memref<128xi32, #tpu.memory_space<vmem>>
    %dma_start3A_39 = arith.constant 0 : i32
    %dma_start3A_40 = arith.constant 0 : i32
    %dma_start3A_41 = tpu.memref_slice %arg4[%dma_start3A_39, %dma_start3A_40] : memref<10112x128xf32, #tpu.memory_space<vmem_shared>> -> memref<10112x128xf32, #tpu.memory_space<vmem_shared>>
    tpu.enqueue_indirect_dma source(%arg6 : memref<128x128xf32, #tpu.memory_space<vmem>>) target(%dma_start3A_41 : memref<10112x128xf32, #tpu.memory_space<vmem_shared>>) offsets(%dma_start3A_38 : memref<128xi32, #tpu.memory_space<vmem>>) semaphore(%arg8 : memref<!tpu.dma_semaphore, #tpu.memory_space<semaphore_mem>>) {add = true}
    %dma_start3A_42 = arith.constant 2 : i32
    %dma_start3A_43 = arith.constant 0 : i32
    %dma_start3A_44 = tpu.memref_slice %arg5[%dma_start3A_42, %dma_start3A_43] : memref<80x128xi32, #tpu.memory_space<vmem>> -> memref<1x128xi32, #tpu.memory_space<vmem>>
    %dma_start3A_45 = tpu.memref_squeeze %dma_start3A_44 : memref<1x128xi32, #tpu.memory_space<vmem>> -> memref<128xi32, #tpu.memory_space<vmem>>
    %dma_start3A_46 = arith.constant 0 : i32
    %dma_start3A_47 = arith.constant 0 : i32
    %dma_start3A_48 = tpu.memref_slice %arg4[%dma_start3A_46, %dma_start3A_47] : memref<10112x128xf32, #tpu.memory_space<vmem_shared>> -> memref<10112x128xf32, #tpu.memory_space<vmem_shared>>
    tpu.enqueue_indirect_dma source(%arg6 : memref<128x128xf32, #tpu.memory_space<vmem>>) target(%dma_start3A_48 : memref<10112x128xf32, #tpu.memory_space<vmem_shared>>) offsets(%dma_start3A_45 : memref<128xi32, #tpu.memory_space<vmem>>) semaphore(%arg9 : memref<!tpu.dma_semaphore, #tpu.memory_space<semaphore_mem>>) {add = true}
    %dma_start3A_49 = arith.constant 3 : i32
    %dma_start3A_50 = arith.constant 0 : i32
    %dma_start3A_51 = tpu.memref_slice %arg5[%dma_start3A_49, %dma_start3A_50] : memref<80x128xi32, #tpu.memory_space<vmem>> -> memref<1x128xi32, #tpu.memory_space<vmem>>
    %dma_start3A_52 = tpu.memref_squeeze %dma_start3A_51 : memref<1x128xi32, #tpu.memory_space<vmem>> -> memref<128xi32, #tpu.memory_space<vmem>>
    %dma_start3A_53 = arith.constant 0 : i32
    %dma_start3A_54 = arith.constant 0 : i32
    %dma_start3A_55 = tpu.memref_slice %arg4[%dma_start3A_53, %dma_start3A_54] : memref<10112x128xf32, #tpu.memory_space<vmem_shared>> -> memref<10112x128xf32, #tpu.memory_space<vmem_shared>>
    tpu.enqueue_indirect_dma source(%arg6 : memref<128x128xf32, #tpu.memory_space<vmem>>) target(%dma_start3A_55 : memref<10112x128xf32, #tpu.memory_space<vmem_shared>>) offsets(%dma_start3A_52 : memref<128xi32, #tpu.memory_space<vmem>>) semaphore(%arg10 : memref<!tpu.dma_semaphore, #tpu.memory_space<semaphore_mem>>) {add = true}
    %scan3A_56 = arith.constant 0 : i32
    %scan3A_57 = arith.constant 0 : i32
    %scan3A_58 = arith.constant 19 : i32
    %scan3A_59 = arith.addi %scan3A_57, %scan3A_58 : i32
    %scan3A_60 = arith.constant 1 : i32
    scf.for %scan3A_90 = %scan3A_57 to %scan3A_59 step %scan3A_60  : i32 {
      %mul3A_91 = arith.constant 4 : i32
      %mul3A_92 = arith.muli %scan3A_90, %mul3A_91 : i32
      %add3A_93 = arith.constant 0 : i32
      %add3A_94 = arith.addi %mul3A_92, %add3A_93 : i32
      %dma_wait3A_95 = arith.constant 0 : i32
      %dma_wait3A_96 = tpu.memref_slice %arg5[%add3A_94, %dma_wait3A_95] : memref<80x128xi32, #tpu.memory_space<vmem>> -> memref<1x128xi32, #tpu.memory_space<vmem>>
      %dma_wait3A_97 = tpu.memref_squeeze %dma_wait3A_96 : memref<1x128xi32, #tpu.memory_space<vmem>> -> memref<128xi32, #tpu.memory_space<vmem>>
      %dma_wait3A_98 = arith.constant 0 : i32
      %dma_wait3A_99 = arith.constant 0 : i32
      %dma_wait3A_100 = tpu.memref_slice %arg4[%dma_wait3A_98, %dma_wait3A_99] : memref<10112x128xf32, #tpu.memory_space<vmem_shared>> -> memref<10112x128xf32, #tpu.memory_space<vmem_shared>>
      tpu.wait_indirect_dma semaphore(%arg7 : memref<!tpu.dma_semaphore, #tpu.memory_space<semaphore_mem>>) src(%arg6 : memref<128x128xf32, #tpu.memory_space<vmem>>) dst(%dma_wait3A_100 : memref<10112x128xf32, #tpu.memory_space<vmem_shared>>)
      %add3A_101 = arith.constant 4 : i32
      %add3A_102 = arith.addi %add3A_94, %add3A_101 : i32
      %dma_start3A_103 = arith.constant 0 : i32
      %dma_start3A_104 = tpu.memref_slice %arg5[%add3A_102, %dma_start3A_103] : memref<80x128xi32, #tpu.memory_space<vmem>> -> memref<1x128xi32, #tpu.memory_space<vmem>>
      %dma_start3A_105 = tpu.memref_squeeze %dma_start3A_104 : memref<1x128xi32, #tpu.memory_space<vmem>> -> memref<128xi32, #tpu.memory_space<vmem>>
      %dma_start3A_106 = arith.constant 0 : i32
      %dma_start3A_107 = arith.constant 0 : i32
      %dma_start3A_108 = tpu.memref_slice %arg4[%dma_start3A_106, %dma_start3A_107] : memref<10112x128xf32, #tpu.memory_space<vmem_shared>> -> memref<10112x128xf32, #tpu.memory_space<vmem_shared>>
      tpu.enqueue_indirect_dma source(%arg6 : memref<128x128xf32, #tpu.memory_space<vmem>>) target(%dma_start3A_108 : memref<10112x128xf32, #tpu.memory_space<vmem_shared>>) offsets(%dma_start3A_105 : memref<128xi32, #tpu.memory_space<vmem>>) semaphore(%arg7 : memref<!tpu.dma_semaphore, #tpu.memory_space<semaphore_mem>>) {add = true}
      %mul3A_109 = arith.constant 4 : i32
      %mul3A_110 = arith.muli %scan3A_90, %mul3A_109 : i32
      %add3A_111 = arith.constant 1 : i32
      %add3A_112 = arith.addi %mul3A_110, %add3A_111 : i32
      %dma_wait3A_113 = arith.constant 0 : i32
      %dma_wait3A_114 = tpu.memref_slice %arg5[%add3A_112, %dma_wait3A_113] : memref<80x128xi32, #tpu.memory_space<vmem>> -> memref<1x128xi32, #tpu.memory_space<vmem>>
      %dma_wait3A_115 = tpu.memref_squeeze %dma_wait3A_114 : memref<1x128xi32, #tpu.memory_space<vmem>> -> memref<128xi32, #tpu.memory_space<vmem>>
      %dma_wait3A_116 = arith.constant 0 : i32
      %dma_wait3A_117 = arith.constant 0 : i32
      %dma_wait3A_118 = tpu.memref_slice %arg4[%dma_wait3A_116, %dma_wait3A_117] : memref<10112x128xf32, #tpu.memory_space<vmem_shared>> -> memref<10112x128xf32, #tpu.memory_space<vmem_shared>>
      tpu.wait_indirect_dma semaphore(%arg8 : memref<!tpu.dma_semaphore, #tpu.memory_space<semaphore_mem>>) src(%arg6 : memref<128x128xf32, #tpu.memory_space<vmem>>) dst(%dma_wait3A_118 : memref<10112x128xf32, #tpu.memory_space<vmem_shared>>)
      %add3A_119 = arith.constant 4 : i32
      %add3A_120 = arith.addi %add3A_112, %add3A_119 : i32
      %dma_start3A_121 = arith.constant 0 : i32
      %dma_start3A_122 = tpu.memref_slice %arg5[%add3A_120, %dma_start3A_121] : memref<80x128xi32, #tpu.memory_space<vmem>> -> memref<1x128xi32, #tpu.memory_space<vmem>>
      %dma_start3A_123 = tpu.memref_squeeze %dma_start3A_122 : memref<1x128xi32, #tpu.memory_space<vmem>> -> memref<128xi32, #tpu.memory_space<vmem>>
      %dma_start3A_124 = arith.constant 0 : i32
      %dma_start3A_125 = arith.constant 0 : i32
      %dma_start3A_126 = tpu.memref_slice %arg4[%dma_start3A_124, %dma_start3A_125] : memref<10112x128xf32, #tpu.memory_space<vmem_shared>> -> memref<10112x128xf32, #tpu.memory_space<vmem_shared>>
      tpu.enqueue_indirect_dma source(%arg6 : memref<128x128xf32, #tpu.memory_space<vmem>>) target(%dma_start3A_126 : memref<10112x128xf32, #tpu.memory_space<vmem_shared>>) offsets(%dma_start3A_123 : memref<128xi32, #tpu.memory_space<vmem>>) semaphore(%arg8 : memref<!tpu.dma_semaphore, #tpu.memory_space<semaphore_mem>>) {add = true}
      %mul3A_127 = arith.constant 4 : i32
      %mul3A_128 = arith.muli %scan3A_90, %mul3A_127 : i32
      %add3A_129 = arith.constant 2 : i32
      %add3A_130 = arith.addi %mul3A_128, %add3A_129 : i32
      %dma_wait3A_131 = arith.constant 0 : i32
      %dma_wait3A_132 = tpu.memref_slice %arg5[%add3A_130, %dma_wait3A_131] : memref<80x128xi32, #tpu.memory_space<vmem>> -> memref<1x128xi32, #tpu.memory_space<vmem>>
      %dma_wait3A_133 = tpu.memref_squeeze %dma_wait3A_132 : memref<1x128xi32, #tpu.memory_space<vmem>> -> memref<128xi32, #tpu.memory_space<vmem>>
      %dma_wait3A_134 = arith.constant 0 : i32
      %dma_wait3A_135 = arith.constant 0 : i32
      %dma_wait3A_136 = tpu.memref_slice %arg4[%dma_wait3A_134, %dma_wait3A_135] : memref<10112x128xf32, #tpu.memory_space<vmem_shared>> -> memref<10112x128xf32, #tpu.memory_space<vmem_shared>>
      tpu.wait_indirect_dma semaphore(%arg9 : memref<!tpu.dma_semaphore, #tpu.memory_space<semaphore_mem>>) src(%arg6 : memref<128x128xf32, #tpu.memory_space<vmem>>) dst(%dma_wait3A_136 : memref<10112x128xf32, #tpu.memory_space<vmem_shared>>)
      %add3A_137 = arith.constant 4 : i32
      %add3A_138 = arith.addi %add3A_130, %add3A_137 : i32
      %dma_start3A_139 = arith.constant 0 : i32
      %dma_start3A_140 = tpu.memref_slice %arg5[%add3A_138, %dma_start3A_139] : memref<80x128xi32, #tpu.memory_space<vmem>> -> memref<1x128xi32, #tpu.memory_space<vmem>>
      %dma_start3A_141 = tpu.memref_squeeze %dma_start3A_140 : memref<1x128xi32, #tpu.memory_space<vmem>> -> memref<128xi32, #tpu.memory_space<vmem>>
      %dma_start3A_142 = arith.constant 0 : i32
      %dma_start3A_143 = arith.constant 0 : i32
      %dma_start3A_144 = tpu.memref_slice %arg4[%dma_start3A_142, %dma_start3A_143] : memref<10112x128xf32, #tpu.memory_space<vmem_shared>> -> memref<10112x128xf32, #tpu.memory_space<vmem_shared>>
      tpu.enqueue_indirect_dma source(%arg6 : memref<128x128xf32, #tpu.memory_space<vmem>>) target(%dma_start3A_144 : memref<10112x128xf32, #tpu.memory_space<vmem_shared>>) offsets(%dma_start3A_141 : memref<128xi32, #tpu.memory_space<vmem>>) semaphore(%arg9 : memref<!tpu.dma_semaphore, #tpu.memory_space<semaphore_mem>>) {add = true}
      %mul3A_145 = arith.constant 4 : i32
      %mul3A_146 = arith.muli %scan3A_90, %mul3A_145 : i32
      %add3A_147 = arith.constant 3 : i32
      %add3A_148 = arith.addi %mul3A_146, %add3A_147 : i32
      %dma_wait3A_149 = arith.constant 0 : i32
      %dma_wait3A_150 = tpu.memref_slice %arg5[%add3A_148, %dma_wait3A_149] : memref<80x128xi32, #tpu.memory_space<vmem>> -> memref<1x128xi32, #tpu.memory_space<vmem>>
      %dma_wait3A_151 = tpu.memref_squeeze %dma_wait3A_150 : memref<1x128xi32, #tpu.memory_space<vmem>> -> memref<128xi32, #tpu.memory_space<vmem>>
      %dma_wait3A_152 = arith.constant 0 : i32
      %dma_wait3A_153 = arith.constant 0 : i32
      %dma_wait3A_154 = tpu.memref_slice %arg4[%dma_wait3A_152, %dma_wait3A_153] : memref<10112x128xf32, #tpu.memory_space<vmem_shared>> -> memref<10112x128xf32, #tpu.memory_space<vmem_shared>>
      tpu.wait_indirect_dma semaphore(%arg10 : memref<!tpu.dma_semaphore, #tpu.memory_space<semaphore_mem>>) src(%arg6 : memref<128x128xf32, #tpu.memory_space<vmem>>) dst(%dma_wait3A_154 : memref<10112x128xf32, #tpu.memory_space<vmem_shared>>)
      %add3A_155 = arith.constant 4 : i32
      %add3A_156 = arith.addi %add3A_148, %add3A_155 : i32
      %dma_start3A_157 = arith.constant 0 : i32
      %dma_start3A_158 = tpu.memref_slice %arg5[%add3A_156, %dma_start3A_157] : memref<80x128xi32, #tpu.memory_space<vmem>> -> memref<1x128xi32, #tpu.memory_space<vmem>>
      %dma_start3A_159 = tpu.memref_squeeze %dma_start3A_158 : memref<1x128xi32, #tpu.memory_space<vmem>> -> memref<128xi32, #tpu.memory_space<vmem>>
      %dma_start3A_160 = arith.constant 0 : i32
      %dma_start3A_161 = arith.constant 0 : i32
      %dma_start3A_162 = tpu.memref_slice %arg4[%dma_start3A_160, %dma_start3A_161] : memref<10112x128xf32, #tpu.memory_space<vmem_shared>> -> memref<10112x128xf32, #tpu.memory_space<vmem_shared>>
      tpu.enqueue_indirect_dma source(%arg6 : memref<128x128xf32, #tpu.memory_space<vmem>>) target(%dma_start3A_162 : memref<10112x128xf32, #tpu.memory_space<vmem_shared>>) offsets(%dma_start3A_159 : memref<128xi32, #tpu.memory_space<vmem>>) semaphore(%arg10 : memref<!tpu.dma_semaphore, #tpu.memory_space<semaphore_mem>>) {add = true}
    }
    %scan3A_61 = arith.constant 19 : i32
    %dma_wait3A = arith.constant 76 : i32
    %dma_wait3A_62 = arith.constant 0 : i32
    %dma_wait3A_63 = tpu.memref_slice %arg5[%dma_wait3A, %dma_wait3A_62] : memref<80x128xi32, #tpu.memory_space<vmem>> -> memref<1x128xi32, #tpu.memory_space<vmem>>
    %dma_wait3A_64 = tpu.memref_squeeze %dma_wait3A_63 : memref<1x128xi32, #tpu.memory_space<vmem>> -> memref<128xi32, #tpu.memory_space<vmem>>
    %dma_wait3A_65 = arith.constant 0 : i32
    %dma_wait3A_66 = arith.constant 0 : i32
    %dma_wait3A_67 = tpu.memref_slice %arg4[%dma_wait3A_65, %dma_wait3A_66] : memref<10112x128xf32, #tpu.memory_space<vmem_shared>> -> memref<10112x128xf32, #tpu.memory_space<vmem_shared>>
    tpu.wait_indirect_dma semaphore(%arg7 : memref<!tpu.dma_semaphore, #tpu.memory_space<semaphore_mem>>) src(%arg6 : memref<128x128xf32, #tpu.memory_space<vmem>>) dst(%dma_wait3A_67 : memref<10112x128xf32, #tpu.memory_space<vmem_shared>>)
    %dma_wait3A_68 = arith.constant 77 : i32
    %dma_wait3A_69 = arith.constant 0 : i32
    %dma_wait3A_70 = tpu.memref_slice %arg5[%dma_wait3A_68, %dma_wait3A_69] : memref<80x128xi32, #tpu.memory_space<vmem>> -> memref<1x128xi32, #tpu.memory_space<vmem>>
    %dma_wait3A_71 = tpu.memref_squeeze %dma_wait3A_70 : memref<1x128xi32, #tpu.memory_space<vmem>> -> memref<128xi32, #tpu.memory_space<vmem>>
    %dma_wait3A_72 = arith.constant 0 : i32
    %dma_wait3A_73 = arith.constant 0 : i32
    %dma_wait3A_74 = tpu.memref_slice %arg4[%dma_wait3A_72, %dma_wait3A_73] : memref<10112x128xf32, #tpu.memory_space<vmem_shared>> -> memref<10112x128xf32, #tpu.memory_space<vmem_shared>>
    tpu.wait_indirect_dma semaphore(%arg8 : memref<!tpu.dma_semaphore, #tpu.memory_space<semaphore_mem>>) src(%arg6 : memref<128x128xf32, #tpu.memory_space<vmem>>) dst(%dma_wait3A_74 : memref<10112x128xf32, #tpu.memory_space<vmem_shared>>)
    %dma_wait3A_75 = arith.constant 78 : i32
    %dma_wait3A_76 = arith.constant 0 : i32
    %dma_wait3A_77 = tpu.memref_slice %arg5[%dma_wait3A_75, %dma_wait3A_76] : memref<80x128xi32, #tpu.memory_space<vmem>> -> memref<1x128xi32, #tpu.memory_space<vmem>>
    %dma_wait3A_78 = tpu.memref_squeeze %dma_wait3A_77 : memref<1x128xi32, #tpu.memory_space<vmem>> -> memref<128xi32, #tpu.memory_space<vmem>>
    %dma_wait3A_79 = arith.constant 0 : i32
    %dma_wait3A_80 = arith.constant 0 : i32
    %dma_wait3A_81 = tpu.memref_slice %arg4[%dma_wait3A_79, %dma_wait3A_80] : memref<10112x128xf32, #tpu.memory_space<vmem_shared>> -> memref<10112x128xf32, #tpu.memory_space<vmem_shared>>
    tpu.wait_indirect_dma semaphore(%arg9 : memref<!tpu.dma_semaphore, #tpu.memory_space<semaphore_mem>>) src(%arg6 : memref<128x128xf32, #tpu.memory_space<vmem>>) dst(%dma_wait3A_81 : memref<10112x128xf32, #tpu.memory_space<vmem_shared>>)
    %dma_wait3A_82 = arith.constant 79 : i32
    %dma_wait3A_83 = arith.constant 0 : i32
    %dma_wait3A_84 = tpu.memref_slice %arg5[%dma_wait3A_82, %dma_wait3A_83] : memref<80x128xi32, #tpu.memory_space<vmem>> -> memref<1x128xi32, #tpu.memory_space<vmem>>
    %dma_wait3A_85 = tpu.memref_squeeze %dma_wait3A_84 : memref<1x128xi32, #tpu.memory_space<vmem>> -> memref<128xi32, #tpu.memory_space<vmem>>
    %dma_wait3A_86 = arith.constant 0 : i32
    %dma_wait3A_87 = arith.constant 0 : i32
    %dma_wait3A_88 = tpu.memref_slice %arg4[%dma_wait3A_86, %dma_wait3A_87] : memref<10112x128xf32, #tpu.memory_space<vmem_shared>> -> memref<10112x128xf32, #tpu.memory_space<vmem_shared>>
    tpu.wait_indirect_dma semaphore(%arg10 : memref<!tpu.dma_semaphore, #tpu.memory_space<semaphore_mem>>) src(%arg6 : memref<128x128xf32, #tpu.memory_space<vmem>>) dst(%dma_wait3A_88 : memref<10112x128xf32, #tpu.memory_space<vmem_shared>>)
    %barrier3A_89 = arith.constant 0 : index
    tpu.barrier barrier_id(%barrier3A_89)
    "tpu.region"() ({
      %run_scoped3A = tpu.sem_alloc : memref<!tpu.dma_semaphore, #tpu.memory_space<semaphore_mem>>
      %dma_start3A_90 = arith.constant 0 : i32
      %dma_start3A_91 = tpu.memref_slice %arg3[%arg0, %mul3A_4, %dma_start3A_90] : memref<2x10112x128xf32, #tpu.memory_space<hbm>> -> memref<1x632x128xf32, #tpu.memory_space<hbm>>
      %dma_start3A_92 = tpu.memref_squeeze %dma_start3A_91 : memref<1x632x128xf32, #tpu.memory_space<hbm>> -> memref<632x128xf32, #tpu.memory_space<hbm>>
      %dma_start3A_93 = arith.constant 0 : i32
      %dma_start3A_94 = tpu.memref_slice %arg4[%mul3A_4, %dma_start3A_93] : memref<10112x128xf32, #tpu.memory_space<vmem_shared>> -> memref<632x128xf32, #tpu.memory_space<vmem_shared>>
      tpu.enqueue_dma source(%dma_start3A_94 : memref<632x128xf32, #tpu.memory_space<vmem_shared>>) target(%dma_start3A_92 : memref<632x128xf32, #tpu.memory_space<hbm>>) target_semaphore(%run_scoped3A : memref<!tpu.dma_semaphore, #tpu.memory_space<semaphore_mem>>)
      %dma_wait3A_95 = arith.constant 0 : i32
      %dma_wait3A_96 = tpu.memref_slice %arg3[%arg0, %mul3A_4, %dma_wait3A_95] : memref<2x10112x128xf32, #tpu.memory_space<hbm>> -> memref<1x632x128xf32, #tpu.memory_space<hbm>>
      %dma_wait3A_97 = tpu.memref_squeeze %dma_wait3A_96 : memref<1x632x128xf32, #tpu.memory_space<hbm>> -> memref<632x128xf32, #tpu.memory_space<hbm>>
      %dma_wait3A_98 = arith.constant 0 : i32
      %dma_wait3A_99 = tpu.memref_slice %arg4[%mul3A_4, %dma_wait3A_98] : memref<10112x128xf32, #tpu.memory_space<vmem_shared>> -> memref<632x128xf32, #tpu.memory_space<vmem_shared>>
      tpu.wait_dma2 semaphore(%run_scoped3A : memref<!tpu.dma_semaphore, #tpu.memory_space<semaphore_mem>>) src(%dma_wait3A_99 : memref<632x128xf32, #tpu.memory_space<vmem_shared>>) dst(%dma_wait3A_97 : memref<632x128xf32, #tpu.memory_space<hbm>>)
      tpu.yield
    }) : () -> ()
    return
  }
}

#map = affine_map<(d0, d1) -> (0, 0)>
#map1 = affine_map<(d0, d1) -> (0, 0, 0)>
module attributes {stable_mosaic.version = 14 : i64} {
  func.func @body(%arg0: i32, %arg1: i32, %arg2: memref<10000x128xf32, #tpu.memory_space<hbm>>, %arg3: memref<2560x128xi32, #tpu.memory_space<hbm>>, %arg4: memref<2560x128xi32, #tpu.memory_space<hbm>>, %arg5: memref<2x10112x128xf32, #tpu.memory_space<hbm>>, %arg6: memref<10112x128xf32, #tpu.memory_space<vmem_shared>>, %arg7: memref<128xi32, #tpu.memory_space<vmem>>, %arg8: memref<128xi32, #tpu.memory_space<vmem>>, %arg9: memref<128xi32, #tpu.memory_space<vmem>>, %arg10: memref<128xi32, #tpu.memory_space<vmem>>, %arg11: memref<128x128xf32, #tpu.memory_space<vmem>>, %arg12: memref<128x128xf32, #tpu.memory_space<vmem>>, %arg13: memref<!tpu.dma_semaphore, #tpu.memory_space<semaphore_mem>>, %arg14: memref<!tpu.dma_semaphore, #tpu.memory_space<semaphore_mem>>, %arg15: memref<!tpu.dma_semaphore, #tpu.memory_space<semaphore_mem>>, %arg16: memref<!tpu.dma_semaphore, #tpu.memory_space<semaphore_mem>>, %arg17: memref<!tpu.dma_semaphore, #tpu.memory_space<semaphore_mem>>, %arg18: memref<!tpu.dma_semaphore, #tpu.memory_space<semaphore_mem>>) attributes {dimension_semantics = [#tpu.dimension_semantics<core_parallel>, #tpu.dimension_semantics<subcore_parallel>], iteration_bounds = array<i64: 2, 16>, scalar_prefetch = 0 : i64, scratch_operands = 13 : i64, tpu.core_type = #tpu.core_type<sc_vector_subcore>, window_params = [{transform_indices = #map}, {transform_indices = #map}, {transform_indices = #map}, {transform_indices = #map1}]} {
    %mul3A = arith.constant 632 : i32
    %mul3A_0 = arith.muli %arg1, %mul3A : i32
    %eq3A = arith.constant 0 : i32
    %eq3A_1 = arith.cmpi eq, %arg0, %eq3A : i32
    %jit3A = arith.constant 120 : i32
    %jit3A_2 = arith.constant 40 : i32
    %select_n3A = arith.select %eq3A_1, %jit3A, %jit3A_2 : i32
    %eq3A_3 = arith.constant 0 : i32
    %eq3A_4 = arith.cmpi eq, %arg0, %eq3A_3 : i32
    %mul3A_5 = arith.constant 120 : i32
    %mul3A_6 = arith.muli %arg1, %mul3A_5 : i32
    %mul3A_7 = arith.constant 40 : i32
    %mul3A_8 = arith.muli %arg1, %mul3A_7 : i32
    %add3A = arith.constant 1920 : i32
    %add3A_9 = arith.addi %add3A, %mul3A_8 : i32
    %select_n3A_10 = arith.select %eq3A_4, %mul3A_6, %add3A_9 : i32
    %jit3A_11 = arith.constant 2 : i32
    %div3A = arith.divsi %select_n3A, %jit3A_11 : i32
    %sign3A = arith.constant 0 : i32
    %sign3A_12 = arith.cmpi sgt, %select_n3A, %sign3A : i32
    %sign3A_13 = arith.extui %sign3A_12 : i1 to i32
    %sign3A_14 = arith.constant 0 : i32
    %sign3A_15 = arith.cmpi slt, %select_n3A, %sign3A_14 : i32
    %sign3A_16 = arith.extui %sign3A_15 : i1 to i32
    %sign3A_17 = arith.subi %sign3A_13, %sign3A_16 : i32
    %sign3A_18 = arith.constant 0 : i32
    %sign3A_19 = arith.cmpi sgt, %jit3A_11, %sign3A_18 : i32
    %sign3A_20 = arith.extui %sign3A_19 : i1 to i32
    %sign3A_21 = arith.constant 0 : i32
    %sign3A_22 = arith.cmpi slt, %jit3A_11, %sign3A_21 : i32
    %sign3A_23 = arith.extui %sign3A_22 : i1 to i32
    %sign3A_24 = arith.subi %sign3A_20, %sign3A_23 : i32
    %ne3A = arith.cmpi ne, %sign3A_17, %sign3A_24 : i32
    %rem3A = arith.remsi %select_n3A, %jit3A_11 : i32
    %ne3A_25 = arith.constant 0 : i32
    %ne3A_26 = arith.cmpi ne, %rem3A, %ne3A_25 : i32
    %and3A = arith.andi %ne3A, %ne3A_26 : i1
    %sub3A = arith.constant 1 : i32
    %sub3A_27 = arith.subi %div3A, %sub3A : i32
    %select_n3A_28 = arith.select %and3A, %sub3A_27, %div3A : i32
    %broadcast_in_dim3A = arith.constant 0.000000e+00 : f32
    %broadcast_in_dim3A_29 = vector.broadcast %broadcast_in_dim3A : f32 to vector<16xf32>
    %scan3A = arith.constant 0 : i32
    %scan3A_30 = arith.constant 0 : i32
    %scan3A_31 = arith.constant 128 : i32
    %scan3A_32 = arith.addi %scan3A_30, %scan3A_31 : i32
    %scan3A_33 = arith.constant 1 : i32
    scf.for %scan3A_165 = %scan3A_30 to %scan3A_32 step %scan3A_33  : i32 {
      %swap3A = arith.index_cast %scan3A_165 : i32 to index
      %swap3A_166 = arith.constant 0 : index
      %swap3A_167 = tpu.vector_load %arg11[%swap3A, %swap3A_166] {strides = array<i32>} : memref<128x128xf32, #tpu.memory_space<vmem>>, vector<1x16xf32>,
      %swap3A_168 = vector.shape_cast %swap3A_167 : vector<1x16xf32> to vector<16xf32>
      %swap3A_169 = vector.shape_cast %broadcast_in_dim3A_29 : vector<16xf32> to vector<1x16xf32>
      tpu.vector_store %arg11[%swap3A, %swap3A_166], %swap3A_169 {strides = array<i32>} : memref<128x128xf32, #tpu.memory_space<vmem>>, vector<1x16xf32>,
      %swap3A_170 = arith.index_cast %scan3A_165 : i32 to index
      %swap3A_171 = arith.constant 16 : index
      %swap3A_172 = tpu.vector_load %arg11[%swap3A_170, %swap3A_171] {strides = array<i32>} : memref<128x128xf32, #tpu.memory_space<vmem>>, vector<1x16xf32>,
      %swap3A_173 = vector.shape_cast %swap3A_172 : vector<1x16xf32> to vector<16xf32>
      %swap3A_174 = vector.shape_cast %broadcast_in_dim3A_29 : vector<16xf32> to vector<1x16xf32>
      tpu.vector_store %arg11[%swap3A_170, %swap3A_171], %swap3A_174 {strides = array<i32>} : memref<128x128xf32, #tpu.memory_space<vmem>>, vector<1x16xf32>,
      %swap3A_175 = arith.index_cast %scan3A_165 : i32 to index
      %swap3A_176 = arith.constant 32 : index
      %swap3A_177 = tpu.vector_load %arg11[%swap3A_175, %swap3A_176] {strides = array<i32>} : memref<128x128xf32, #tpu.memory_space<vmem>>, vector<1x16xf32>,
      %swap3A_178 = vector.shape_cast %swap3A_177 : vector<1x16xf32> to vector<16xf32>
      %swap3A_179 = vector.shape_cast %broadcast_in_dim3A_29 : vector<16xf32> to vector<1x16xf32>
      tpu.vector_store %arg11[%swap3A_175, %swap3A_176], %swap3A_179 {strides = array<i32>} : memref<128x128xf32, #tpu.memory_space<vmem>>, vector<1x16xf32>,
      %swap3A_180 = arith.index_cast %scan3A_165 : i32 to index
      %swap3A_181 = arith.constant 48 : index
      %swap3A_182 = tpu.vector_load %arg11[%swap3A_180, %swap3A_181] {strides = array<i32>} : memref<128x128xf32, #tpu.memory_space<vmem>>, vector<1x16xf32>,
      %swap3A_183 = vector.shape_cast %swap3A_182 : vector<1x16xf32> to vector<16xf32>
      %swap3A_184 = vector.shape_cast %broadcast_in_dim3A_29 : vector<16xf32> to vector<1x16xf32>
      tpu.vector_store %arg11[%swap3A_180, %swap3A_181], %swap3A_184 {strides = array<i32>} : memref<128x128xf32, #tpu.memory_space<vmem>>, vector<1x16xf32>,
      %swap3A_185 = arith.index_cast %scan3A_165 : i32 to index
      %swap3A_186 = arith.constant 64 : index
      %swap3A_187 = tpu.vector_load %arg11[%swap3A_185, %swap3A_186] {strides = array<i32>} : memref<128x128xf32, #tpu.memory_space<vmem>>, vector<1x16xf32>,
      %swap3A_188 = vector.shape_cast %swap3A_187 : vector<1x16xf32> to vector<16xf32>
      %swap3A_189 = vector.shape_cast %broadcast_in_dim3A_29 : vector<16xf32> to vector<1x16xf32>
      tpu.vector_store %arg11[%swap3A_185, %swap3A_186], %swap3A_189 {strides = array<i32>} : memref<128x128xf32, #tpu.memory_space<vmem>>, vector<1x16xf32>,
      %swap3A_190 = arith.index_cast %scan3A_165 : i32 to index
      %swap3A_191 = arith.constant 80 : index
      %swap3A_192 = tpu.vector_load %arg11[%swap3A_190, %swap3A_191] {strides = array<i32>} : memref<128x128xf32, #tpu.memory_space<vmem>>, vector<1x16xf32>,
      %swap3A_193 = vector.shape_cast %swap3A_192 : vector<1x16xf32> to vector<16xf32>
      %swap3A_194 = vector.shape_cast %broadcast_in_dim3A_29 : vector<16xf32> to vector<1x16xf32>
      tpu.vector_store %arg11[%swap3A_190, %swap3A_191], %swap3A_194 {strides = array<i32>} : memref<128x128xf32, #tpu.memory_space<vmem>>, vector<1x16xf32>,
      %swap3A_195 = arith.index_cast %scan3A_165 : i32 to index
      %swap3A_196 = arith.constant 96 : index
      %swap3A_197 = tpu.vector_load %arg11[%swap3A_195, %swap3A_196] {strides = array<i32>} : memref<128x128xf32, #tpu.memory_space<vmem>>, vector<1x16xf32>,
      %swap3A_198 = vector.shape_cast %swap3A_197 : vector<1x16xf32> to vector<16xf32>
      %swap3A_199 = vector.shape_cast %broadcast_in_dim3A_29 : vector<16xf32> to vector<1x16xf32>
      tpu.vector_store %arg11[%swap3A_195, %swap3A_196], %swap3A_199 {strides = array<i32>} : memref<128x128xf32, #tpu.memory_space<vmem>>, vector<1x16xf32>,
      %swap3A_200 = arith.index_cast %scan3A_165 : i32 to index
      %swap3A_201 = arith.constant 112 : index
      %swap3A_202 = tpu.vector_load %arg11[%swap3A_200, %swap3A_201] {strides = array<i32>} : memref<128x128xf32, #tpu.memory_space<vmem>>, vector<1x16xf32>,
      %swap3A_203 = vector.shape_cast %swap3A_202 : vector<1x16xf32> to vector<16xf32>
      %swap3A_204 = vector.shape_cast %broadcast_in_dim3A_29 : vector<16xf32> to vector<1x16xf32>
      tpu.vector_store %arg11[%swap3A_200, %swap3A_201], %swap3A_204 {strides = array<i32>} : memref<128x128xf32, #tpu.memory_space<vmem>>, vector<1x16xf32>,
    }
    %scan3A_34 = arith.constant 128 : i32
    %add3A_35 = arith.constant 0 : i32
    %add3A_36 = arith.addi %mul3A_0, %add3A_35 : i32
    "tpu.region"() ({
      %run_scoped3A = tpu.sem_alloc : memref<!tpu.dma_semaphore, #tpu.memory_space<semaphore_mem>>
      %dma_start3A_165 = arith.constant 0 : i32
      %dma_start3A_166 = tpu.memref_slice %arg6[%add3A_36, %dma_start3A_165] : memref<10112x128xf32, #tpu.memory_space<vmem_shared>> -> memref<128x128xf32, #tpu.memory_space<vmem_shared>>
      %dma_start3A_167 = arith.constant 0 : i32
      %dma_start3A_168 = tpu.memref_slice %arg6[%add3A_36, %dma_start3A_167] : memref<10112x128xf32, #tpu.memory_space<vmem_shared>> -> memref<128x128xf32, #tpu.memory_space<vmem_shared>>
      tpu.enqueue_dma source(%arg11 : memref<128x128xf32, #tpu.memory_space<vmem>>) target(%dma_start3A_168 : memref<128x128xf32, #tpu.memory_space<vmem_shared>>) target_semaphore(%run_scoped3A : memref<!tpu.dma_semaphore, #tpu.memory_space<semaphore_mem>>)
      %dma_wait3A_169 = arith.constant 0 : i32
      %dma_wait3A_170 = tpu.memref_slice %arg6[%add3A_36, %dma_wait3A_169] : memref<10112x128xf32, #tpu.memory_space<vmem_shared>> -> memref<128x128xf32, #tpu.memory_space<vmem_shared>>
      %dma_wait3A_171 = arith.constant 0 : i32
      %dma_wait3A_172 = tpu.memref_slice %arg6[%add3A_36, %dma_wait3A_171] : memref<10112x128xf32, #tpu.memory_space<vmem_shared>> -> memref<128x128xf32, #tpu.memory_space<vmem_shared>>
      tpu.wait_dma2 semaphore(%run_scoped3A : memref<!tpu.dma_semaphore, #tpu.memory_space<semaphore_mem>>) src(%arg11 : memref<128x128xf32, #tpu.memory_space<vmem>>) dst(%dma_wait3A_172 : memref<128x128xf32, #tpu.memory_space<vmem_shared>>)
      tpu.yield
    }) : () -> ()
    %add3A_37 = arith.constant 128 : i32
    %add3A_38 = arith.addi %mul3A_0, %add3A_37 : i32
    "tpu.region"() ({
      %run_scoped3A = tpu.sem_alloc : memref<!tpu.dma_semaphore, #tpu.memory_space<semaphore_mem>>
      %dma_start3A_165 = arith.constant 0 : i32
      %dma_start3A_166 = tpu.memref_slice %arg6[%add3A_38, %dma_start3A_165] : memref<10112x128xf32, #tpu.memory_space<vmem_shared>> -> memref<128x128xf32, #tpu.memory_space<vmem_shared>>
      %dma_start3A_167 = arith.constant 0 : i32
      %dma_start3A_168 = tpu.memref_slice %arg6[%add3A_38, %dma_start3A_167] : memref<10112x128xf32, #tpu.memory_space<vmem_shared>> -> memref<128x128xf32, #tpu.memory_space<vmem_shared>>
      tpu.enqueue_dma source(%arg11 : memref<128x128xf32, #tpu.memory_space<vmem>>) target(%dma_start3A_168 : memref<128x128xf32, #tpu.memory_space<vmem_shared>>) target_semaphore(%run_scoped3A : memref<!tpu.dma_semaphore, #tpu.memory_space<semaphore_mem>>)
      %dma_wait3A_169 = arith.constant 0 : i32
      %dma_wait3A_170 = tpu.memref_slice %arg6[%add3A_38, %dma_wait3A_169] : memref<10112x128xf32, #tpu.memory_space<vmem_shared>> -> memref<128x128xf32, #tpu.memory_space<vmem_shared>>
      %dma_wait3A_171 = arith.constant 0 : i32
      %dma_wait3A_172 = tpu.memref_slice %arg6[%add3A_38, %dma_wait3A_171] : memref<10112x128xf32, #tpu.memory_space<vmem_shared>> -> memref<128x128xf32, #tpu.memory_space<vmem_shared>>
      tpu.wait_dma2 semaphore(%run_scoped3A : memref<!tpu.dma_semaphore, #tpu.memory_space<semaphore_mem>>) src(%arg11 : memref<128x128xf32, #tpu.memory_space<vmem>>) dst(%dma_wait3A_172 : memref<128x128xf32, #tpu.memory_space<vmem_shared>>)
      tpu.yield
    }) : () -> ()
    %add3A_39 = arith.constant 256 : i32
    %add3A_40 = arith.addi %mul3A_0, %add3A_39 : i32
    "tpu.region"() ({
      %run_scoped3A = tpu.sem_alloc : memref<!tpu.dma_semaphore, #tpu.memory_space<semaphore_mem>>
      %dma_start3A_165 = arith.constant 0 : i32
      %dma_start3A_166 = tpu.memref_slice %arg6[%add3A_40, %dma_start3A_165] : memref<10112x128xf32, #tpu.memory_space<vmem_shared>> -> memref<128x128xf32, #tpu.memory_space<vmem_shared>>
      %dma_start3A_167 = arith.constant 0 : i32
      %dma_start3A_168 = tpu.memref_slice %arg6[%add3A_40, %dma_start3A_167] : memref<10112x128xf32, #tpu.memory_space<vmem_shared>> -> memref<128x128xf32, #tpu.memory_space<vmem_shared>>
      tpu.enqueue_dma source(%arg11 : memref<128x128xf32, #tpu.memory_space<vmem>>) target(%dma_start3A_168 : memref<128x128xf32, #tpu.memory_space<vmem_shared>>) target_semaphore(%run_scoped3A : memref<!tpu.dma_semaphore, #tpu.memory_space<semaphore_mem>>)
      %dma_wait3A_169 = arith.constant 0 : i32
      %dma_wait3A_170 = tpu.memref_slice %arg6[%add3A_40, %dma_wait3A_169] : memref<10112x128xf32, #tpu.memory_space<vmem_shared>> -> memref<128x128xf32, #tpu.memory_space<vmem_shared>>
      %dma_wait3A_171 = arith.constant 0 : i32
      %dma_wait3A_172 = tpu.memref_slice %arg6[%add3A_40, %dma_wait3A_171] : memref<10112x128xf32, #tpu.memory_space<vmem_shared>> -> memref<128x128xf32, #tpu.memory_space<vmem_shared>>
      tpu.wait_dma2 semaphore(%run_scoped3A : memref<!tpu.dma_semaphore, #tpu.memory_space<semaphore_mem>>) src(%arg11 : memref<128x128xf32, #tpu.memory_space<vmem>>) dst(%dma_wait3A_172 : memref<128x128xf32, #tpu.memory_space<vmem_shared>>)
      tpu.yield
    }) : () -> ()
    %add3A_41 = arith.constant 384 : i32
    %add3A_42 = arith.addi %mul3A_0, %add3A_41 : i32
    "tpu.region"() ({
      %run_scoped3A = tpu.sem_alloc : memref<!tpu.dma_semaphore, #tpu.memory_space<semaphore_mem>>
      %dma_start3A_165 = arith.constant 0 : i32
      %dma_start3A_166 = tpu.memref_slice %arg6[%add3A_42, %dma_start3A_165] : memref<10112x128xf32, #tpu.memory_space<vmem_shared>> -> memref<128x128xf32, #tpu.memory_space<vmem_shared>>
      %dma_start3A_167 = arith.constant 0 : i32
      %dma_start3A_168 = tpu.memref_slice %arg6[%add3A_42, %dma_start3A_167] : memref<10112x128xf32, #tpu.memory_space<vmem_shared>> -> memref<128x128xf32, #tpu.memory_space<vmem_shared>>
      tpu.enqueue_dma source(%arg11 : memref<128x128xf32, #tpu.memory_space<vmem>>) target(%dma_start3A_168 : memref<128x128xf32, #tpu.memory_space<vmem_shared>>) target_semaphore(%run_scoped3A : memref<!tpu.dma_semaphore, #tpu.memory_space<semaphore_mem>>)
      %dma_wait3A_169 = arith.constant 0 : i32
      %dma_wait3A_170 = tpu.memref_slice %arg6[%add3A_42, %dma_wait3A_169] : memref<10112x128xf32, #tpu.memory_space<vmem_shared>> -> memref<128x128xf32, #tpu.memory_space<vmem_shared>>
      %dma_wait3A_171 = arith.constant 0 : i32
      %dma_wait3A_172 = tpu.memref_slice %arg6[%add3A_42, %dma_wait3A_171] : memref<10112x128xf32, #tpu.memory_space<vmem_shared>> -> memref<128x128xf32, #tpu.memory_space<vmem_shared>>
      tpu.wait_dma2 semaphore(%run_scoped3A : memref<!tpu.dma_semaphore, #tpu.memory_space<semaphore_mem>>) src(%arg11 : memref<128x128xf32, #tpu.memory_space<vmem>>) dst(%dma_wait3A_172 : memref<128x128xf32, #tpu.memory_space<vmem_shared>>)
      tpu.yield
    }) : () -> ()
    %add3A_43 = arith.constant 512 : i32
    %add3A_44 = arith.addi %mul3A_0, %add3A_43 : i32
    "tpu.region"() ({
      %run_scoped3A = tpu.sem_alloc : memref<!tpu.dma_semaphore, #tpu.memory_space<semaphore_mem>>
      %dma_start3A_165 = arith.constant 0 : i32
      %dma_start3A_166 = arith.constant 0 : i32
      %dma_start3A_167 = tpu.memref_slice %arg11[%dma_start3A_165, %dma_start3A_166] : memref<128x128xf32, #tpu.memory_space<vmem>> -> memref<120x128xf32, #tpu.memory_space<vmem>>
      %dma_start3A_168 = arith.constant 0 : i32
      %dma_start3A_169 = tpu.memref_slice %arg6[%add3A_44, %dma_start3A_168] : memref<10112x128xf32, #tpu.memory_space<vmem_shared>> -> memref<120x128xf32, #tpu.memory_space<vmem_shared>>
      %dma_start3A_170 = arith.constant 0 : i32
      %dma_start3A_171 = tpu.memref_slice %arg6[%add3A_44, %dma_start3A_170] : memref<10112x128xf32, #tpu.memory_space<vmem_shared>> -> memref<120x128xf32, #tpu.memory_space<vmem_shared>>
      %dma_start3A_172 = arith.constant 0 : i32
      %dma_start3A_173 = arith.constant 0 : i32
      %dma_start3A_174 = tpu.memref_slice %arg11[%dma_start3A_172, %dma_start3A_173] : memref<128x128xf32, #tpu.memory_space<vmem>> -> memref<120x128xf32, #tpu.memory_space<vmem>>
      tpu.enqueue_dma source(%dma_start3A_174 : memref<120x128xf32, #tpu.memory_space<vmem>>) target(%dma_start3A_171 : memref<120x128xf32, #tpu.memory_space<vmem_shared>>) target_semaphore(%run_scoped3A : memref<!tpu.dma_semaphore, #tpu.memory_space<semaphore_mem>>)
      %dma_wait3A_175 = arith.constant 0 : i32
      %dma_wait3A_176 = arith.constant 0 : i32
      %dma_wait3A_177 = tpu.memref_slice %arg11[%dma_wait3A_175, %dma_wait3A_176] : memref<128x128xf32, #tpu.memory_space<vmem>> -> memref<120x128xf32, #tpu.memory_space<vmem>>
      %dma_wait3A_178 = arith.constant 0 : i32
      %dma_wait3A_179 = tpu.memref_slice %arg6[%add3A_44, %dma_wait3A_178] : memref<10112x128xf32, #tpu.memory_space<vmem_shared>> -> memref<120x128xf32, #tpu.memory_space<vmem_shared>>
      %dma_wait3A_180 = arith.constant 0 : i32
      %dma_wait3A_181 = tpu.memref_slice %arg6[%add3A_44, %dma_wait3A_180] : memref<10112x128xf32, #tpu.memory_space<vmem_shared>> -> memref<120x128xf32, #tpu.memory_space<vmem_shared>>
      %dma_wait3A_182 = arith.constant 0 : i32
      %dma_wait3A_183 = arith.constant 0 : i32
      %dma_wait3A_184 = tpu.memref_slice %arg11[%dma_wait3A_182, %dma_wait3A_183] : memref<128x128xf32, #tpu.memory_space<vmem>> -> memref<120x128xf32, #tpu.memory_space<vmem>>
      tpu.wait_dma2 semaphore(%run_scoped3A : memref<!tpu.dma_semaphore, #tpu.memory_space<semaphore_mem>>) src(%dma_wait3A_184 : memref<120x128xf32, #tpu.memory_space<vmem>>) dst(%dma_wait3A_181 : memref<120x128xf32, #tpu.memory_space<vmem_shared>>)
      tpu.yield
    }) : () -> ()
    %barrier3A = arith.constant 0 : index
    tpu.barrier barrier_id(%barrier3A)
    %add3A_45 = arith.constant 0 : i32
    %add3A_46 = arith.addi %select_n3A_10, %add3A_45 : i32
    %dma_start3A = arith.constant 0 : i32
    %dma_start3A_47 = tpu.memref_slice %arg3[%add3A_46, %dma_start3A] : memref<2560x128xi32, #tpu.memory_space<hbm>> -> memref<1x128xi32, #tpu.memory_space<hbm>>
    %dma_start3A_48 = tpu.memref_squeeze %dma_start3A_47 : memref<1x128xi32, #tpu.memory_space<hbm>> -> memref<128xi32, #tpu.memory_space<hbm>>
    %dma_start3A_49 = arith.constant 0 : i32
    %dma_start3A_50 = tpu.memref_slice %arg3[%add3A_46, %dma_start3A_49] : memref<2560x128xi32, #tpu.memory_space<hbm>> -> memref<1x128xi32, #tpu.memory_space<hbm>>
    %dma_start3A_51 = tpu.memref_squeeze %dma_start3A_50 : memref<1x128xi32, #tpu.memory_space<hbm>> -> memref<128xi32, #tpu.memory_space<hbm>>
    tpu.enqueue_dma source(%dma_start3A_51 : memref<128xi32, #tpu.memory_space<hbm>>) target(%arg7 : memref<128xi32, #tpu.memory_space<vmem>>) target_semaphore(%arg13 : memref<!tpu.dma_semaphore, #tpu.memory_space<semaphore_mem>>)
    %add3A_52 = arith.constant 0 : i32
    %add3A_53 = arith.addi %select_n3A_10, %add3A_52 : i32
    %dma_start3A_54 = arith.constant 0 : i32
    %dma_start3A_55 = tpu.memref_slice %arg4[%add3A_53, %dma_start3A_54] : memref<2560x128xi32, #tpu.memory_space<hbm>> -> memref<1x128xi32, #tpu.memory_space<hbm>>
    %dma_start3A_56 = tpu.memref_squeeze %dma_start3A_55 : memref<1x128xi32, #tpu.memory_space<hbm>> -> memref<128xi32, #tpu.memory_space<hbm>>
    %dma_start3A_57 = arith.constant 0 : i32
    %dma_start3A_58 = tpu.memref_slice %arg4[%add3A_53, %dma_start3A_57] : memref<2560x128xi32, #tpu.memory_space<hbm>> -> memref<1x128xi32, #tpu.memory_space<hbm>>
    %dma_start3A_59 = tpu.memref_squeeze %dma_start3A_58 : memref<1x128xi32, #tpu.memory_space<hbm>> -> memref<128xi32, #tpu.memory_space<hbm>>
    tpu.enqueue_dma source(%dma_start3A_59 : memref<128xi32, #tpu.memory_space<hbm>>) target(%arg9 : memref<128xi32, #tpu.memory_space<vmem>>) target_semaphore(%arg13 : memref<!tpu.dma_semaphore, #tpu.memory_space<semaphore_mem>>)
    %add3A_60 = arith.constant 1 : i32
    %add3A_61 = arith.addi %select_n3A_10, %add3A_60 : i32
    %dma_start3A_62 = arith.constant 0 : i32
    %dma_start3A_63 = tpu.memref_slice %arg3[%add3A_61, %dma_start3A_62] : memref<2560x128xi32, #tpu.memory_space<hbm>> -> memref<1x128xi32, #tpu.memory_space<hbm>>
    %dma_start3A_64 = tpu.memref_squeeze %dma_start3A_63 : memref<1x128xi32, #tpu.memory_space<hbm>> -> memref<128xi32, #tpu.memory_space<hbm>>
    %dma_start3A_65 = arith.constant 0 : i32
    %dma_start3A_66 = tpu.memref_slice %arg3[%add3A_61, %dma_start3A_65] : memref<2560x128xi32, #tpu.memory_space<hbm>> -> memref<1x128xi32, #tpu.memory_space<hbm>>
    %dma_start3A_67 = tpu.memref_squeeze %dma_start3A_66 : memref<1x128xi32, #tpu.memory_space<hbm>> -> memref<128xi32, #tpu.memory_space<hbm>>
    tpu.enqueue_dma source(%dma_start3A_67 : memref<128xi32, #tpu.memory_space<hbm>>) target(%arg8 : memref<128xi32, #tpu.memory_space<vmem>>) target_semaphore(%arg14 : memref<!tpu.dma_semaphore, #tpu.memory_space<semaphore_mem>>)
    %add3A_68 = arith.constant 1 : i32
    %add3A_69 = arith.addi %select_n3A_10, %add3A_68 : i32
    %dma_start3A_70 = arith.constant 0 : i32
    %dma_start3A_71 = tpu.memref_slice %arg4[%add3A_69, %dma_start3A_70] : memref<2560x128xi32, #tpu.memory_space<hbm>> -> memref<1x128xi32, #tpu.memory_space<hbm>>
    %dma_start3A_72 = tpu.memref_squeeze %dma_start3A_71 : memref<1x128xi32, #tpu.memory_space<hbm>> -> memref<128xi32, #tpu.memory_space<hbm>>
    %dma_start3A_73 = arith.constant 0 : i32
    %dma_start3A_74 = tpu.memref_slice %arg4[%add3A_69, %dma_start3A_73] : memref<2560x128xi32, #tpu.memory_space<hbm>> -> memref<1x128xi32, #tpu.memory_space<hbm>>
    %dma_start3A_75 = tpu.memref_squeeze %dma_start3A_74 : memref<1x128xi32, #tpu.memory_space<hbm>> -> memref<128xi32, #tpu.memory_space<hbm>>
    tpu.enqueue_dma source(%dma_start3A_75 : memref<128xi32, #tpu.memory_space<hbm>>) target(%arg10 : memref<128xi32, #tpu.memory_space<vmem>>) target_semaphore(%arg14 : memref<!tpu.dma_semaphore, #tpu.memory_space<semaphore_mem>>)
    %add3A_76 = arith.constant 0 : i32
    %add3A_77 = arith.addi %select_n3A_10, %add3A_76 : i32
    %dma_wait3A = arith.constant 0 : i32
    %dma_wait3A_78 = tpu.memref_slice %arg3[%add3A_77, %dma_wait3A] : memref<2560x128xi32, #tpu.memory_space<hbm>> -> memref<1x128xi32, #tpu.memory_space<hbm>>
    %dma_wait3A_79 = tpu.memref_squeeze %dma_wait3A_78 : memref<1x128xi32, #tpu.memory_space<hbm>> -> memref<128xi32, #tpu.memory_space<hbm>>
    %dma_wait3A_80 = arith.constant 0 : i32
    %dma_wait3A_81 = tpu.memref_slice %arg3[%add3A_77, %dma_wait3A_80] : memref<2560x128xi32, #tpu.memory_space<hbm>> -> memref<1x128xi32, #tpu.memory_space<hbm>>
    %dma_wait3A_82 = tpu.memref_squeeze %dma_wait3A_81 : memref<1x128xi32, #tpu.memory_space<hbm>> -> memref<128xi32, #tpu.memory_space<hbm>>
    tpu.wait_dma2 semaphore(%arg13 : memref<!tpu.dma_semaphore, #tpu.memory_space<semaphore_mem>>) src(%dma_wait3A_82 : memref<128xi32, #tpu.memory_space<hbm>>) dst(%arg7 : memref<128xi32, #tpu.memory_space<vmem>>)
    %add3A_83 = arith.constant 0 : i32
    %add3A_84 = arith.addi %select_n3A_10, %add3A_83 : i32
    %dma_wait3A_85 = arith.constant 0 : i32
    %dma_wait3A_86 = tpu.memref_slice %arg4[%add3A_84, %dma_wait3A_85] : memref<2560x128xi32, #tpu.memory_space<hbm>> -> memref<1x128xi32, #tpu.memory_space<hbm>>
    %dma_wait3A_87 = tpu.memref_squeeze %dma_wait3A_86 : memref<1x128xi32, #tpu.memory_space<hbm>> -> memref<128xi32, #tpu.memory_space<hbm>>
    %dma_wait3A_88 = arith.constant 0 : i32
    %dma_wait3A_89 = tpu.memref_slice %arg4[%add3A_84, %dma_wait3A_88] : memref<2560x128xi32, #tpu.memory_space<hbm>> -> memref<1x128xi32, #tpu.memory_space<hbm>>
    %dma_wait3A_90 = tpu.memref_squeeze %dma_wait3A_89 : memref<1x128xi32, #tpu.memory_space<hbm>> -> memref<128xi32, #tpu.memory_space<hbm>>
    tpu.wait_dma2 semaphore(%arg13 : memref<!tpu.dma_semaphore, #tpu.memory_space<semaphore_mem>>) src(%dma_wait3A_90 : memref<128xi32, #tpu.memory_space<hbm>>) dst(%arg9 : memref<128xi32, #tpu.memory_space<vmem>>)
    %dma_start3A_91 = arith.constant 0 : i32
    %dma_start3A_92 = arith.constant 0 : i32
    %dma_start3A_93 = tpu.memref_slice %arg2[%dma_start3A_91, %dma_start3A_92] : memref<10000x128xf32, #tpu.memory_space<hbm>> -> memref<10000x128xf32, #tpu.memory_space<hbm>>
    tpu.enqueue_indirect_dma source(%dma_start3A_93 : memref<10000x128xf32, #tpu.memory_space<hbm>>) target(%arg11 : memref<128x128xf32, #tpu.memory_space<vmem>>) offsets(%arg7 : memref<128xi32, #tpu.memory_space<vmem>>) semaphore(%arg15 : memref<!tpu.dma_semaphore, #tpu.memory_space<semaphore_mem>>)
    %add3A_94 = arith.constant 1 : i32
    %add3A_95 = arith.addi %select_n3A_10, %add3A_94 : i32
    %dma_wait3A_96 = arith.constant 0 : i32
    %dma_wait3A_97 = tpu.memref_slice %arg3[%add3A_95, %dma_wait3A_96] : memref<2560x128xi32, #tpu.memory_space<hbm>> -> memref<1x128xi32, #tpu.memory_space<hbm>>
    %dma_wait3A_98 = tpu.memref_squeeze %dma_wait3A_97 : memref<1x128xi32, #tpu.memory_space<hbm>> -> memref<128xi32, #tpu.memory_space<hbm>>
    %dma_wait3A_99 = arith.constant 0 : i32
    %dma_wait3A_100 = tpu.memref_slice %arg3[%add3A_95, %dma_wait3A_99] : memref<2560x128xi32, #tpu.memory_space<hbm>> -> memref<1x128xi32, #tpu.memory_space<hbm>>
    %dma_wait3A_101 = tpu.memref_squeeze %dma_wait3A_100 : memref<1x128xi32, #tpu.memory_space<hbm>> -> memref<128xi32, #tpu.memory_space<hbm>>
    tpu.wait_dma2 semaphore(%arg14 : memref<!tpu.dma_semaphore, #tpu.memory_space<semaphore_mem>>) src(%dma_wait3A_101 : memref<128xi32, #tpu.memory_space<hbm>>) dst(%arg8 : memref<128xi32, #tpu.memory_space<vmem>>)
    %add3A_102 = arith.constant 1 : i32
    %add3A_103 = arith.addi %select_n3A_10, %add3A_102 : i32
    %dma_wait3A_104 = arith.constant 0 : i32
    %dma_wait3A_105 = tpu.memref_slice %arg4[%add3A_103, %dma_wait3A_104] : memref<2560x128xi32, #tpu.memory_space<hbm>> -> memref<1x128xi32, #tpu.memory_space<hbm>>
    %dma_wait3A_106 = tpu.memref_squeeze %dma_wait3A_105 : memref<1x128xi32, #tpu.memory_space<hbm>> -> memref<128xi32, #tpu.memory_space<hbm>>
    %dma_wait3A_107 = arith.constant 0 : i32
    %dma_wait3A_108 = tpu.memref_slice %arg4[%add3A_103, %dma_wait3A_107] : memref<2560x128xi32, #tpu.memory_space<hbm>> -> memref<1x128xi32, #tpu.memory_space<hbm>>
    %dma_wait3A_109 = tpu.memref_squeeze %dma_wait3A_108 : memref<1x128xi32, #tpu.memory_space<hbm>> -> memref<128xi32, #tpu.memory_space<hbm>>
    tpu.wait_dma2 semaphore(%arg14 : memref<!tpu.dma_semaphore, #tpu.memory_space<semaphore_mem>>) src(%dma_wait3A_109 : memref<128xi32, #tpu.memory_space<hbm>>) dst(%arg10 : memref<128xi32, #tpu.memory_space<vmem>>)
    %dma_start3A_110 = arith.constant 0 : i32
    %dma_start3A_111 = arith.constant 0 : i32
    %dma_start3A_112 = tpu.memref_slice %arg2[%dma_start3A_110, %dma_start3A_111] : memref<10000x128xf32, #tpu.memory_space<hbm>> -> memref<10000x128xf32, #tpu.memory_space<hbm>>
    tpu.enqueue_indirect_dma source(%dma_start3A_112 : memref<10000x128xf32, #tpu.memory_space<hbm>>) target(%arg12 : memref<128x128xf32, #tpu.memory_space<vmem>>) offsets(%arg8 : memref<128xi32, #tpu.memory_space<vmem>>) semaphore(%arg16 : memref<!tpu.dma_semaphore, #tpu.memory_space<semaphore_mem>>)
    %sub3A_113 = arith.constant 1 : i32
    %sub3A_114 = arith.subi %select_n3A_28, %sub3A_113 : i32
    %while3A = arith.constant 0 : i32
    %while3A_115 = arith.constant 0 : i32
    %while3A_116 = arith.subi %sub3A_114, %while3A_115 : i32
    %while3A_117 = arith.addi %while3A_115, %while3A_116 : i32
    %while3A_118 = arith.constant 1 : i32
    %while3A_119 = arith.divsi %while3A_116, %while3A_118 : i32
    %while3A_120 = arith.muli %while3A_119, %while3A_118 : i32
    %while3A_121 = arith.addi %while3A_115, %while3A_120 : i32
    %while3A_122 = arith.constant 1 : i32
    scf.for %while3A_165 = %while3A_115 to %while3A_121 step %while3A_122  : i32 {
      %mul3A_166 = arith.constant 2 : i32
      %mul3A_167 = arith.muli %mul3A_166, %while3A_165 : i32
      %add3A_168 = arith.constant 0 : i32
      %add3A_169 = arith.addi %mul3A_167, %add3A_168 : i32
      %dma_wait3A_170 = arith.constant 0 : i32
      %dma_wait3A_171 = arith.constant 0 : i32
      %dma_wait3A_172 = tpu.memref_slice %arg2[%dma_wait3A_170, %dma_wait3A_171] : memref<10000x128xf32, #tpu.memory_space<hbm>> -> memref<10000x128xf32, #tpu.memory_space<hbm>>
      tpu.wait_indirect_dma semaphore(%arg15 : memref<!tpu.dma_semaphore, #tpu.memory_space<semaphore_mem>>) src(%dma_wait3A_172 : memref<10000x128xf32, #tpu.memory_space<hbm>>) dst(%arg11 : memref<128x128xf32, #tpu.memory_space<vmem>>)
      %dma_start3A_173 = arith.constant 0 : i32
      %dma_start3A_174 = arith.constant 0 : i32
      %dma_start3A_175 = tpu.memref_slice %arg6[%dma_start3A_173, %dma_start3A_174] : memref<10112x128xf32, #tpu.memory_space<vmem_shared>> -> memref<10112x128xf32, #tpu.memory_space<vmem_shared>>
      tpu.enqueue_indirect_dma source(%arg11 : memref<128x128xf32, #tpu.memory_space<vmem>>) target(%dma_start3A_175 : memref<10112x128xf32, #tpu.memory_space<vmem_shared>>) offsets(%arg9 : memref<128xi32, #tpu.memory_space<vmem>>) semaphore(%arg17 : memref<!tpu.dma_semaphore, #tpu.memory_space<semaphore_mem>>) {add = true}
      %add3A_176 = arith.addi %select_n3A_10, %add3A_169 : i32
      %add3A_177 = arith.constant 2 : i32
      %add3A_178 = arith.addi %add3A_176, %add3A_177 : i32
      %dma_start3A_179 = arith.constant 0 : i32
      %dma_start3A_180 = tpu.memref_slice %arg3[%add3A_178, %dma_start3A_179] : memref<2560x128xi32, #tpu.memory_space<hbm>> -> memref<1x128xi32, #tpu.memory_space<hbm>>
      %dma_start3A_181 = tpu.memref_squeeze %dma_start3A_180 : memref<1x128xi32, #tpu.memory_space<hbm>> -> memref<128xi32, #tpu.memory_space<hbm>>
      %dma_start3A_182 = arith.constant 0 : i32
      %dma_start3A_183 = tpu.memref_slice %arg3[%add3A_178, %dma_start3A_182] : memref<2560x128xi32, #tpu.memory_space<hbm>> -> memref<1x128xi32, #tpu.memory_space<hbm>>
      %dma_start3A_184 = tpu.memref_squeeze %dma_start3A_183 : memref<1x128xi32, #tpu.memory_space<hbm>> -> memref<128xi32, #tpu.memory_space<hbm>>
      tpu.enqueue_dma source(%dma_start3A_184 : memref<128xi32, #tpu.memory_space<hbm>>) target(%arg7 : memref<128xi32, #tpu.memory_space<vmem>>) target_semaphore(%arg13 : memref<!tpu.dma_semaphore, #tpu.memory_space<semaphore_mem>>)
      %mul3A_185 = arith.constant 2 : i32
      %mul3A_186 = arith.muli %mul3A_185, %while3A_165 : i32
      %add3A_187 = arith.constant 1 : i32
      %add3A_188 = arith.addi %mul3A_186, %add3A_187 : i32
      %dma_wait3A_189 = arith.constant 0 : i32
      %dma_wait3A_190 = arith.constant 0 : i32
      %dma_wait3A_191 = tpu.memref_slice %arg2[%dma_wait3A_189, %dma_wait3A_190] : memref<10000x128xf32, #tpu.memory_space<hbm>> -> memref<10000x128xf32, #tpu.memory_space<hbm>>
      tpu.wait_indirect_dma semaphore(%arg16 : memref<!tpu.dma_semaphore, #tpu.memory_space<semaphore_mem>>) src(%dma_wait3A_191 : memref<10000x128xf32, #tpu.memory_space<hbm>>) dst(%arg12 : memref<128x128xf32, #tpu.memory_space<vmem>>)
      %dma_start3A_192 = arith.constant 0 : i32
      %dma_start3A_193 = arith.constant 0 : i32
      %dma_start3A_194 = tpu.memref_slice %arg6[%dma_start3A_192, %dma_start3A_193] : memref<10112x128xf32, #tpu.memory_space<vmem_shared>> -> memref<10112x128xf32, #tpu.memory_space<vmem_shared>>
      tpu.enqueue_indirect_dma source(%arg12 : memref<128x128xf32, #tpu.memory_space<vmem>>) target(%dma_start3A_194 : memref<10112x128xf32, #tpu.memory_space<vmem_shared>>) offsets(%arg10 : memref<128xi32, #tpu.memory_space<vmem>>) semaphore(%arg18 : memref<!tpu.dma_semaphore, #tpu.memory_space<semaphore_mem>>) {add = true}
      %add3A_195 = arith.addi %select_n3A_10, %add3A_188 : i32
      %add3A_196 = arith.constant 2 : i32
      %add3A_197 = arith.addi %add3A_195, %add3A_196 : i32
      %dma_start3A_198 = arith.constant 0 : i32
      %dma_start3A_199 = tpu.memref_slice %arg3[%add3A_197, %dma_start3A_198] : memref<2560x128xi32, #tpu.memory_space<hbm>> -> memref<1x128xi32, #tpu.memory_space<hbm>>
      %dma_start3A_200 = tpu.memref_squeeze %dma_start3A_199 : memref<1x128xi32, #tpu.memory_space<hbm>> -> memref<128xi32, #tpu.memory_space<hbm>>
      %dma_start3A_201 = arith.constant 0 : i32
      %dma_start3A_202 = tpu.memref_slice %arg3[%add3A_197, %dma_start3A_201] : memref<2560x128xi32, #tpu.memory_space<hbm>> -> memref<1x128xi32, #tpu.memory_space<hbm>>
      %dma_start3A_203 = tpu.memref_squeeze %dma_start3A_202 : memref<1x128xi32, #tpu.memory_space<hbm>> -> memref<128xi32, #tpu.memory_space<hbm>>
      tpu.enqueue_dma source(%dma_start3A_203 : memref<128xi32, #tpu.memory_space<hbm>>) target(%arg8 : memref<128xi32, #tpu.memory_space<vmem>>) target_semaphore(%arg14 : memref<!tpu.dma_semaphore, #tpu.memory_space<semaphore_mem>>)
      %add3A_204 = arith.constant 1 : i32
      %add3A_205 = arith.addi %while3A_165, %add3A_204 : i32
      %mul3A_206 = arith.constant 2 : i32
      %mul3A_207 = arith.muli %mul3A_206, %add3A_205 : i32
      %add3A_208 = arith.constant 0 : i32
      %add3A_209 = arith.addi %mul3A_207, %add3A_208 : i32
      %dma_wait3A_210 = arith.constant 0 : i32
      %dma_wait3A_211 = arith.constant 0 : i32
      %dma_wait3A_212 = tpu.memref_slice %arg6[%dma_wait3A_210, %dma_wait3A_211] : memref<10112x128xf32, #tpu.memory_space<vmem_shared>> -> memref<10112x128xf32, #tpu.memory_space<vmem_shared>>
      tpu.wait_indirect_dma semaphore(%arg17 : memref<!tpu.dma_semaphore, #tpu.memory_space<semaphore_mem>>) src(%arg11 : memref<128x128xf32, #tpu.memory_space<vmem>>) dst(%dma_wait3A_212 : memref<10112x128xf32, #tpu.memory_space<vmem_shared>>)
      %add3A_213 = arith.addi %select_n3A_10, %add3A_209 : i32
      %dma_wait3A_214 = arith.constant 0 : i32
      %dma_wait3A_215 = tpu.memref_slice %arg3[%add3A_213, %dma_wait3A_214] : memref<2560x128xi32, #tpu.memory_space<hbm>> -> memref<1x128xi32, #tpu.memory_space<hbm>>
      %dma_wait3A_216 = tpu.memref_squeeze %dma_wait3A_215 : memref<1x128xi32, #tpu.memory_space<hbm>> -> memref<128xi32, #tpu.memory_space<hbm>>
      %dma_wait3A_217 = arith.constant 0 : i32
      %dma_wait3A_218 = tpu.memref_slice %arg3[%add3A_213, %dma_wait3A_217] : memref<2560x128xi32, #tpu.memory_space<hbm>> -> memref<1x128xi32, #tpu.memory_space<hbm>>
      %dma_wait3A_219 = tpu.memref_squeeze %dma_wait3A_218 : memref<1x128xi32, #tpu.memory_space<hbm>> -> memref<128xi32, #tpu.memory_space<hbm>>
      tpu.wait_dma2 semaphore(%arg13 : memref<!tpu.dma_semaphore, #tpu.memory_space<semaphore_mem>>) src(%dma_wait3A_219 : memref<128xi32, #tpu.memory_space<hbm>>) dst(%arg7 : memref<128xi32, #tpu.memory_space<vmem>>)
      %add3A_220 = arith.addi %select_n3A_10, %add3A_209 : i32
      %dma_start3A_221 = arith.constant 0 : i32
      %dma_start3A_222 = tpu.memref_slice %arg4[%add3A_220, %dma_start3A_221] : memref<2560x128xi32, #tpu.memory_space<hbm>> -> memref<1x128xi32, #tpu.memory_space<hbm>>
      %dma_start3A_223 = tpu.memref_squeeze %dma_start3A_222 : memref<1x128xi32, #tpu.memory_space<hbm>> -> memref<128xi32, #tpu.memory_space<hbm>>
      %dma_start3A_224 = arith.constant 0 : i32
      %dma_start3A_225 = tpu.memref_slice %arg4[%add3A_220, %dma_start3A_224] : memref<2560x128xi32, #tpu.memory_space<hbm>> -> memref<1x128xi32, #tpu.memory_space<hbm>>
      %dma_start3A_226 = tpu.memref_squeeze %dma_start3A_225 : memref<1x128xi32, #tpu.memory_space<hbm>> -> memref<128xi32, #tpu.memory_space<hbm>>
      tpu.enqueue_dma source(%dma_start3A_226 : memref<128xi32, #tpu.memory_space<hbm>>) target(%arg9 : memref<128xi32, #tpu.memory_space<vmem>>) target_semaphore(%arg13 : memref<!tpu.dma_semaphore, #tpu.memory_space<semaphore_mem>>)
      %dma_start3A_227 = arith.constant 0 : i32
      %dma_start3A_228 = arith.constant 0 : i32
      %dma_start3A_229 = tpu.memref_slice %arg2[%dma_start3A_227, %dma_start3A_228] : memref<10000x128xf32, #tpu.memory_space<hbm>> -> memref<10000x128xf32, #tpu.memory_space<hbm>>
      tpu.enqueue_indirect_dma source(%dma_start3A_229 : memref<10000x128xf32, #tpu.memory_space<hbm>>) target(%arg11 : memref<128x128xf32, #tpu.memory_space<vmem>>) offsets(%arg7 : memref<128xi32, #tpu.memory_space<vmem>>) semaphore(%arg15 : memref<!tpu.dma_semaphore, #tpu.memory_space<semaphore_mem>>)
      %add3A_230 = arith.addi %select_n3A_10, %add3A_209 : i32
      %dma_wait3A_231 = arith.constant 0 : i32
      %dma_wait3A_232 = tpu.memref_slice %arg4[%add3A_230, %dma_wait3A_231] : memref<2560x128xi32, #tpu.memory_space<hbm>> -> memref<1x128xi32, #tpu.memory_space<hbm>>
      %dma_wait3A_233 = tpu.memref_squeeze %dma_wait3A_232 : memref<1x128xi32, #tpu.memory_space<hbm>> -> memref<128xi32, #tpu.memory_space<hbm>>
      %dma_wait3A_234 = arith.constant 0 : i32
      %dma_wait3A_235 = tpu.memref_slice %arg4[%add3A_230, %dma_wait3A_234] : memref<2560x128xi32, #tpu.memory_space<hbm>> -> memref<1x128xi32, #tpu.memory_space<hbm>>
      %dma_wait3A_236 = tpu.memref_squeeze %dma_wait3A_235 : memref<1x128xi32, #tpu.memory_space<hbm>> -> memref<128xi32, #tpu.memory_space<hbm>>
      tpu.wait_dma2 semaphore(%arg13 : memref<!tpu.dma_semaphore, #tpu.memory_space<semaphore_mem>>) src(%dma_wait3A_236 : memref<128xi32, #tpu.memory_space<hbm>>) dst(%arg9 : memref<128xi32, #tpu.memory_space<vmem>>)
      %add3A_237 = arith.constant 1 : i32
      %add3A_238 = arith.addi %while3A_165, %add3A_237 : i32
      %mul3A_239 = arith.constant 2 : i32
      %mul3A_240 = arith.muli %mul3A_239, %add3A_238 : i32
      %add3A_241 = arith.constant 1 : i32
      %add3A_242 = arith.addi %mul3A_240, %add3A_241 : i32
      %dma_wait3A_243 = arith.constant 0 : i32
      %dma_wait3A_244 = arith.constant 0 : i32
      %dma_wait3A_245 = tpu.memref_slice %arg6[%dma_wait3A_243, %dma_wait3A_244] : memref<10112x128xf32, #tpu.memory_space<vmem_shared>> -> memref<10112x128xf32, #tpu.memory_space<vmem_shared>>
      tpu.wait_indirect_dma semaphore(%arg18 : memref<!tpu.dma_semaphore, #tpu.memory_space<semaphore_mem>>) src(%arg12 : memref<128x128xf32, #tpu.memory_space<vmem>>) dst(%dma_wait3A_245 : memref<10112x128xf32, #tpu.memory_space<vmem_shared>>)
      %add3A_246 = arith.addi %select_n3A_10, %add3A_242 : i32
      %dma_wait3A_247 = arith.constant 0 : i32
      %dma_wait3A_248 = tpu.memref_slice %arg3[%add3A_246, %dma_wait3A_247] : memref<2560x128xi32, #tpu.memory_space<hbm>> -> memref<1x128xi32, #tpu.memory_space<hbm>>
      %dma_wait3A_249 = tpu.memref_squeeze %dma_wait3A_248 : memref<1x128xi32, #tpu.memory_space<hbm>> -> memref<128xi32, #tpu.memory_space<hbm>>
      %dma_wait3A_250 = arith.constant 0 : i32
      %dma_wait3A_251 = tpu.memref_slice %arg3[%add3A_246, %dma_wait3A_250] : memref<2560x128xi32, #tpu.memory_space<hbm>> -> memref<1x128xi32, #tpu.memory_space<hbm>>
      %dma_wait3A_252 = tpu.memref_squeeze %dma_wait3A_251 : memref<1x128xi32, #tpu.memory_space<hbm>> -> memref<128xi32, #tpu.memory_space<hbm>>
      tpu.wait_dma2 semaphore(%arg14 : memref<!tpu.dma_semaphore, #tpu.memory_space<semaphore_mem>>) src(%dma_wait3A_252 : memref<128xi32, #tpu.memory_space<hbm>>) dst(%arg8 : memref<128xi32, #tpu.memory_space<vmem>>)
      %add3A_253 = arith.addi %select_n3A_10, %add3A_242 : i32
      %dma_start3A_254 = arith.constant 0 : i32
      %dma_start3A_255 = tpu.memref_slice %arg4[%add3A_253, %dma_start3A_254] : memref<2560x128xi32, #tpu.memory_space<hbm>> -> memref<1x128xi32, #tpu.memory_space<hbm>>
      %dma_start3A_256 = tpu.memref_squeeze %dma_start3A_255 : memref<1x128xi32, #tpu.memory_space<hbm>> -> memref<128xi32, #tpu.memory_space<hbm>>
      %dma_start3A_257 = arith.constant 0 : i32
      %dma_start3A_258 = tpu.memref_slice %arg4[%add3A_253, %dma_start3A_257] : memref<2560x128xi32, #tpu.memory_space<hbm>> -> memref<1x128xi32, #tpu.memory_space<hbm>>
      %dma_start3A_259 = tpu.memref_squeeze %dma_start3A_258 : memref<1x128xi32, #tpu.memory_space<hbm>> -> memref<128xi32, #tpu.memory_space<hbm>>
      tpu.enqueue_dma source(%dma_start3A_259 : memref<128xi32, #tpu.memory_space<hbm>>) target(%arg10 : memref<128xi32, #tpu.memory_space<vmem>>) target_semaphore(%arg14 : memref<!tpu.dma_semaphore, #tpu.memory_space<semaphore_mem>>)
      %dma_start3A_260 = arith.constant 0 : i32
      %dma_start3A_261 = arith.constant 0 : i32
      %dma_start3A_262 = tpu.memref_slice %arg2[%dma_start3A_260, %dma_start3A_261] : memref<10000x128xf32, #tpu.memory_space<hbm>> -> memref<10000x128xf32, #tpu.memory_space<hbm>>
      tpu.enqueue_indirect_dma source(%dma_start3A_262 : memref<10000x128xf32, #tpu.memory_space<hbm>>) target(%arg12 : memref<128x128xf32, #tpu.memory_space<vmem>>) offsets(%arg8 : memref<128xi32, #tpu.memory_space<vmem>>) semaphore(%arg16 : memref<!tpu.dma_semaphore, #tpu.memory_space<semaphore_mem>>)
      %add3A_263 = arith.addi %select_n3A_10, %add3A_242 : i32
      %dma_wait3A_264 = arith.constant 0 : i32
      %dma_wait3A_265 = tpu.memref_slice %arg4[%add3A_263, %dma_wait3A_264] : memref<2560x128xi32, #tpu.memory_space<hbm>> -> memref<1x128xi32, #tpu.memory_space<hbm>>
      %dma_wait3A_266 = tpu.memref_squeeze %dma_wait3A_265 : memref<1x128xi32, #tpu.memory_space<hbm>> -> memref<128xi32, #tpu.memory_space<hbm>>
      %dma_wait3A_267 = arith.constant 0 : i32
      %dma_wait3A_268 = tpu.memref_slice %arg4[%add3A_263, %dma_wait3A_267] : memref<2560x128xi32, #tpu.memory_space<hbm>> -> memref<1x128xi32, #tpu.memory_space<hbm>>
      %dma_wait3A_269 = tpu.memref_squeeze %dma_wait3A_268 : memref<1x128xi32, #tpu.memory_space<hbm>> -> memref<128xi32, #tpu.memory_space<hbm>>
      tpu.wait_dma2 semaphore(%arg14 : memref<!tpu.dma_semaphore, #tpu.memory_space<semaphore_mem>>) src(%dma_wait3A_269 : memref<128xi32, #tpu.memory_space<hbm>>) dst(%arg10 : memref<128xi32, #tpu.memory_space<vmem>>)
    }
    %while3A_123 = arith.constant 1 : i32
    scf.for %while3A_165 = %while3A_121 to %while3A_117 step %while3A_123  : i32 {
      %mul3A_166 = arith.constant 2 : i32
      %mul3A_167 = arith.muli %mul3A_166, %while3A_165 : i32
      %add3A_168 = arith.constant 0 : i32
      %add3A_169 = arith.addi %mul3A_167, %add3A_168 : i32
      %dma_wait3A_170 = arith.constant 0 : i32
      %dma_wait3A_171 = arith.constant 0 : i32
      %dma_wait3A_172 = tpu.memref_slice %arg2[%dma_wait3A_170, %dma_wait3A_171] : memref<10000x128xf32, #tpu.memory_space<hbm>> -> memref<10000x128xf32, #tpu.memory_space<hbm>>
      tpu.wait_indirect_dma semaphore(%arg15 : memref<!tpu.dma_semaphore, #tpu.memory_space<semaphore_mem>>) src(%dma_wait3A_172 : memref<10000x128xf32, #tpu.memory_space<hbm>>) dst(%arg11 : memref<128x128xf32, #tpu.memory_space<vmem>>)
      %dma_start3A_173 = arith.constant 0 : i32
      %dma_start3A_174 = arith.constant 0 : i32
      %dma_start3A_175 = tpu.memref_slice %arg6[%dma_start3A_173, %dma_start3A_174] : memref<10112x128xf32, #tpu.memory_space<vmem_shared>> -> memref<10112x128xf32, #tpu.memory_space<vmem_shared>>
      tpu.enqueue_indirect_dma source(%arg11 : memref<128x128xf32, #tpu.memory_space<vmem>>) target(%dma_start3A_175 : memref<10112x128xf32, #tpu.memory_space<vmem_shared>>) offsets(%arg9 : memref<128xi32, #tpu.memory_space<vmem>>) semaphore(%arg17 : memref<!tpu.dma_semaphore, #tpu.memory_space<semaphore_mem>>) {add = true}
      %add3A_176 = arith.addi %select_n3A_10, %add3A_169 : i32
      %add3A_177 = arith.constant 2 : i32
      %add3A_178 = arith.addi %add3A_176, %add3A_177 : i32
      %dma_start3A_179 = arith.constant 0 : i32
      %dma_start3A_180 = tpu.memref_slice %arg3[%add3A_178, %dma_start3A_179] : memref<2560x128xi32, #tpu.memory_space<hbm>> -> memref<1x128xi32, #tpu.memory_space<hbm>>
      %dma_start3A_181 = tpu.memref_squeeze %dma_start3A_180 : memref<1x128xi32, #tpu.memory_space<hbm>> -> memref<128xi32, #tpu.memory_space<hbm>>
      %dma_start3A_182 = arith.constant 0 : i32
      %dma_start3A_183 = tpu.memref_slice %arg3[%add3A_178, %dma_start3A_182] : memref<2560x128xi32, #tpu.memory_space<hbm>> -> memref<1x128xi32, #tpu.memory_space<hbm>>
      %dma_start3A_184 = tpu.memref_squeeze %dma_start3A_183 : memref<1x128xi32, #tpu.memory_space<hbm>> -> memref<128xi32, #tpu.memory_space<hbm>>
      tpu.enqueue_dma source(%dma_start3A_184 : memref<128xi32, #tpu.memory_space<hbm>>) target(%arg7 : memref<128xi32, #tpu.memory_space<vmem>>) target_semaphore(%arg13 : memref<!tpu.dma_semaphore, #tpu.memory_space<semaphore_mem>>)
      %mul3A_185 = arith.constant 2 : i32
      %mul3A_186 = arith.muli %mul3A_185, %while3A_165 : i32
      %add3A_187 = arith.constant 1 : i32
      %add3A_188 = arith.addi %mul3A_186, %add3A_187 : i32
      %dma_wait3A_189 = arith.constant 0 : i32
      %dma_wait3A_190 = arith.constant 0 : i32
      %dma_wait3A_191 = tpu.memref_slice %arg2[%dma_wait3A_189, %dma_wait3A_190] : memref<10000x128xf32, #tpu.memory_space<hbm>> -> memref<10000x128xf32, #tpu.memory_space<hbm>>
      tpu.wait_indirect_dma semaphore(%arg16 : memref<!tpu.dma_semaphore, #tpu.memory_space<semaphore_mem>>) src(%dma_wait3A_191 : memref<10000x128xf32, #tpu.memory_space<hbm>>) dst(%arg12 : memref<128x128xf32, #tpu.memory_space<vmem>>)
      %dma_start3A_192 = arith.constant 0 : i32
      %dma_start3A_193 = arith.constant 0 : i32
      %dma_start3A_194 = tpu.memref_slice %arg6[%dma_start3A_192, %dma_start3A_193] : memref<10112x128xf32, #tpu.memory_space<vmem_shared>> -> memref<10112x128xf32, #tpu.memory_space<vmem_shared>>
      tpu.enqueue_indirect_dma source(%arg12 : memref<128x128xf32, #tpu.memory_space<vmem>>) target(%dma_start3A_194 : memref<10112x128xf32, #tpu.memory_space<vmem_shared>>) offsets(%arg10 : memref<128xi32, #tpu.memory_space<vmem>>) semaphore(%arg18 : memref<!tpu.dma_semaphore, #tpu.memory_space<semaphore_mem>>) {add = true}
      %add3A_195 = arith.addi %select_n3A_10, %add3A_188 : i32
      %add3A_196 = arith.constant 2 : i32
      %add3A_197 = arith.addi %add3A_195, %add3A_196 : i32
      %dma_start3A_198 = arith.constant 0 : i32
      %dma_start3A_199 = tpu.memref_slice %arg3[%add3A_197, %dma_start3A_198] : memref<2560x128xi32, #tpu.memory_space<hbm>> -> memref<1x128xi32, #tpu.memory_space<hbm>>
      %dma_start3A_200 = tpu.memref_squeeze %dma_start3A_199 : memref<1x128xi32, #tpu.memory_space<hbm>> -> memref<128xi32, #tpu.memory_space<hbm>>
      %dma_start3A_201 = arith.constant 0 : i32
      %dma_start3A_202 = tpu.memref_slice %arg3[%add3A_197, %dma_start3A_201] : memref<2560x128xi32, #tpu.memory_space<hbm>> -> memref<1x128xi32, #tpu.memory_space<hbm>>
      %dma_start3A_203 = tpu.memref_squeeze %dma_start3A_202 : memref<1x128xi32, #tpu.memory_space<hbm>> -> memref<128xi32, #tpu.memory_space<hbm>>
      tpu.enqueue_dma source(%dma_start3A_203 : memref<128xi32, #tpu.memory_space<hbm>>) target(%arg8 : memref<128xi32, #tpu.memory_space<vmem>>) target_semaphore(%arg14 : memref<!tpu.dma_semaphore, #tpu.memory_space<semaphore_mem>>)
      %add3A_204 = arith.constant 1 : i32
      %add3A_205 = arith.addi %while3A_165, %add3A_204 : i32
      %mul3A_206 = arith.constant 2 : i32
      %mul3A_207 = arith.muli %mul3A_206, %add3A_205 : i32
      %add3A_208 = arith.constant 0 : i32
      %add3A_209 = arith.addi %mul3A_207, %add3A_208 : i32
      %dma_wait3A_210 = arith.constant 0 : i32
      %dma_wait3A_211 = arith.constant 0 : i32
      %dma_wait3A_212 = tpu.memref_slice %arg6[%dma_wait3A_210, %dma_wait3A_211] : memref<10112x128xf32, #tpu.memory_space<vmem_shared>> -> memref<10112x128xf32, #tpu.memory_space<vmem_shared>>
      tpu.wait_indirect_dma semaphore(%arg17 : memref<!tpu.dma_semaphore, #tpu.memory_space<semaphore_mem>>) src(%arg11 : memref<128x128xf32, #tpu.memory_space<vmem>>) dst(%dma_wait3A_212 : memref<10112x128xf32, #tpu.memory_space<vmem_shared>>)
      %add3A_213 = arith.addi %select_n3A_10, %add3A_209 : i32
      %dma_wait3A_214 = arith.constant 0 : i32
      %dma_wait3A_215 = tpu.memref_slice %arg3[%add3A_213, %dma_wait3A_214] : memref<2560x128xi32, #tpu.memory_space<hbm>> -> memref<1x128xi32, #tpu.memory_space<hbm>>
      %dma_wait3A_216 = tpu.memref_squeeze %dma_wait3A_215 : memref<1x128xi32, #tpu.memory_space<hbm>> -> memref<128xi32, #tpu.memory_space<hbm>>
      %dma_wait3A_217 = arith.constant 0 : i32
      %dma_wait3A_218 = tpu.memref_slice %arg3[%add3A_213, %dma_wait3A_217] : memref<2560x128xi32, #tpu.memory_space<hbm>> -> memref<1x128xi32, #tpu.memory_space<hbm>>
      %dma_wait3A_219 = tpu.memref_squeeze %dma_wait3A_218 : memref<1x128xi32, #tpu.memory_space<hbm>> -> memref<128xi32, #tpu.memory_space<hbm>>
      tpu.wait_dma2 semaphore(%arg13 : memref<!tpu.dma_semaphore, #tpu.memory_space<semaphore_mem>>) src(%dma_wait3A_219 : memref<128xi32, #tpu.memory_space<hbm>>) dst(%arg7 : memref<128xi32, #tpu.memory_space<vmem>>)
      %add3A_220 = arith.addi %select_n3A_10, %add3A_209 : i32
      %dma_start3A_221 = arith.constant 0 : i32
      %dma_start3A_222 = tpu.memref_slice %arg4[%add3A_220, %dma_start3A_221] : memref<2560x128xi32, #tpu.memory_space<hbm>> -> memref<1x128xi32, #tpu.memory_space<hbm>>
      %dma_start3A_223 = tpu.memref_squeeze %dma_start3A_222 : memref<1x128xi32, #tpu.memory_space<hbm>> -> memref<128xi32, #tpu.memory_space<hbm>>
      %dma_start3A_224 = arith.constant 0 : i32
      %dma_start3A_225 = tpu.memref_slice %arg4[%add3A_220, %dma_start3A_224] : memref<2560x128xi32, #tpu.memory_space<hbm>> -> memref<1x128xi32, #tpu.memory_space<hbm>>
      %dma_start3A_226 = tpu.memref_squeeze %dma_start3A_225 : memref<1x128xi32, #tpu.memory_space<hbm>> -> memref<128xi32, #tpu.memory_space<hbm>>
      tpu.enqueue_dma source(%dma_start3A_226 : memref<128xi32, #tpu.memory_space<hbm>>) target(%arg9 : memref<128xi32, #tpu.memory_space<vmem>>) target_semaphore(%arg13 : memref<!tpu.dma_semaphore, #tpu.memory_space<semaphore_mem>>)
      %dma_start3A_227 = arith.constant 0 : i32
      %dma_start3A_228 = arith.constant 0 : i32
      %dma_start3A_229 = tpu.memref_slice %arg2[%dma_start3A_227, %dma_start3A_228] : memref<10000x128xf32, #tpu.memory_space<hbm>> -> memref<10000x128xf32, #tpu.memory_space<hbm>>
      tpu.enqueue_indirect_dma source(%dma_start3A_229 : memref<10000x128xf32, #tpu.memory_space<hbm>>) target(%arg11 : memref<128x128xf32, #tpu.memory_space<vmem>>) offsets(%arg7 : memref<128xi32, #tpu.memory_space<vmem>>) semaphore(%arg15 : memref<!tpu.dma_semaphore, #tpu.memory_space<semaphore_mem>>)
      %add3A_230 = arith.addi %select_n3A_10, %add3A_209 : i32
      %dma_wait3A_231 = arith.constant 0 : i32
      %dma_wait3A_232 = tpu.memref_slice %arg4[%add3A_230, %dma_wait3A_231] : memref<2560x128xi32, #tpu.memory_space<hbm>> -> memref<1x128xi32, #tpu.memory_space<hbm>>
      %dma_wait3A_233 = tpu.memref_squeeze %dma_wait3A_232 : memref<1x128xi32, #tpu.memory_space<hbm>> -> memref<128xi32, #tpu.memory_space<hbm>>
      %dma_wait3A_234 = arith.constant 0 : i32
      %dma_wait3A_235 = tpu.memref_slice %arg4[%add3A_230, %dma_wait3A_234] : memref<2560x128xi32, #tpu.memory_space<hbm>> -> memref<1x128xi32, #tpu.memory_space<hbm>>
      %dma_wait3A_236 = tpu.memref_squeeze %dma_wait3A_235 : memref<1x128xi32, #tpu.memory_space<hbm>> -> memref<128xi32, #tpu.memory_space<hbm>>
      tpu.wait_dma2 semaphore(%arg13 : memref<!tpu.dma_semaphore, #tpu.memory_space<semaphore_mem>>) src(%dma_wait3A_236 : memref<128xi32, #tpu.memory_space<hbm>>) dst(%arg9 : memref<128xi32, #tpu.memory_space<vmem>>)
      %add3A_237 = arith.constant 1 : i32
      %add3A_238 = arith.addi %while3A_165, %add3A_237 : i32
      %mul3A_239 = arith.constant 2 : i32
      %mul3A_240 = arith.muli %mul3A_239, %add3A_238 : i32
      %add3A_241 = arith.constant 1 : i32
      %add3A_242 = arith.addi %mul3A_240, %add3A_241 : i32
      %dma_wait3A_243 = arith.constant 0 : i32
      %dma_wait3A_244 = arith.constant 0 : i32
      %dma_wait3A_245 = tpu.memref_slice %arg6[%dma_wait3A_243, %dma_wait3A_244] : memref<10112x128xf32, #tpu.memory_space<vmem_shared>> -> memref<10112x128xf32, #tpu.memory_space<vmem_shared>>
      tpu.wait_indirect_dma semaphore(%arg18 : memref<!tpu.dma_semaphore, #tpu.memory_space<semaphore_mem>>) src(%arg12 : memref<128x128xf32, #tpu.memory_space<vmem>>) dst(%dma_wait3A_245 : memref<10112x128xf32, #tpu.memory_space<vmem_shared>>)
      %add3A_246 = arith.addi %select_n3A_10, %add3A_242 : i32
      %dma_wait3A_247 = arith.constant 0 : i32
      %dma_wait3A_248 = tpu.memref_slice %arg3[%add3A_246, %dma_wait3A_247] : memref<2560x128xi32, #tpu.memory_space<hbm>> -> memref<1x128xi32, #tpu.memory_space<hbm>>
      %dma_wait3A_249 = tpu.memref_squeeze %dma_wait3A_248 : memref<1x128xi32, #tpu.memory_space<hbm>> -> memref<128xi32, #tpu.memory_space<hbm>>
      %dma_wait3A_250 = arith.constant 0 : i32
      %dma_wait3A_251 = tpu.memref_slice %arg3[%add3A_246, %dma_wait3A_250] : memref<2560x128xi32, #tpu.memory_space<hbm>> -> memref<1x128xi32, #tpu.memory_space<hbm>>
      %dma_wait3A_252 = tpu.memref_squeeze %dma_wait3A_251 : memref<1x128xi32, #tpu.memory_space<hbm>> -> memref<128xi32, #tpu.memory_space<hbm>>
      tpu.wait_dma2 semaphore(%arg14 : memref<!tpu.dma_semaphore, #tpu.memory_space<semaphore_mem>>) src(%dma_wait3A_252 : memref<128xi32, #tpu.memory_space<hbm>>) dst(%arg8 : memref<128xi32, #tpu.memory_space<vmem>>)
      %add3A_253 = arith.addi %select_n3A_10, %add3A_242 : i32
      %dma_start3A_254 = arith.constant 0 : i32
      %dma_start3A_255 = tpu.memref_slice %arg4[%add3A_253, %dma_start3A_254] : memref<2560x128xi32, #tpu.memory_space<hbm>> -> memref<1x128xi32, #tpu.memory_space<hbm>>
      %dma_start3A_256 = tpu.memref_squeeze %dma_start3A_255 : memref<1x128xi32, #tpu.memory_space<hbm>> -> memref<128xi32, #tpu.memory_space<hbm>>
      %dma_start3A_257 = arith.constant 0 : i32
      %dma_start3A_258 = tpu.memref_slice %arg4[%add3A_253, %dma_start3A_257] : memref<2560x128xi32, #tpu.memory_space<hbm>> -> memref<1x128xi32, #tpu.memory_space<hbm>>
      %dma_start3A_259 = tpu.memref_squeeze %dma_start3A_258 : memref<1x128xi32, #tpu.memory_space<hbm>> -> memref<128xi32, #tpu.memory_space<hbm>>
      tpu.enqueue_dma source(%dma_start3A_259 : memref<128xi32, #tpu.memory_space<hbm>>) target(%arg10 : memref<128xi32, #tpu.memory_space<vmem>>) target_semaphore(%arg14 : memref<!tpu.dma_semaphore, #tpu.memory_space<semaphore_mem>>)
      %dma_start3A_260 = arith.constant 0 : i32
      %dma_start3A_261 = arith.constant 0 : i32
      %dma_start3A_262 = tpu.memref_slice %arg2[%dma_start3A_260, %dma_start3A_261] : memref<10000x128xf32, #tpu.memory_space<hbm>> -> memref<10000x128xf32, #tpu.memory_space<hbm>>
      tpu.enqueue_indirect_dma source(%dma_start3A_262 : memref<10000x128xf32, #tpu.memory_space<hbm>>) target(%arg12 : memref<128x128xf32, #tpu.memory_space<vmem>>) offsets(%arg8 : memref<128xi32, #tpu.memory_space<vmem>>) semaphore(%arg16 : memref<!tpu.dma_semaphore, #tpu.memory_space<semaphore_mem>>)
      %add3A_263 = arith.addi %select_n3A_10, %add3A_242 : i32
      %dma_wait3A_264 = arith.constant 0 : i32
      %dma_wait3A_265 = tpu.memref_slice %arg4[%add3A_263, %dma_wait3A_264] : memref<2560x128xi32, #tpu.memory_space<hbm>> -> memref<1x128xi32, #tpu.memory_space<hbm>>
      %dma_wait3A_266 = tpu.memref_squeeze %dma_wait3A_265 : memref<1x128xi32, #tpu.memory_space<hbm>> -> memref<128xi32, #tpu.memory_space<hbm>>
      %dma_wait3A_267 = arith.constant 0 : i32
      %dma_wait3A_268 = tpu.memref_slice %arg4[%add3A_263, %dma_wait3A_267] : memref<2560x128xi32, #tpu.memory_space<hbm>> -> memref<1x128xi32, #tpu.memory_space<hbm>>
      %dma_wait3A_269 = tpu.memref_squeeze %dma_wait3A_268 : memref<1x128xi32, #tpu.memory_space<hbm>> -> memref<128xi32, #tpu.memory_space<hbm>>
      tpu.wait_dma2 semaphore(%arg14 : memref<!tpu.dma_semaphore, #tpu.memory_space<semaphore_mem>>) src(%dma_wait3A_269 : memref<128xi32, #tpu.memory_space<hbm>>) dst(%arg10 : memref<128xi32, #tpu.memory_space<vmem>>)
    }
    %sub3A_124 = arith.constant 1 : i32
    %sub3A_125 = arith.subi %select_n3A_28, %sub3A_124 : i32
    %mul3A_126 = arith.constant 2 : i32
    %mul3A_127 = arith.muli %mul3A_126, %sub3A_125 : i32
    %add3A_128 = arith.constant 0 : i32
    %add3A_129 = arith.addi %mul3A_127, %add3A_128 : i32
    %dma_wait3A_130 = arith.constant 0 : i32
    %dma_wait3A_131 = arith.constant 0 : i32
    %dma_wait3A_132 = tpu.memref_slice %arg2[%dma_wait3A_130, %dma_wait3A_131] : memref<10000x128xf32, #tpu.memory_space<hbm>> -> memref<10000x128xf32, #tpu.memory_space<hbm>>
    tpu.wait_indirect_dma semaphore(%arg15 : memref<!tpu.dma_semaphore, #tpu.memory_space<semaphore_mem>>) src(%dma_wait3A_132 : memref<10000x128xf32, #tpu.memory_space<hbm>>) dst(%arg11 : memref<128x128xf32, #tpu.memory_space<vmem>>)
    %dma_start3A_133 = arith.constant 0 : i32
    %dma_start3A_134 = arith.constant 0 : i32
    %dma_start3A_135 = tpu.memref_slice %arg6[%dma_start3A_133, %dma_start3A_134] : memref<10112x128xf32, #tpu.memory_space<vmem_shared>> -> memref<10112x128xf32, #tpu.memory_space<vmem_shared>>
    tpu.enqueue_indirect_dma source(%arg11 : memref<128x128xf32, #tpu.memory_space<vmem>>) target(%dma_start3A_135 : memref<10112x128xf32, #tpu.memory_space<vmem_shared>>) offsets(%arg9 : memref<128xi32, #tpu.memory_space<vmem>>) semaphore(%arg17 : memref<!tpu.dma_semaphore, #tpu.memory_space<semaphore_mem>>) {add = true}
    %mul3A_136 = arith.constant 2 : i32
    %mul3A_137 = arith.muli %mul3A_136, %sub3A_125 : i32
    %add3A_138 = arith.constant 1 : i32
    %add3A_139 = arith.addi %mul3A_137, %add3A_138 : i32
    %dma_wait3A_140 = arith.constant 0 : i32
    %dma_wait3A_141 = arith.constant 0 : i32
    %dma_wait3A_142 = tpu.memref_slice %arg2[%dma_wait3A_140, %dma_wait3A_141] : memref<10000x128xf32, #tpu.memory_space<hbm>> -> memref<10000x128xf32, #tpu.memory_space<hbm>>
    tpu.wait_indirect_dma semaphore(%arg16 : memref<!tpu.dma_semaphore, #tpu.memory_space<semaphore_mem>>) src(%dma_wait3A_142 : memref<10000x128xf32, #tpu.memory_space<hbm>>) dst(%arg12 : memref<128x128xf32, #tpu.memory_space<vmem>>)
    %dma_start3A_143 = arith.constant 0 : i32
    %dma_start3A_144 = arith.constant 0 : i32
    %dma_start3A_145 = tpu.memref_slice %arg6[%dma_start3A_143, %dma_start3A_144] : memref<10112x128xf32, #tpu.memory_space<vmem_shared>> -> memref<10112x128xf32, #tpu.memory_space<vmem_shared>>
    tpu.enqueue_indirect_dma source(%arg12 : memref<128x128xf32, #tpu.memory_space<vmem>>) target(%dma_start3A_145 : memref<10112x128xf32, #tpu.memory_space<vmem_shared>>) offsets(%arg10 : memref<128xi32, #tpu.memory_space<vmem>>) semaphore(%arg18 : memref<!tpu.dma_semaphore, #tpu.memory_space<semaphore_mem>>) {add = true}
    %add3A_146 = arith.constant 1 : i32
    %add3A_147 = arith.addi %sub3A_125, %add3A_146 : i32
    %mul3A_148 = arith.constant 2 : i32
    %mul3A_149 = arith.muli %mul3A_148, %add3A_147 : i32
    %add3A_150 = arith.constant 0 : i32
    %add3A_151 = arith.addi %mul3A_149, %add3A_150 : i32
    %dma_wait3A_152 = arith.constant 0 : i32
    %dma_wait3A_153 = arith.constant 0 : i32
    %dma_wait3A_154 = tpu.memref_slice %arg6[%dma_wait3A_152, %dma_wait3A_153] : memref<10112x128xf32, #tpu.memory_space<vmem_shared>> -> memref<10112x128xf32, #tpu.memory_space<vmem_shared>>
    tpu.wait_indirect_dma semaphore(%arg17 : memref<!tpu.dma_semaphore, #tpu.memory_space<semaphore_mem>>) src(%arg11 : memref<128x128xf32, #tpu.memory_space<vmem>>) dst(%dma_wait3A_154 : memref<10112x128xf32, #tpu.memory_space<vmem_shared>>)
    %add3A_155 = arith.constant 1 : i32
    %add3A_156 = arith.addi %sub3A_125, %add3A_155 : i32
    %mul3A_157 = arith.constant 2 : i32
    %mul3A_158 = arith.muli %mul3A_157, %add3A_156 : i32
    %add3A_159 = arith.constant 1 : i32
    %add3A_160 = arith.addi %mul3A_158, %add3A_159 : i32
    %dma_wait3A_161 = arith.constant 0 : i32
    %dma_wait3A_162 = arith.constant 0 : i32
    %dma_wait3A_163 = tpu.memref_slice %arg6[%dma_wait3A_161, %dma_wait3A_162] : memref<10112x128xf32, #tpu.memory_space<vmem_shared>> -> memref<10112x128xf32, #tpu.memory_space<vmem_shared>>
    tpu.wait_indirect_dma semaphore(%arg18 : memref<!tpu.dma_semaphore, #tpu.memory_space<semaphore_mem>>) src(%arg12 : memref<128x128xf32, #tpu.memory_space<vmem>>) dst(%dma_wait3A_163 : memref<10112x128xf32, #tpu.memory_space<vmem_shared>>)
    %barrier3A_164 = arith.constant 0 : index
    tpu.barrier barrier_id(%barrier3A_164)
    "tpu.region"() ({
      %run_scoped3A = tpu.sem_alloc : memref<!tpu.dma_semaphore, #tpu.memory_space<semaphore_mem>>
      %dma_start3A_165 = arith.constant 0 : i32
      %dma_start3A_166 = tpu.memref_slice %arg5[%arg0, %mul3A_0, %dma_start3A_165] : memref<2x10112x128xf32, #tpu.memory_space<hbm>> -> memref<1x632x128xf32, #tpu.memory_space<hbm>>
      %dma_start3A_167 = tpu.memref_squeeze %dma_start3A_166 : memref<1x632x128xf32, #tpu.memory_space<hbm>> -> memref<632x128xf32, #tpu.memory_space<hbm>>
      %dma_start3A_168 = arith.constant 0 : i32
      %dma_start3A_169 = tpu.memref_slice %arg6[%mul3A_0, %dma_start3A_168] : memref<10112x128xf32, #tpu.memory_space<vmem_shared>> -> memref<632x128xf32, #tpu.memory_space<vmem_shared>>
      tpu.enqueue_dma source(%dma_start3A_169 : memref<632x128xf32, #tpu.memory_space<vmem_shared>>) target(%dma_start3A_167 : memref<632x128xf32, #tpu.memory_space<hbm>>) target_semaphore(%run_scoped3A : memref<!tpu.dma_semaphore, #tpu.memory_space<semaphore_mem>>)
      %dma_wait3A_170 = arith.constant 0 : i32
      %dma_wait3A_171 = tpu.memref_slice %arg5[%arg0, %mul3A_0, %dma_wait3A_170] : memref<2x10112x128xf32, #tpu.memory_space<hbm>> -> memref<1x632x128xf32, #tpu.memory_space<hbm>>
      %dma_wait3A_172 = tpu.memref_squeeze %dma_wait3A_171 : memref<1x632x128xf32, #tpu.memory_space<hbm>> -> memref<632x128xf32, #tpu.memory_space<hbm>>
      %dma_wait3A_173 = arith.constant 0 : i32
      %dma_wait3A_174 = tpu.memref_slice %arg6[%mul3A_0, %dma_wait3A_173] : memref<10112x128xf32, #tpu.memory_space<vmem_shared>> -> memref<632x128xf32, #tpu.memory_space<vmem_shared>>
      tpu.wait_dma2 semaphore(%run_scoped3A : memref<!tpu.dma_semaphore, #tpu.memory_space<semaphore_mem>>) src(%dma_wait3A_174 : memref<632x128xf32, #tpu.memory_space<vmem_shared>>) dst(%dma_wait3A_172 : memref<632x128xf32, #tpu.memory_space<hbm>>)
      tpu.yield
    }) : () -> ()
    return
  }
}

module attributes {stable_mosaic.version = 14 : i64} {
  func.func @_pre_body(%arg0: i32, %arg1: memref<2000x128xf32, #tpu.memory_space<vmem>>, %arg2: memref<128x128xf32, #tpu.memory_space<vmem>>, %arg3: memref<128x128xf32, #tpu.memory_space<vmem>>, %arg4: memref<1x128xf32, #tpu.memory_space<vmem>>, %arg5: memref<2000x128xf32, #tpu.memory_space<vmem>>, %arg6: memref<2000x128xf32, #tpu.memory_space<vmem>>) attributes {dimension_semantics = [#tpu.dimension_semantics<arbitrary>], iteration_bounds = array<i64: 5>, scalar_prefetch = 0 : i64, scratch_operands = 0 : i64, tpu.core_type = #tpu.core_type<tc>, window_params = [{transform_indices = @transform_0, window_bounds = array<i64: 2000, 128>}, {pipeline_mode = #tpu.pipeline_mode<synchronous>, transform_indices = @transform_1, window_bounds = array<i64: 128, 128>}, {pipeline_mode = #tpu.pipeline_mode<synchronous>, transform_indices = @transform_2, window_bounds = array<i64: 128, 128>}, {pipeline_mode = #tpu.pipeline_mode<synchronous>, transform_indices = @transform_3, window_bounds = array<i64: 1, 128>}, {transform_indices = @transform_4, window_bounds = array<i64: 2000, 128>}, {transform_indices = @transform_5, window_bounds = array<i64: 2000, 128>}]} {
    %get3A = arith.constant 0 : index
    %get3A_0 = arith.constant 0 : index
    %get3A_1 = vector.load %arg1[%get3A, %get3A_0] : memref<2000x128xf32, #tpu.memory_space<vmem>>, vector<2000x128xf32>
    %get3A_2 = arith.constant 0 : index
    %get3A_3 = arith.constant 0 : index
    %get3A_4 = vector.load %arg2[%get3A_2, %get3A_3] : memref<128x128xf32, #tpu.memory_space<vmem>>, vector<128x128xf32>
    %dot_general3A = arith.constant dense<0.000000e+00> : vector<2000x128xf32>
    %dot_general3A_5 = tpu.matmul %get3A_1, %get3A_4, %dot_general3A {dimension_numbers = #tpu.dot_dimension_numbers<[1], [0], [0], [1], [0, 0, 1, 1], [], []>, transpose_lhs_hint = false} : vector<2000x128xf32>, vector<128x128xf32>, vector<2000x128xf32> -> vector<2000x128xf32>
    %swap3A = arith.constant 0 : index
    %swap3A_6 = arith.constant 0 : index
    %swap3A_7 = vector.load %arg5[%swap3A, %swap3A_6] : memref<2000x128xf32, #tpu.memory_space<vmem>>, vector<2000x128xf32>
    tpu.vector_store %arg5[%swap3A, %swap3A_6], %dot_general3A_5 {strides = array<i32>} : memref<2000x128xf32, #tpu.memory_space<vmem>>, vector<2000x128xf32>,
    %get3A_8 = arith.constant 0 : index
    %get3A_9 = arith.constant 0 : index
    %get3A_10 = vector.load %arg3[%get3A_8, %get3A_9] : memref<128x128xf32, #tpu.memory_space<vmem>>, vector<128x128xf32>
    %dot_general3A_11 = arith.constant dense<0.000000e+00> : vector<2000x128xf32>
    %dot_general3A_12 = tpu.matmul %get3A_1, %get3A_10, %dot_general3A_11 {dimension_numbers = #tpu.dot_dimension_numbers<[1], [0], [0], [1], [0, 0, 1, 1], [], []>, transpose_lhs_hint = false} : vector<2000x128xf32>, vector<128x128xf32>, vector<2000x128xf32> -> vector<2000x128xf32>
    %get3A_13 = arith.constant 0 : index
    %get3A_14 = arith.constant 0 : index
    %get3A_15 = vector.load %arg4[%get3A_13, %get3A_14] : memref<1x128xf32, #tpu.memory_space<vmem>>, vector<1x128xf32>
    %add3A = vector.broadcast %get3A_15 : vector<1x128xf32> to vector<2000x128xf32>
    %add3A_16 = arith.addf %dot_general3A_12, %add3A : vector<2000x128xf32>
    %swap3A_17 = arith.constant 0 : index
    %swap3A_18 = arith.constant 0 : index
    %swap3A_19 = vector.load %arg6[%swap3A_17, %swap3A_18] : memref<2000x128xf32, #tpu.memory_space<vmem>>, vector<2000x128xf32>
    tpu.vector_store %arg6[%swap3A_17, %swap3A_18], %add3A_16 {strides = array<i32>} : memref<2000x128xf32, #tpu.memory_space<vmem>>, vector<2000x128xf32>,
    return
  }
  func.func @transform_0(%arg0: i32) -> (i32, i32) {
    %c0_i32 = arith.constant 0 : i32
    %c0_i32_0 = arith.constant 0 : i32
    return %arg0, %c0_i32 : i32, i32
  }
  func.func @transform_1(%arg0: i32) -> (i32, i32) {
    %c0_i32 = arith.constant 0 : i32
    %c0_i32_0 = arith.constant 0 : i32
    %c0_i32_1 = arith.constant 0 : i32
    return %c0_i32, %c0_i32_0 : i32, i32
  }
  func.func @transform_2(%arg0: i32) -> (i32, i32) {
    %c0_i32 = arith.constant 0 : i32
    %c0_i32_0 = arith.constant 0 : i32
    %c0_i32_1 = arith.constant 0 : i32
    return %c0_i32, %c0_i32_0 : i32, i32
  }
  func.func @transform_3(%arg0: i32) -> (i32, i32) {
    %c0_i32 = arith.constant 0 : i32
    %c0_i32_0 = arith.constant 0 : i32
    %c0_i32_1 = arith.constant 0 : i32
    return %c0_i32, %c0_i32_0 : i32, i32
  }
  func.func @transform_4(%arg0: i32) -> (i32, i32) {
    %c0_i32 = arith.constant 0 : i32
    %c0_i32_0 = arith.constant 0 : i32
    return %arg0, %c0_i32 : i32, i32
  }
  func.func @transform_5(%arg0: i32) -> (i32, i32) {
    %c0_i32 = arith.constant 0 : i32
    %c0_i32_0 = arith.constant 0 : i32
    return %arg0, %c0_i32 : i32, i32
  }
}

module attributes {stable_mosaic.version = 14 : i64} {
  func.func @_mid_body(%arg0: i32, %arg1: memref<2x2000x128xf32, #tpu.memory_space<vmem>>, %arg2: memref<2x2000x128xf32, #tpu.memory_space<vmem>>, %arg3: memref<2000x128xf32, #tpu.memory_space<vmem>>, %arg4: memref<1x128xf32, #tpu.memory_space<vmem>>, %arg5: memref<128x128xf32, #tpu.memory_space<vmem>>, %arg6: memref<128x128xf32, #tpu.memory_space<vmem>>, %arg7: memref<1x128xf32, #tpu.memory_space<vmem>>, %arg8: memref<2000x128xf32, #tpu.memory_space<vmem>>, %arg9: memref<2000x128xf32, #tpu.memory_space<vmem>>) attributes {dimension_semantics = [#tpu.dimension_semantics<arbitrary>], iteration_bounds = array<i64: 5>, scalar_prefetch = 0 : i64, scratch_operands = 0 : i64, tpu.core_type = #tpu.core_type<tc>, window_params = [{transform_indices = @transform_0, window_bounds = array<i64: 2, 2000, 128>}, {transform_indices = @transform_1, window_bounds = array<i64: 2, 2000, 128>}, {transform_indices = @transform_2, window_bounds = array<i64: 2000, 128>}, {pipeline_mode = #tpu.pipeline_mode<synchronous>, transform_indices = @transform_3, window_bounds = array<i64: 1, 128>}, {pipeline_mode = #tpu.pipeline_mode<synchronous>, transform_indices = @transform_4, window_bounds = array<i64: 128, 128>}, {pipeline_mode = #tpu.pipeline_mode<synchronous>, transform_indices = @transform_5, window_bounds = array<i64: 128, 128>}, {pipeline_mode = #tpu.pipeline_mode<synchronous>, transform_indices = @transform_6, window_bounds = array<i64: 1, 128>}, {transform_indices = @transform_7, window_bounds = array<i64: 2000, 128>}, {transform_indices = @transform_8, window_bounds = array<i64: 2000, 128>}]} {
    %get3A = arith.constant 0 : index
    %get3A_0 = arith.constant 0 : index
    %get3A_1 = arith.constant 0 : index
    %get3A_2 = vector.load %arg2[%get3A, %get3A_0, %get3A_1] : memref<2x2000x128xf32, #tpu.memory_space<vmem>>, vector<1x2000x1xf32>
    %get3A_3 = vector.shape_cast %get3A_2 : vector<1x2000x1xf32> to vector<2000x1xf32>
    %get3A_4 = arith.constant 1 : index
    %get3A_5 = arith.constant 0 : index
    %get3A_6 = arith.constant 0 : index
    %get3A_7 = vector.load %arg2[%get3A_4, %get3A_5, %get3A_6] : memref<2x2000x128xf32, #tpu.memory_space<vmem>>, vector<1x2000x1xf32>
    %get3A_8 = vector.shape_cast %get3A_7 : vector<1x2000x1xf32> to vector<2000x1xf32>
    %add3A = arith.addf %get3A_3, %get3A_8 : vector<2000x1xf32>
    %max3A = arith.constant 1.000000e+00 : f32
    %max3A_9 = vector.broadcast %max3A : f32 to vector<2000x1xf32>
    %max3A_10 = arith.maximumf %add3A, %max3A_9 : vector<2000x1xf32>
    %div3A = arith.constant 1.000000e+00 : f32
    %div3A_11 = vector.broadcast %div3A : f32 to vector<2000x1xf32>
    %div3A_12 = arith.divf %div3A_11, %max3A_10 : vector<2000x1xf32>
    %get3A_13 = arith.constant 0 : index
    %get3A_14 = arith.constant 0 : index
    %get3A_15 = arith.constant 0 : index
    %get3A_16 = vector.load %arg1[%get3A_13, %get3A_14, %get3A_15] : memref<2x2000x128xf32, #tpu.memory_space<vmem>>, vector<1x2000x128xf32>
    %get3A_17 = vector.shape_cast %get3A_16 : vector<1x2000x128xf32> to vector<2000x128xf32>
    %get3A_18 = arith.constant 1 : index
    %get3A_19 = arith.constant 0 : index
    %get3A_20 = arith.constant 0 : index
    %get3A_21 = vector.load %arg1[%get3A_18, %get3A_19, %get3A_20] : memref<2x2000x128xf32, #tpu.memory_space<vmem>>, vector<1x2000x128xf32>
    %get3A_22 = vector.shape_cast %get3A_21 : vector<1x2000x128xf32> to vector<2000x128xf32>
    %add3A_23 = arith.addf %get3A_17, %get3A_22 : vector<2000x128xf32>
    %mul3A = vector.broadcast %div3A_12 : vector<2000x1xf32> to vector<2000x128xf32>
    %mul3A_24 = arith.mulf %add3A_23, %mul3A : vector<2000x128xf32>
    %get3A_25 = arith.constant 0 : index
    %get3A_26 = arith.constant 0 : index
    %get3A_27 = vector.load %arg3[%get3A_25, %get3A_26] : memref<2000x128xf32, #tpu.memory_space<vmem>>, vector<2000x128xf32>
    %add3A_28 = arith.addf %mul3A_24, %get3A_27 : vector<2000x128xf32>
    %get3A_29 = arith.constant 0 : index
    %get3A_30 = arith.constant 0 : index
    %get3A_31 = vector.load %arg4[%get3A_29, %get3A_30] : memref<1x128xf32, #tpu.memory_space<vmem>>, vector<1x128xf32>
    %ge3A = arith.constant 0.000000e+00 : f32
    %ge3A_32 = vector.broadcast %ge3A : f32 to vector<2000x128xf32>
    %ge3A_33 = arith.cmpf oge, %add3A_28, %ge3A_32 : vector<2000x128xf32>
    %mul3A_34 = vector.broadcast %get3A_31 : vector<1x128xf32> to vector<2000x128xf32>
    %mul3A_35 = arith.mulf %mul3A_34, %add3A_28 : vector<2000x128xf32>
    %select_n3A = arith.select %ge3A_33, %add3A_28, %mul3A_35 : vector<2000x128xi1>, vector<2000x128xf32>
    %get3A_36 = arith.constant 0 : index
    %get3A_37 = arith.constant 0 : index
    %get3A_38 = vector.load %arg5[%get3A_36, %get3A_37] : memref<128x128xf32, #tpu.memory_space<vmem>>, vector<128x128xf32>
    %dot_general3A = arith.constant dense<0.000000e+00> : vector<2000x128xf32>
    %dot_general3A_39 = tpu.matmul %select_n3A, %get3A_38, %dot_general3A {dimension_numbers = #tpu.dot_dimension_numbers<[1], [0], [0], [1], [0, 0, 1, 1], [], []>, transpose_lhs_hint = false} : vector<2000x128xf32>, vector<128x128xf32>, vector<2000x128xf32> -> vector<2000x128xf32>
    %swap3A = arith.constant 0 : index
    %swap3A_40 = arith.constant 0 : index
    %swap3A_41 = vector.load %arg8[%swap3A, %swap3A_40] : memref<2000x128xf32, #tpu.memory_space<vmem>>, vector<2000x128xf32>
    tpu.vector_store %arg8[%swap3A, %swap3A_40], %dot_general3A_39 {strides = array<i32>} : memref<2000x128xf32, #tpu.memory_space<vmem>>, vector<2000x128xf32>,
    %get3A_42 = arith.constant 0 : index
    %get3A_43 = arith.constant 0 : index
    %get3A_44 = vector.load %arg6[%get3A_42, %get3A_43] : memref<128x128xf32, #tpu.memory_space<vmem>>, vector<128x128xf32>
    %dot_general3A_45 = arith.constant dense<0.000000e+00> : vector<2000x128xf32>
    %dot_general3A_46 = tpu.matmul %select_n3A, %get3A_44, %dot_general3A_45 {dimension_numbers = #tpu.dot_dimension_numbers<[1], [0], [0], [1], [0, 0, 1, 1], [], []>, transpose_lhs_hint = false} : vector<2000x128xf32>, vector<128x128xf32>, vector<2000x128xf32> -> vector<2000x128xf32>
    %get3A_47 = arith.constant 0 : index
    %get3A_48 = arith.constant 0 : index
    %get3A_49 = vector.load %arg7[%get3A_47, %get3A_48] : memref<1x128xf32, #tpu.memory_space<vmem>>, vector<1x128xf32>
    %add3A_50 = vector.broadcast %get3A_49 : vector<1x128xf32> to vector<2000x128xf32>
    %add3A_51 = arith.addf %dot_general3A_46, %add3A_50 : vector<2000x128xf32>
    %swap3A_52 = arith.constant 0 : index
    %swap3A_53 = arith.constant 0 : index
    %swap3A_54 = vector.load %arg9[%swap3A_52, %swap3A_53] : memref<2000x128xf32, #tpu.memory_space<vmem>>, vector<2000x128xf32>
    tpu.vector_store %arg9[%swap3A_52, %swap3A_53], %add3A_51 {strides = array<i32>} : memref<2000x128xf32, #tpu.memory_space<vmem>>, vector<2000x128xf32>,
    return
  }
  func.func @transform_0(%arg0: i32) -> (i32, i32, i32) {
    %c0_i32 = arith.constant 0 : i32
    %c0_i32_0 = arith.constant 0 : i32
    %c0_i32_1 = arith.constant 0 : i32
    return %c0_i32, %arg0, %c0_i32_0 : i32, i32, i32
  }
  func.func @transform_1(%arg0: i32) -> (i32, i32, i32) {
    %c0_i32 = arith.constant 0 : i32
    %c0_i32_0 = arith.constant 0 : i32
    %c0_i32_1 = arith.constant 0 : i32
    return %c0_i32, %arg0, %c0_i32_0 : i32, i32, i32
  }
  func.func @transform_2(%arg0: i32) -> (i32, i32) {
    %c0_i32 = arith.constant 0 : i32
    %c0_i32_0 = arith.constant 0 : i32
    return %arg0, %c0_i32 : i32, i32
  }
  func.func @transform_3(%arg0: i32) -> (i32, i32) {
    %c0_i32 = arith.constant 0 : i32
    %c0_i32_0 = arith.constant 0 : i32
    %c0_i32_1 = arith.constant 0 : i32
    return %c0_i32, %c0_i32_0 : i32, i32
  }
  func.func @transform_4(%arg0: i32) -> (i32, i32) {
    %c0_i32 = arith.constant 0 : i32
    %c0_i32_0 = arith.constant 0 : i32
    %c0_i32_1 = arith.constant 0 : i32
    return %c0_i32, %c0_i32_0 : i32, i32
  }
  func.func @transform_5(%arg0: i32) -> (i32, i32) {
    %c0_i32 = arith.constant 0 : i32
    %c0_i32_0 = arith.constant 0 : i32
    %c0_i32_1 = arith.constant 0 : i32
    return %c0_i32, %c0_i32_0 : i32, i32
  }
  func.func @transform_6(%arg0: i32) -> (i32, i32) {
    %c0_i32 = arith.constant 0 : i32
    %c0_i32_0 = arith.constant 0 : i32
    %c0_i32_1 = arith.constant 0 : i32
    return %c0_i32, %c0_i32_0 : i32, i32
  }
  func.func @transform_7(%arg0: i32) -> (i32, i32) {
    %c0_i32 = arith.constant 0 : i32
    %c0_i32_0 = arith.constant 0 : i32
    return %arg0, %c0_i32 : i32, i32
  }
  func.func @transform_8(%arg0: i32) -> (i32, i32) {
    %c0_i32 = arith.constant 0 : i32
    %c0_i32_0 = arith.constant 0 : i32
    return %arg0, %c0_i32 : i32, i32
  }
}

module attributes {stable_mosaic.version = 14 : i64} {
  func.func @_fin_body(%arg0: i32, %arg1: memref<2x2000x128xf32, #tpu.memory_space<vmem>>, %arg2: memref<2x2000x128xf32, #tpu.memory_space<vmem>>, %arg3: memref<2000x128xf32, #tpu.memory_space<vmem>>, %arg4: memref<1x128xf32, #tpu.memory_space<vmem>>, %arg5: memref<2000x128xf32, #tpu.memory_space<vmem>>) attributes {dimension_semantics = [#tpu.dimension_semantics<arbitrary>], iteration_bounds = array<i64: 5>, scalar_prefetch = 0 : i64, scratch_operands = 0 : i64, tpu.core_type = #tpu.core_type<tc>, window_params = [{transform_indices = @transform_0, window_bounds = array<i64: 2, 2000, 128>}, {transform_indices = @transform_1, window_bounds = array<i64: 2, 2000, 128>}, {transform_indices = @transform_2, window_bounds = array<i64: 2000, 128>}, {pipeline_mode = #tpu.pipeline_mode<synchronous>, transform_indices = @transform_3, window_bounds = array<i64: 1, 128>}, {transform_indices = @transform_4, window_bounds = array<i64: 2000, 128>}]} {
    %get3A = arith.constant 0 : index
    %get3A_0 = arith.constant 0 : index
    %get3A_1 = arith.constant 0 : index
    %get3A_2 = vector.load %arg2[%get3A, %get3A_0, %get3A_1] : memref<2x2000x128xf32, #tpu.memory_space<vmem>>, vector<1x2000x1xf32>
    %get3A_3 = vector.shape_cast %get3A_2 : vector<1x2000x1xf32> to vector<2000x1xf32>
    %get3A_4 = arith.constant 1 : index
    %get3A_5 = arith.constant 0 : index
    %get3A_6 = arith.constant 0 : index
    %get3A_7 = vector.load %arg2[%get3A_4, %get3A_5, %get3A_6] : memref<2x2000x128xf32, #tpu.memory_space<vmem>>, vector<1x2000x1xf32>
    %get3A_8 = vector.shape_cast %get3A_7 : vector<1x2000x1xf32> to vector<2000x1xf32>
    %add3A = arith.addf %get3A_3, %get3A_8 : vector<2000x1xf32>
    %max3A = arith.constant 1.000000e+00 : f32
    %max3A_9 = vector.broadcast %max3A : f32 to vector<2000x1xf32>
    %max3A_10 = arith.maximumf %add3A, %max3A_9 : vector<2000x1xf32>
    %div3A = arith.constant 1.000000e+00 : f32
    %div3A_11 = vector.broadcast %div3A : f32 to vector<2000x1xf32>
    %div3A_12 = arith.divf %div3A_11, %max3A_10 : vector<2000x1xf32>
    %get3A_13 = arith.constant 0 : index
    %get3A_14 = arith.constant 0 : index
    %get3A_15 = arith.constant 0 : index
    %get3A_16 = vector.load %arg1[%get3A_13, %get3A_14, %get3A_15] : memref<2x2000x128xf32, #tpu.memory_space<vmem>>, vector<1x2000x128xf32>
    %get3A_17 = vector.shape_cast %get3A_16 : vector<1x2000x128xf32> to vector<2000x128xf32>
    %get3A_18 = arith.constant 1 : index
    %get3A_19 = arith.constant 0 : index
    %get3A_20 = arith.constant 0 : index
    %get3A_21 = vector.load %arg1[%get3A_18, %get3A_19, %get3A_20] : memref<2x2000x128xf32, #tpu.memory_space<vmem>>, vector<1x2000x128xf32>
    %get3A_22 = vector.shape_cast %get3A_21 : vector<1x2000x128xf32> to vector<2000x128xf32>
    %add3A_23 = arith.addf %get3A_17, %get3A_22 : vector<2000x128xf32>
    %mul3A = vector.broadcast %div3A_12 : vector<2000x1xf32> to vector<2000x128xf32>
    %mul3A_24 = arith.mulf %add3A_23, %mul3A : vector<2000x128xf32>
    %get3A_25 = arith.constant 0 : index
    %get3A_26 = arith.constant 0 : index
    %get3A_27 = vector.load %arg3[%get3A_25, %get3A_26] : memref<2000x128xf32, #tpu.memory_space<vmem>>, vector<2000x128xf32>
    %add3A_28 = arith.addf %mul3A_24, %get3A_27 : vector<2000x128xf32>
    %get3A_29 = arith.constant 0 : index
    %get3A_30 = arith.constant 0 : index
    %get3A_31 = vector.load %arg4[%get3A_29, %get3A_30] : memref<1x128xf32, #tpu.memory_space<vmem>>, vector<1x128xf32>
    %ge3A = arith.constant 0.000000e+00 : f32
    %ge3A_32 = vector.broadcast %ge3A : f32 to vector<2000x128xf32>
    %ge3A_33 = arith.cmpf oge, %add3A_28, %ge3A_32 : vector<2000x128xf32>
    %mul3A_34 = vector.broadcast %get3A_31 : vector<1x128xf32> to vector<2000x128xf32>
    %mul3A_35 = arith.mulf %mul3A_34, %add3A_28 : vector<2000x128xf32>
    %select_n3A = arith.select %ge3A_33, %add3A_28, %mul3A_35 : vector<2000x128xi1>, vector<2000x128xf32>
    %swap3A = arith.constant 0 : index
    %swap3A_36 = arith.constant 0 : index
    %swap3A_37 = vector.load %arg5[%swap3A, %swap3A_36] : memref<2000x128xf32, #tpu.memory_space<vmem>>, vector<2000x128xf32>
    tpu.vector_store %arg5[%swap3A, %swap3A_36], %select_n3A {strides = array<i32>} : memref<2000x128xf32, #tpu.memory_space<vmem>>, vector<2000x128xf32>,
    return
  }
  func.func @transform_0(%arg0: i32) -> (i32, i32, i32) {
    %c0_i32 = arith.constant 0 : i32
    %c0_i32_0 = arith.constant 0 : i32
    %c0_i32_1 = arith.constant 0 : i32
    return %c0_i32, %arg0, %c0_i32_0 : i32, i32, i32
  }
  func.func @transform_1(%arg0: i32) -> (i32, i32, i32) {
    %c0_i32 = arith.constant 0 : i32
    %c0_i32_0 = arith.constant 0 : i32
    %c0_i32_1 = arith.constant 0 : i32
    return %c0_i32, %arg0, %c0_i32_0 : i32, i32, i32
  }
  func.func @transform_2(%arg0: i32) -> (i32, i32) {
    %c0_i32 = arith.constant 0 : i32
    %c0_i32_0 = arith.constant 0 : i32
    return %arg0, %c0_i32 : i32, i32
  }
  func.func @transform_3(%arg0: i32) -> (i32, i32) {
    %c0_i32 = arith.constant 0 : i32
    %c0_i32_0 = arith.constant 0 : i32
    %c0_i32_1 = arith.constant 0 : i32
    return %c0_i32, %c0_i32_0 : i32, i32
  }
  func.func @transform_4(%arg0: i32) -> (i32, i32) {
    %c0_i32 = arith.constant 0 : i32
    %c0_i32_0 = arith.constant 0 : i32
    return %arg0, %c0_i32 : i32, i32
  }
}

</mosaic_0001>

<sc_bundles>
// kernel: kernel.11.cloned.1.call-start
scs
__scs_entry_jumppad:
0x0: {  	(pc) =	sbr.rel $0x88, $3  }
0x1: {  	(tag) =	ssettag $0x0;
	lr =	simm.s32 $0x1  }
0x2: {  	[smem:$0x3F97] =	sst lr;
	_ =	strace $0xD0000000  }
0x3: {  	_ = 	snop  }
0x4: {  	_ = 	snop  }
0x5: {  	_ = 	snop  }
0x6: {  	_ = 	snop  }
0x7: {  	_ = 	snop  }
__scs_overlays_trampoline_lowered:
0x8: {  	[smem:$0x3FA6] =	sst s0  }
0x9: {  	[smem:$0x3FA7] =	sst s1  }
0xa: {  	[smem:$0x3FA8] =	sst s2  }
0xb: {  	[smem:$0x3FA9] =	sst s3  }
0xc: {  	[smem:$0x3FAA] =	sst s4  }
0xd: {  	[smem:$0x3FAB] =	sst s5  }
0xe: {  	[smem:$0x3FAC] =	sst s6  }
0xf: {  	[smem:$0x3FAD] =	sst s7  }
0x10: {  	[smem:$0x3FAE] =	sst s8  }
0x11: {  	[smem:$0x3FAF] =	sst s9;
	s0 =	simm.s32 @!p0 $0x0  }
0x12: {  	s1 =	sld [smem:$0x3F95];
	s0 =	simm.s32 @p0 $0x1  }
0x13: {  	[smem:$0x3FB0] =	sst s0;
	s0 =	simm.s32 @!p1 $0x0  }
0x14: {  	s2 =	sld [smem:$0x3F94];
	s0 =	simm.s32 @p1 $0x1  }
0x15: {  	[smem:$0x3FB1] =	sst s0;
	s0 =	simm.s32 @!p2 $0x0  }
0x16: {  	s3 =	sld [smem:$0x3FDB];
	s0 =	simm.s32 @p2 $0x1  }
0x17: {  	s4 =	simm.s32 $0x1BF5;
	[smem:$0x3FB3] =	sst s0  }
0x18: {  	s0 =	sld [smem:$0x3F96];
	_ =	swait.ge [sflag:s4], $0x0  }
0x19: {  	s7 =	sld [smem:$0x3F97]  }
0x1a: {  	s8 =	sadd.s32 $0xFFFFE003, lr  }
0x1b: {  	s9 =	sadd.s32 $0xFFFFFEF7, lr;
	s5 =	simm.s32 $0xFFFFFFFF;
	p2 =	slt.u32 s8, $0xFFFFF086  }
0x1c: {  	p1 =	slt.u32 s9, $0xF7A;
	s5 =	simm.s32 @!p2 $0x0  }
0x1d: {  	s5 =	simm.s32 @p1 $0x1;
	p0 =	seq.s32 s7, s2  }
0x1e: {  	s7 =	smul.u32 @!p0 $0xF7A, s2;
	p2 =	seq.s32 @!p0 s5, $0x0  }
0x1f: {  	s9 =	smul.u32 $0xF7A, s1;
	s8 =	simm.s32 @!p0 $0x1BF5;
	p2 =	por !p2, p0  }
0x20: {  	[sflag:s8] =	ssyncset.s32 @!p0 $0xFFFFF086;
	s6 =	sadd.s32 @!p0 s3, s7;
	s7 =	simm.s32 @!p0 $0x108  }
0x21: {  	s3 =	sadd.s32 s3, s9;
	s6 =	sadd.s32 @!p0 $0x88, s6;
	s7 =	simm.s32 @p2 $0x1082  }
0x22: {  	[simem:s7], [sflag:s8] =	dma.local @!p0 [hbm:s6], $0xF7A  }
0x23: {  	s9 =	sor.u32 $0xD0000000, s2;
	s6 =	simm.s32 $0x108;
	_ =	swait.ge @!p0 [sflag:s8], $0x0  }
0x24: {  	s3 =	sadd.s32 $0x88, s3;
	s6 =	simm.s32 @!p1 $0x1082;
	[sflag:s4] =	ssyncset.s32 $0xFFFFF086  }
0x25: {  	[simem:s6], [sflag:s4] =	dma.local [hbm:s3], $0xF7A  }
0x26: {  	[smem:$0x3F97] =	sst s1;
	(tag) =	ssettag s2;
	_ =	strace s9  }
0x27: {  	s1 =	sld [smem:$0x3FA7]  }
0x28: {  	s2 =	sld [smem:$0x3FA8]  }
0x29: {  	s4 =	sld [smem:$0x3FAA]  }
0x2a: {  	p0 =	seq.s32 s5, $0x0;
	s5 =	sld [smem:$0x3FAB]  }
0x2b: {  	s6 =	sld [smem:$0x3FAC]  }
0x2c: {  	s7 =	sld [smem:$0x3FAD]  }
0x2d: {  	s3 =	simm.s32 $0x108;
	s8 =	sld [smem:$0x3FAE]  }
0x2e: {  	s3 =	simm.s32 @!p0 $0x1082;
	s9 =	sld [smem:$0x3FAF]  }
0x2f: {  	lr =	sadd.s32 s0, s3;
	s0 =	sld [smem:$0x3FA6]  }
0x30: {  	s3 =	sld [smem:$0x3FA9]  }
0x31: {  	[smem:$0x3FB2] =	sst s10  }
0x32: {  	s10 =	sld [smem:$0x3FB0];
	_ =	sdelay $0x3  }
0x33: {  	p0 =	seq.s32 s10, $0x1;
	s10 =	sld [smem:$0x3FB2];
	_ =	sdelay $0x3  }
0x34: {  	[smem:$0x3FB2] =	sst s10  }
0x35: {  	s10 =	sld [smem:$0x3FB1];
	_ =	sdelay $0x3  }
0x36: {  	p1 =	seq.s32 s10, $0x1;
	s10 =	sld [smem:$0x3FB2];
	_ =	sdelay $0x3  }
0x37: {  	[smem:$0x3FB2] =	sst s10  }
0x38: {  	s10 =	sld [smem:$0x3FB3]  }
0x39: {  	_ = 	snop;
	(pc) =	sbr.ind lr, $3  }
0x3a: {  	_ = 	snop  }
0x3b: {  	_ = 	snop  }
0x3c: {  	p2 =	seq.s32 s10, $0x1;
	s10 =	sld [smem:$0x3FB2]  }
0x3d: {  	_ =	shalt  }
0x3e: {  	_ =	shalt  }
0x3f: {  	_ =	shalt  }
0x40: {  	_ =	shalt  }
0x41: {  	_ =	shalt  }
0x42: {  	_ =	shalt  }
0x43: {  	_ =	shalt  }
0x44: {  	_ =	shalt  }
0x45: {  	_ =	shalt  }
0x46: {  	_ =	shalt  }
0x47: {  	_ =	shalt  }
0x48: {  	_ =	shalt  }
0x49: {  	_ =	shalt  }
0x4a: {  	_ =	shalt  }
0x4b: {  	_ =	shalt  }
0x4c: {  	_ =	shalt  }
0x4d: {  	_ =	shalt  }
0x4e: {  	_ =	shalt  }
0x4f: {  	_ =	shalt  }
0x50: {  	_ =	shalt  }
0x51: {  	_ =	shalt  }
0x52: {  	_ =	shalt  }
0x53: {  	_ =	shalt  }
0x54: {  	_ =	shalt  }
0x55: {  	_ =	shalt  }
0x56: {  	_ =	shalt  }
0x57: {  	_ =	shalt  }
0x58: {  	_ =	shalt  }
0x59: {  	_ =	shalt  }
0x5a: {  	_ =	shalt  }
0x5b: {  	_ =	shalt  }
0x5c: {  	_ =	shalt  }
0x5d: {  	_ =	shalt  }
0x5e: {  	_ =	shalt  }
0x5f: {  	_ =	shalt  }
0x60: {  	_ =	shalt  }
0x61: {  	_ =	shalt  }
0x62: {  	_ =	shalt  }
0x63: {  	_ =	shalt  }
0x64: {  	_ =	shalt  }
0x65: {  	_ =	shalt  }
0x66: {  	_ =	shalt  }
0x67: {  	_ =	shalt  }
0x68: {  	_ =	shalt  }
0x69: {  	_ =	shalt  }
0x6a: {  	_ =	shalt  }
0x6b: {  	_ =	shalt  }
0x6c: {  	_ =	shalt  }
0x6d: {  	_ =	shalt  }
0x6e: {  	_ =	shalt  }
0x6f: {  	_ =	shalt  }
0x70: {  	_ =	shalt  }
0x71: {  	_ =	shalt  }
0x72: {  	_ =	shalt  }
0x73: {  	_ =	shalt  }
0x74: {  	_ =	shalt  }
0x75: {  	_ =	shalt  }
0x76: {  	_ =	shalt  }
0x77: {  	_ =	shalt  }
0x78: {  	_ =	shalt  }
0x79: {  	_ =	shalt  }
0x7a: {  	_ =	shalt  }
0x7b: {  	_ =	shalt  }
0x7c: {  	_ =	shalt  }
0x7d: {  	_ =	shalt  }
0x7e: {  	_ =	shalt  }
0x7f: {  	_ =	shalt  }
0x80: {  	_ =	shalt  }
0x81: {  	_ =	shalt  }
0x82: {  	_ =	shalt  }
0x83: {  	_ =	shalt  }
0x84: {  	_ =	shalt  }
0x85: {  	_ =	shalt  }
0x86: {  	_ =	shalt  }
0x87: {  	_ =	shalt  }
.Lfunc_end0:
.L_simem_size_0:
called_computation.1_lowered:
.L_overlay_start_0:
0x88: {  	s2 =	sld [smem:$0x3FD9]  }
0x89: {  	s3 =	sld [smem:$0x3FFE];
	_ =	sdelay $0x1  }
0x8a: {  	s1 =	srdreg.scid  }
0x8b: {  	s0 =	sand.u32 $0x1, s1  }
0x8c: {  	s17 =	sshll.u32 s0, $0xA;
	s2 =	sadd.s32 s3, s2  }
0x8d: {  	s2 =	sadd.s32 s2, s17  }
0x8e: {  	[smem:$0x3FBE] =	sst s2  }
0x8f: {  	_ = 	snop  }
0x90: {  	s2 =	sld [smem:$0x3FD0];
	(tm) =	ssettm $0x1  }
0x91: {  	s18 =	sld [smem:$0x3FFB];
	_ =	sdelay $0x3  }
0x92: {  	_ =	strace s18  }
0x93: {  	s3 =	sld [smem:$0x3FFC];
	_ =	sdelay $0x3  }
0x94: {  	_ =	strace s3  }
0x95: {  	s3 =	sld [smem:$0x3FFD];
	_ =	sdelay $0x3  }
0x96: {  	_ =	strace s3  }
0x97: {  	_ =	strace $0x8FFFFFFF  }
0x98: {  	s19 =	sld [smem:$0x3FDB];
	_ =	sdelay $0x1  }
0x99: {  	s4 =	simm.s32 $_scs_section_size  }
0x9a: {  	s5 =	simm.s32 $_size__tile_overlayer_lowered;
	s6 =	simm.s32 $_tile_overlayer_lowered  }
0x9b: {  	s22 =	simm.s32 $0x1BFF;
	s21 =	sshll.u32 s6, $0x1;
	s3 =	sadd.s32 s4, s19  }
0x9c: {  	s7 =	simm.s32 $0x0;
	s20 =	sshll.u32 s5, $0x1;
	s5 =	sadd.s32 s21, s3  }
0x9d: {  	[timem:s7], [sflag:s22] =	dma.local [hbm:s5], s20  }
0x9e: {  	_ =	swait.ge [sflag:s22], s20  }
0x9f: {  	s4 =	ssub.s32 $0x0, s20;
	[sflag:s22] =	ssyncset.done $0x0  }
0xa0: {  	[sflag:s22] =	ssyncadd.s32 s4;
	_ =	sdelay $0x1  }
0xa1: {  	s23 =	simm.s32 $0x1B8B  }
0xa2: {  	_ =	swait.ge [sflag:s23], $0x1  }
0xa3: {  	[sflag:s23] =	ssyncset.done $0x0  }
0xa4: {  	s25 =	simm.s32 $0x1B8E;
	s24 =	sld [smem:$0x3FFE];
	[sflag:s23] =	ssyncadd.s32 $0xFFFFFFFF  }
0xa5: {  	s26 =	simm.s32 $execute0_lowered;
	[smem:$0x3FD2] =	sst s25  }
0xa6: {  	s5 =	sshll.u32 s26, $0x1;
	_ =	strace $0x80000046;
	[dreg:$0x1] =	wrdreg $0xFFFFFFFF  }
0xa7: {  	s28 =	simm.s32 $_size_execute0_lowered;
	s3 =	sadd.s32 s3, s5;
	[dreg:$0x0] =	wrdreg $0x0  }
0xa8: {  	s5 =	sshll.u32 s28, $0x1;
	[dreg:$0x2] =	wrdreg s3  }
0xa9: {  	[dreg:$0x3] =	wrdreg s5  }
0xaa: {  	[dreg:$0x4] =	wrdreg $0xC0  }
0xab: {  	_ =	task [dreg:s7], $0x5FFFF  }
0xac: {  	[dreg:$0x1] =	wrdreg $0xFFFFFFFF  }
0xad: {  	[dreg:$0x0] =	wrdreg $0x60  }
0xae: {  	[dreg:$0x2] =	wrdreg s2  }
0xaf: {  	[dreg:$0x3] =	wrdreg s24  }
0xb0: {  	[dreg:$0x4] =	wrdreg $0x0  }
0xb1: {  	[dreg:$0x5] =	wrdreg $0xA  }
0xb2: {  	_ =	task.clear_ibuf [dreg:s7], $0x6FFFF;
	_ =	strace $0x90000046  }
0xb3: {  	s29 =	simm.s32 $0xA;
	_ =	strace $0x80000048  }
0xb4: {  	_ =	swait.ge [sflag:s29], $0x1  }
0xb5: {  	[sflag:s29] =	ssyncadd.s32 $0xFFFFFFFF  }
0xb6: {  	_ =	strace $0x90000048  }
0xb7: {  	_ =	sfence  }
0xb8: {  	s30 =	sld [smem:$0x0];
	_ =	sdelay $0x2  }
0xb9: {  	s31 =	sshll.u32 s1, $0xD;
	s1 =	sshrl.u32 s1, $0x2  }
0xba: {  	s3 =	sand.u32 $0x4000, s31;
	s1 =	sadd.s32 s1, s30  }
0xbb: {  	s0 =	sor.u32 s3, s0;
	s1 =	sshll.u32 s1, $0x11  }
0xbc: {  	s0 =	sor.u32 s1, s0  }
0xbd: {  	s0 =	sadd.s32 $0x8F2B, s0  }
0xbe: {  	[sflag:s0] =	ssyncadd.remote.s32 $0x1  }
0xbf: {  	_ =	sfence.sel $0xFFFF  }
0xc0: {  	[dreg:$0x0] =	wrdreg $0xFFFFFFFF;
	(pc) =	sbr.abs _section_cstart, $3  }
0xc1: {  	[dreg:$0x1] =	wrdreg $0xFFFFFFFF  }
0xc2: {  	_ =	task.clear_ibuf [dreg:s7], $0x2FFFF;
	_ =	strace $0x9FFFFFFF  }
0xc3: {  	(tm) =	ssettm $0x7FFFFFFF  }
tec
execute0_lowered:
.L_overlay_start_1:
0x0: {  	(tag) =	ssettag $0x1  }
0x1: {  	s1 =	rddreg [dreg:$0x0]  }
0x2: {  	s0 =	rddreg [dreg:$0x1]  }
0x3: {  	s2 =	rddreg [dreg:$0x2];
	s3 =	srdreg.scid;
	s4 =	simm.s32 $0x0  }
0x4: {  	s11 =	stileid.u32;
	s28 =	simm.s32 $0x2;
	s29 =	simm.s32 $0x17E00  }
0x5: {  	s30 =	simm.s32 $0x3;
	s31 =	simm.s32 $0x4;
	s7 =	smul.u32 $0x13C00, s11  }
0x6: {  	s3 =	sand.u32 $0x1, s3;
	[smem:$0x7FF] =	sst s4;
	s10 =	smul.u32 $0x4F000, s11  }
0x7: {  	s8 =	sadd.s32 $0xC400, s0;
	s5 =	sadd.s32 $0x2400, s0;
	s18 =	smul.u32 $0x28, s11  }
0x8: {  	s6 =	smul.u32 $0x13C000, s3;
	_ =	strace $0x80000047;
	s17 =	ssub.s32 $0x2, s3  }
0x9: {  	p0 =	seq.s32 s3, $0x0;
	s3 =	smul.u32 $0x78, s11;
	s9 =	sshrl.u32 s17, $0x1  }
0xa: {  	s19 =	sshrl.u32 s10, $0x2;
	s10 =	sadd.s32 $0x780, s18;
	s6 =	sadd.s32 s7, s6  }
0xb: {  	s9 =	ssub.s32 s17, s9;
	s7 =	sadd.s32 s19, s2;
	s10 =	smov.u32 @p0 s3  }
0xc: {  	s19 =	simm.s32 $0x13E00;
	s6 =	sshrl.u32 s6, $0x3;
	s20 =	sadd.s32 $0x4000, s7  }
0xd: {  	s21 =	sadd.s32 $0x8000, s7;
	s22 =	sadd.s32 $0xC000, s7;
	[dreg:$0x5] =	wrdreg s20  }
0xe: {  	s23 =	sshll.u32 s10, $0x4;
	s24 =	sadd.s32 $0x10000, s7;
	[dreg:$0x6] =	wrdreg s21  }
0xf: {  	s25 =	sshll.u32 s10, $0x7;
	s17 =	smax.u32 s9, $0x1;
	[dreg:$0x7] =	wrdreg s22  }
0x10: {  	s0 =	sadd.s32 s6, s0;
	s6 =	simm.s32 $0x3B00;
	[dreg:$0x8] =	wrdreg s24  }
0x11: {  	s12 =	sadd.s32 s8, s23;
	s15 =	sor.u32 $0x10, s23;
	s3 =	sadd.s32 s5, s23  }
0x12: {  	s26 =	sor.u32 $0x100, s25;
	s20 =	simm.s32 $0x7;
	s21 =	simm.s32 $0x13C00  }
0x13: {  	s22 =	simm.s32 $0x13D00;
	s23 =	simm.s32 $0x13C80;
	s24 =	simm.s32 $0x13D80  }
0x14: {  	s25 =	simm.s32 $0x1;
	s6 =	simm.s32 @!p0 $0x1300;
	[dreg:$0x9] =	wrdreg s3  }
0x15: {  	s14 =	sadd.s32 s8, s15;
	s15 =	sadd.s32 s5, s15;
	s16 =	sadd.s32 $0x16400, s0  }
0x16: {  	[dreg:$0x4] =	wrdreg s26;
	s10 =	sadd.s32 $0x30, s12;
	s26 =	simm.s32 $0x80  }
0x17: {  	v0 =	vimm.f32 $0.0e+00;
	s0 =	simm.s32 $0x5;
	s3 =	simm.s32 $0x6;
	s8 =	simm.s32 $0x0  }
.LBB2_1:
0x18: {  	s9 =	simm.s32 $0x0;
	s18 =	simm.s32 $0x200  }
.LBB2_2:
0x19: {  	p0 =	sne.s32 s18, $0xFE00;
	[tilespmem:s9+$0x13E70] =	vst v0  }
0x1a: {  	[tilespmem:s9+$0x13E00] =	vst v0  }
0x1b: {  	[tilespmem:s9+$0x13E10] =	vst v0  }
.Ltmp0:
0x1c: {  	[tilespmem:s9+$0x13E20] =	vst v0;
	(pc) =	sbr.rel @p0 .LBB2_2-.Ltmp0, $4  }
0x1d: {  	[tilespmem:s9+$0x13E30] =	vst v0  }
0x1e: {  	[tilespmem:s9+$0x13E40] =	vst v0  }
0x1f: {  	[tilespmem:s9+$0x13E50] =	vst v0  }
0x20: {  	[tilespmem:s9+$0x13E60] =	vst v0;
	s9 =	sshra.s32 s18, $0x2;
	s18 =	sadd.s32 $0x200, s18  }
0x21: {  	[tilespmem:s9+$0x13E70] =	vst v0  }
0x22: {  	[tilespmem:s9+$0x13E00] =	vst v0  }
0x23: {  	[tilespmem:s9+$0x13E10] =	vst v0  }
0x24: {  	[tilespmem:s9+$0x13E20] =	vst v0  }
0x25: {  	[tilespmem:s9+$0x13E30] =	vst v0  }
0x26: {  	[tilespmem:s9+$0x13E40] =	vst v0  }
0x27: {  	[tilespmem:s9+$0x13E50] =	vst v0  }
0x28: {  	[tilespmem:s9+$0x13E60] =	vst v0  }
0x29: {  	[spmem:s7] =	stream.linear.scatter [tilespmem:s19], [sflag:$0x7], $0x4000, $0x38;
	[tilespmem:$0x1BE00] =	vst v63  }
0x2a: {  	_ =	swait.ge [sflag:s20], $0x4000  }
0x2b: {  	[sflag:s20] =	ssyncset.done $0x0  }
0x2c: {  	s13 =	rddreg [dreg:$0x5];
	[sflag:s20] =	ssyncadd.s32 $0xFFFFC000  }
0x2d: {  	[spmem:s13] =	stream.linear.scatter [tilespmem:s19], [sflag:$0x7], $0x4000, $0x38;
	[tilespmem:$0x1BE00] =	vst v63  }
0x2e: {  	_ =	swait.ge [sflag:s20], $0x4000  }
0x2f: {  	[sflag:s20] =	ssyncset.done $0x0  }
0x30: {  	s18 =	rddreg [dreg:$0x6];
	[sflag:s20] =	ssyncadd.s32 $0xFFFFC000  }
0x31: {  	[spmem:s18] =	stream.linear.scatter [tilespmem:s19], [sflag:$0x7], $0x4000, $0x38;
	[tilespmem:$0x1BE00] =	vst v63  }
0x32: {  	_ =	swait.ge [sflag:s20], $0x4000  }
0x33: {  	[sflag:s20] =	ssyncset.done $0x0  }
0x34: {  	s11 =	rddreg [dreg:$0x7];
	[sflag:s20] =	ssyncadd.s32 $0xFFFFC000  }
0x35: {  	[spmem:s11] =	stream.linear.scatter [tilespmem:s19], [sflag:$0x7], $0x4000, $0x38;
	[tilespmem:$0x1BE00] =	vst v63  }
0x36: {  	_ =	swait.ge [sflag:s20], $0x4000  }
0x37: {  	[sflag:s20] =	ssyncset.done $0x0  }
0x38: {  	s13 =	rddreg [dreg:$0x8];
	[sflag:s20] =	ssyncadd.s32 $0xFFFFC000  }
0x39: {  	[spmem:s13] =	stream.linear.scatter [tilespmem:s19], [sflag:$0x7], $0x3C00, $0x38;
	[tilespmem:$0x1BE00] =	vst v63  }
0x3a: {  	_ =	swait.ge [sflag:s20], $0x3C00  }
0x3b: {  	[sflag:s20] =	ssyncset.done $0x0  }
0x3c: {  	[sflag:s20] =	ssyncadd.s32 $0xFFFFC400  }
0x3d: {  	s18 =	simm.s32 $0x0;
	[bflag:$0x0] =	sbarrier.arrive $0xFFFF  }
0x3e: {  	[tilespmem:s21], [sflag:$0x1] =	stream.linear.gather [hbm4b:s12+s18], $0x80, $0x38;
	[tilespmem:$0x1BE00] =	vst v63  }
0x3f: {  	s11 =	rddreg [dreg:$0x9]  }
0x40: {  	[tilespmem:s22], [sflag:$0x1] =	stream.linear.gather [hbm4b:s11+s18], $0x80, $0x38;
	[tilespmem:$0x1BE00] =	vst v63  }
0x41: {  	_ = 	snop  }
0x42: {  	[tilespmem:s23], [sflag:$0x2] =	stream.linear.gather [hbm4b:s14+s18], $0x80, $0x38;
	[tilespmem:$0x1BE00] =	vst v63  }
0x43: {  	_ = 	snop  }
0x44: {  	[tilespmem:s24], [sflag:$0x2] =	stream.linear.gather [hbm4b:s15+s18], $0x80, $0x38;
	[tilespmem:$0x1BE00] =	vst v63  }
0x45: {  	_ =	swait.ge [sflag:s25], $0x80  }
0x46: {  	[sflag:s25] =	ssyncset.done $0x0  }
0x47: {  	[sflag:s25] =	ssyncadd.s32 $0xFFFFFF80  }
0x48: {  	_ =	swait.ge [sflag:s25], $0x80  }
0x49: {  	[sflag:s25] =	ssyncset.done $0x0  }
0x4a: {  	[sflag:s25] =	ssyncadd.s32 $0xFFFFFF80  }
0x4b: {  	[tilespmem:s19], [sflag:$0x3] =	stream.indirect.gather [hbm4b:s1+s26], $0x80, s21, s26, $0xb8;
	[tilespmem:$0x1BE00] =	vst v63  }
0x4c: {  	_ =	swait.ge [sflag:s28], $0x80  }
0x4d: {  	[sflag:s28] =	ssyncset.done $0x0  }
0x4e: {  	[sflag:s28] =	ssyncadd.s32 $0xFFFFFF80  }
0x4f: {  	_ =	swait.ge [sflag:s28], $0x80  }
0x50: {  	[sflag:s28] =	ssyncset.done $0x0  }
0x51: {  	[sflag:s28] =	ssyncadd.s32 $0xFFFFFF80  }
0x52: {  	[tilespmem:s29], [sflag:$0x4] =	stream.indirect.gather [hbm4b:s1+s26], $0x80, s23, s26, $0xb8;
	[tilespmem:$0x1BE00] =	vst v63  }
0x53: {  	_ =	swait.ge [sflag:s30], $0x4000  }
0x54: {  	[sflag:s30] =	ssyncset.done $0x0  }
0x55: {  	[sflag:s30] =	ssyncadd.s32 $0xFFFFC000  }
0x56: {  	[spmem:s2] =	stream.indirect.scatter.add.f32 [tilespmem:s19], [sflag:$0x5], $0x80, s22, s26, $0xb8;
	[tilespmem:$0x1BE00] =	vst v63  }
0x57: {  	s11 =	sadd.s32 $0xFFFFFFF0, s10  }
0x58: {  	[tilespmem:s21], [sflag:$0x1] =	stream.linear.gather [hbm4b:s11+s4], $0x80, $0x38;
	[tilespmem:$0x1BE00] =	vst v63  }
0x59: {  	_ =	swait.ge [sflag:s31], $0x4000  }
0x5a: {  	[sflag:s31] =	ssyncset.done $0x0  }
0x5b: {  	[sflag:s31] =	ssyncadd.s32 $0xFFFFC000  }
0x5c: {  	[spmem:s2] =	stream.indirect.scatter.add.f32 [tilespmem:s29], [sflag:$0x6], $0x80, s24, s26, $0xb8;
	[tilespmem:$0x1BE00] =	vst v63  }
0x5d: {  	_ = 	snop  }
0x5e: {  	[tilespmem:s23], [sflag:$0x2] =	stream.linear.gather [hbm4b:s10+s4], $0x80, $0x38;
	[tilespmem:$0x1BE00] =	vst v63  }
0x5f: {  	_ =	swait.ge [sflag:s0], $0x4000  }
0x60: {  	[sflag:s0] =	ssyncset.done $0x0  }
0x61: {  	[sflag:s0] =	ssyncadd.s32 $0xFFFFC000  }
0x62: {  	_ =	swait.ge [sflag:s25], $0x80  }
0x63: {  	s18 =	rddreg [dreg:$0x4]  }
0x64: {  	s9 =	simm.s32 $0x100;
	s18 =	sadd.s32 $0x0, s18  }
0x65: {  	s13 =	sand.u32 $0x300, s9;
	s18 =	sand.u32 $0xFFFFFC00, s18  }
0x66: {  	s11 =	sor.u32 s13, s18  }
0x67: {  	[sflag:s25] =	ssyncset.done $0x0;
	s18 =	sshrl.u32 s11, $0x3  }
0x68: {  	[sflag:s25] =	ssyncadd.s32 $0xFFFFFF80;
	s18 =	sadd.s32 s5, s18  }
0x69: {  	[tilespmem:s22], [sflag:$0x1] =	stream.linear.gather [hbm4b:s18+s4], $0x80, $0x38;
	[tilespmem:$0x1BE00] =	vst v63  }
0x6a: {  	_ = 	snop  }
0x6b: {  	[tilespmem:s19], [sflag:$0x3] =	stream.indirect.gather [hbm4b:s1+s26], $0x80, s21, s26, $0xb8;
	[tilespmem:$0x1BE00] =	vst v63  }
0x6c: {  	_ =	swait.ge [sflag:s25], $0x80  }
0x6d: {  	[sflag:s25] =	ssyncset.done $0x0  }
0x6e: {  	[sflag:s25] =	ssyncadd.s32 $0xFFFFFF80  }
0x6f: {  	_ =	swait.ge [sflag:s3], $0x4000  }
0x70: {  	[sflag:s3] =	ssyncset.done $0x0  }
0x71: {  	[sflag:s3] =	ssyncadd.s32 $0xFFFFC000  }
0x72: {  	s11 =	sor.u32 $0x80, s11;
	_ =	swait.ge [sflag:s28], $0x80  }
0x73: {  	s11 =	sshrl.u32 s11, $0x3;
	[sflag:s28] =	ssyncset.done $0x0  }
0x74: {  	p0 =	sne.s32 s6, $0x100;
	s11 =	sadd.s32 s5, s11;
	[sflag:s28] =	ssyncadd.s32 $0xFFFFFF80  }
0x75: {  	[tilespmem:s24], [sflag:$0x2] =	stream.linear.gather [hbm4b:s11+s4], $0x80, $0x38;
	[tilespmem:$0x1BE00] =	vst v63  }
.Ltmp1:
0x76: {  	_ = 	snop;
	(pc) =	sbr.rel @!p0 .LBB2_5-.Ltmp1, $4  }
0x77: {  	_ = 	snop  }
0x78: {  	[tilespmem:s29], [sflag:$0x4] =	stream.indirect.gather [hbm4b:s1+s26], $0x80, s23, s26, $0xb8;
	[tilespmem:$0x1BE00] =	vst v63  }
0x79: {  	_ =	swait.ge [sflag:s28], $0x80  }
0x7a: {  	s18 =	smov.u32 s10;
	[sflag:s28] =	ssyncset.done $0x0  }
.LBB2_4:
0x7b: {  	[sflag:s28] =	ssyncadd.s32 $0xFFFFFF80  }
0x7c: {  	_ =	swait.ge [sflag:s30], $0x4000  }
0x7d: {  	[sflag:s30] =	ssyncset.done $0x0  }
0x7e: {  	s18 =	sadd.s32 $0x20, s18;
	[sflag:s30] =	ssyncadd.s32 $0xFFFFC000  }
0x7f: {  	[spmem:s2] =	stream.indirect.scatter.add.f32 [tilespmem:s19], [sflag:$0x5], $0x80, s22, s26, $0xb8;
	[tilespmem:$0x1BE00] =	vst v63  }
0x80: {  	s13 =	sadd.s32 $0xFFFFFFF0, s18  }
0x81: {  	[tilespmem:s21], [sflag:$0x1] =	stream.linear.gather [hbm4b:s13+s4], $0x80, $0x38;
	[tilespmem:$0x1BE00] =	vst v63  }
0x82: {  	_ =	swait.ge [sflag:s31], $0x4000  }
0x83: {  	[sflag:s31] =	ssyncset.done $0x0  }
0x84: {  	[sflag:s31] =	ssyncadd.s32 $0xFFFFC000  }
0x85: {  	[spmem:s2] =	stream.indirect.scatter.add.f32 [tilespmem:s29], [sflag:$0x6], $0x80, s24, s26, $0xb8;
	[tilespmem:$0x1BE00] =	vst v63  }
0x86: {  	_ = 	snop  }
0x87: {  	[tilespmem:s23], [sflag:$0x2] =	stream.linear.gather [hbm4b:s18+s4], $0x80, $0x38;
	[tilespmem:$0x1BE00] =	vst v63  }
0x88: {  	_ =	swait.ge [sflag:s0], $0x4000  }
0x89: {  	[sflag:s0] =	ssyncset.done $0x0  }
0x8a: {  	[sflag:s0] =	ssyncadd.s32 $0xFFFFC000  }
0x8b: {  	_ =	swait.ge [sflag:s25], $0x80  }
0x8c: {  	s11 =	smov.u32 s9;
	s13 =	rddreg [dreg:$0x4]  }
0x8d: {  	s9 =	sadd.s32 $0x100, s9;
	s11 =	sadd.s32 s11, s13  }
0x8e: {  	s13 =	sand.u32 $0x300, s9;
	s11 =	sand.u32 $0xFFFFFC00, s11  }
0x8f: {  	s11 =	sor.u32 s13, s11  }
0x90: {  	[sflag:s25] =	ssyncset.done $0x0;
	s13 =	sshrl.u32 s11, $0x3  }
0x91: {  	[sflag:s25] =	ssyncadd.s32 $0xFFFFFF80;
	s13 =	sadd.s32 s5, s13  }
0x92: {  	[tilespmem:s22], [sflag:$0x1] =	stream.linear.gather [hbm4b:s13+s4], $0x80, $0x38;
	[tilespmem:$0x1BE00] =	vst v63  }
0x93: {  	_ = 	snop  }
0x94: {  	[tilespmem:s19], [sflag:$0x3] =	stream.indirect.gather [hbm4b:s1+s26], $0x80, s21, s26, $0xb8;
	[tilespmem:$0x1BE00] =	vst v63  }
0x95: {  	_ =	swait.ge [sflag:s25], $0x80  }
0x96: {  	[sflag:s25] =	ssyncset.done $0x0  }
0x97: {  	[sflag:s25] =	ssyncadd.s32 $0xFFFFFF80  }
0x98: {  	_ =	swait.ge [sflag:s3], $0x4000  }
0x99: {  	[sflag:s3] =	ssyncset.done $0x0  }
0x9a: {  	[sflag:s3] =	ssyncadd.s32 $0xFFFFC000  }
0x9b: {  	s11 =	sor.u32 $0x80, s11;
	_ =	swait.ge [sflag:s28], $0x80  }
0x9c: {  	s11 =	sshrl.u32 s11, $0x3;
	[sflag:s28] =	ssyncset.done $0x0  }
0x9d: {  	p0 =	sne.s32 s6, s9;
	s11 =	sadd.s32 s5, s11;
	[sflag:s28] =	ssyncadd.s32 $0xFFFFFF80  }
0x9e: {  	[tilespmem:s24], [sflag:$0x2] =	stream.linear.gather [hbm4b:s11+s4], $0x80, $0x38;
	[tilespmem:$0x1BE00] =	vst v63  }
.Ltmp2:
0x9f: {  	_ = 	snop;
	(pc) =	sbr.rel @p0 .LBB2_4-.Ltmp2, $4  }
0xa0: {  	_ = 	snop  }
0xa1: {  	[tilespmem:s29], [sflag:$0x4] =	stream.indirect.gather [hbm4b:s1+s26], $0x80, s23, s26, $0xb8;
	[tilespmem:$0x1BE00] =	vst v63  }
0xa2: {  	_ =	swait.ge [sflag:s28], $0x80  }
0xa3: {  	[sflag:s28] =	ssyncset.done $0x0  }
.LBB2_5:
0xa4: {  	[sflag:s28] =	ssyncadd.s32 $0xFFFFFF80  }
0xa5: {  	_ =	swait.ge [sflag:s30], $0x4000  }
0xa6: {  	[sflag:s30] =	ssyncset.done $0x0  }
0xa7: {  	[sflag:s30] =	ssyncadd.s32 $0xFFFFC000  }
0xa8: {  	[spmem:s2] =	stream.indirect.scatter.add.f32 [tilespmem:s19], [sflag:$0x5], $0x80, s22, s26, $0xb8;
	[tilespmem:$0x1BE00] =	vst v63  }
0xa9: {  	_ =	swait.ge [sflag:s31], $0x4000  }
0xaa: {  	[sflag:s31] =	ssyncset.done $0x0  }
0xab: {  	[sflag:s31] =	ssyncadd.s32 $0xFFFFC000  }
0xac: {  	[spmem:s2] =	stream.indirect.scatter.add.f32 [tilespmem:s29], [sflag:$0x6], $0x80, s24, s26, $0xb8;
	[tilespmem:$0x1BE00] =	vst v63  }
0xad: {  	_ =	swait.ge [sflag:s0], $0x4000  }
0xae: {  	[sflag:s0] =	ssyncset.done $0x0  }
0xaf: {  	[sflag:s0] =	ssyncadd.s32 $0xFFFFC000  }
0xb0: {  	s9 =	stileid.u32;
	_ =	swait.ge [sflag:s3], $0x4000  }
0xb1: {  	s11 =	sshrl.u32 s7, $0x3;
	s8 =	sadd.s32 $0x1, s8;
	[sflag:s3] =	ssyncset.done $0x0  }
0xb2: {  	s9 =	sshll.u32 s9, $0x6;
	p0 =	sne.s32 s8, s17;
	[sflag:s3] =	ssyncadd.s32 $0xFFFFC000  }
.Ltmp3:
0xb3: {  	s9 =	sor.u32 $0x1C07, s9;
	[bflag:$0x0] =	sbarrier.arrive $0xFFFF;
	(pc) =	sbr.rel @p0 .LBB2_1-.Ltmp3, $4  }
0xb4: {  	[hbm:s16], [sflag:s9] =	dma.local [spmem:s11], $0x2780  }
0xb5: {  	_ =	swait.ge [sflag:s20], $0x2780  }
0xb6: {  	[sflag:s20] =	ssyncset.done $0x0  }
0xb7: {  	[sflag:s20] =	ssyncadd.s32 $0xFFFFD880  }
0xb8: {  	_ =	sfence.sel $0x180000  }
0xb9: {  	[bflag:$0x0] =	sbarrier.arrive $0xFFFF  }
0xba: {  	_ =	strace $0x90000047  }
0xbb: {  	s0 =	stileid.u32;
	[bflag:$0x2] =	sbarrier.arrive $0xFFFF  }
0xbc: {  	p0 =	sne.s32 s0, $0x0;
	s0 =	rddreg [dreg:$0x3]  }
0xbd: {  	s0 =	sadd.s32 @!p0 $0x100000, s0  }
0xbe: {  	[sflag:s0] =	ssyncadd.tile.s32 @!p0 $0x1;
	_ =	shalt  }
.Lfunc_end2:
_tile_overlayer_lowered:
.L_overlay_start_2:
0xbf: {  	(tag) =	ssettag $0x2  }
0xc0: {  	s0 =	rddreg [dreg:$0x0];
	s2 =	stileid.u32  }
0xc1: {  	s1 =	rddreg [dreg:$0x1];
	p0 =	sne.s32 s2, $0x0  }
0xc2: {  	s3 =	rddreg [dreg:$0x2];
	[bflag:$0x3] =	sbarrier.arrive $0xFFFF;
	s2 =	simm.s32 @!p0 $0x1C07  }
0xc3: {  	[timem:s3], [sflag:s2] =	dma.local @!p0 [hbm:s0], s1  }
0xc4: {  	s0 =	simm.s32 @!p0 $0x7  }
0xc5: {  	_ =	swait.ge @!p0 [sflag:s0], s1  }
0xc6: {  	s1 =	ssub.s32 @!p0 $0x0, s1;
	[sflag:s0] =	ssyncset.done @!p0 $0x0  }
0xc7: {  	[sflag:s0] =	ssyncadd.s32 @!p0 s1  }
0xc8: {  	[bflag:$0x3] =	sbarrier.arrive $0xFFFF  }
0xc9: {  	_ =	shalt  }

// kernel: kernel.14.cloned.1.call-start
scs
__scs_entry_jumppad:
0x0: {  	(pc) =	sbr.rel $0x88, $3  }
0x1: {  	(tag) =	ssettag $0x0;
	lr =	simm.s32 $0x1  }
0x2: {  	[smem:$0x3F97] =	sst lr;
	_ =	strace $0xD0000000  }
0x3: {  	_ = 	snop  }
0x4: {  	_ = 	snop  }
0x5: {  	_ = 	snop  }
0x6: {  	_ = 	snop  }
0x7: {  	_ = 	snop  }
__scs_overlays_trampoline_lowered:
0x8: {  	[smem:$0x3FA6] =	sst s0  }
0x9: {  	[smem:$0x3FA7] =	sst s1  }
0xa: {  	[smem:$0x3FA8] =	sst s2  }
0xb: {  	[smem:$0x3FA9] =	sst s3  }
0xc: {  	[smem:$0x3FAA] =	sst s4  }
0xd: {  	[smem:$0x3FAB] =	sst s5  }
0xe: {  	[smem:$0x3FAC] =	sst s6  }
0xf: {  	[smem:$0x3FAD] =	sst s7  }
0x10: {  	[smem:$0x3FAE] =	sst s8  }
0x11: {  	[smem:$0x3FAF] =	sst s9;
	s0 =	simm.s32 @!p0 $0x0  }
0x12: {  	s1 =	sld [smem:$0x3F95];
	s0 =	simm.s32 @p0 $0x1  }
0x13: {  	[smem:$0x3FB0] =	sst s0;
	s0 =	simm.s32 @!p1 $0x0  }
0x14: {  	s2 =	sld [smem:$0x3F94];
	s0 =	simm.s32 @p1 $0x1  }
0x15: {  	[smem:$0x3FB1] =	sst s0;
	s0 =	simm.s32 @!p2 $0x0  }
0x16: {  	s3 =	sld [smem:$0x3FDB];
	s0 =	simm.s32 @p2 $0x1  }
0x17: {  	s4 =	simm.s32 $0x1BF5;
	[smem:$0x3FB3] =	sst s0  }
0x18: {  	s0 =	sld [smem:$0x3F96];
	_ =	swait.ge [sflag:s4], $0x0  }
0x19: {  	s7 =	sld [smem:$0x3F97]  }
0x1a: {  	s8 =	sadd.s32 $0xFFFFE003, lr  }
0x1b: {  	s9 =	sadd.s32 $0xFFFFFEF7, lr;
	s5 =	simm.s32 $0xFFFFFFFF;
	p2 =	slt.u32 s8, $0xFFFFF086  }
0x1c: {  	p1 =	slt.u32 s9, $0xF7A;
	s5 =	simm.s32 @!p2 $0x0  }
0x1d: {  	s5 =	simm.s32 @p1 $0x1;
	p0 =	seq.s32 s7, s2  }
0x1e: {  	s7 =	smul.u32 @!p0 $0xF7A, s2;
	p2 =	seq.s32 @!p0 s5, $0x0  }
0x1f: {  	s9 =	smul.u32 $0xF7A, s1;
	s8 =	simm.s32 @!p0 $0x1BF5;
	p2 =	por !p2, p0  }
0x20: {  	[sflag:s8] =	ssyncset.s32 @!p0 $0xFFFFF086;
	s6 =	sadd.s32 @!p0 s3, s7;
	s7 =	simm.s32 @!p0 $0x108  }
0x21: {  	s3 =	sadd.s32 s3, s9;
	s6 =	sadd.s32 @!p0 $0x88, s6;
	s7 =	simm.s32 @p2 $0x1082  }
0x22: {  	[simem:s7], [sflag:s8] =	dma.local @!p0 [hbm:s6], $0xF7A  }
0x23: {  	s9 =	sor.u32 $0xD0000000, s2;
	s6 =	simm.s32 $0x108;
	_ =	swait.ge @!p0 [sflag:s8], $0x0  }
0x24: {  	s3 =	sadd.s32 $0x88, s3;
	s6 =	simm.s32 @!p1 $0x1082;
	[sflag:s4] =	ssyncset.s32 $0xFFFFF086  }
0x25: {  	[simem:s6], [sflag:s4] =	dma.local [hbm:s3], $0xF7A  }
0x26: {  	[smem:$0x3F97] =	sst s1;
	(tag) =	ssettag s2;
	_ =	strace s9  }
0x27: {  	s1 =	sld [smem:$0x3FA7]  }
0x28: {  	s2 =	sld [smem:$0x3FA8]  }
0x29: {  	s4 =	sld [smem:$0x3FAA]  }
0x2a: {  	p0 =	seq.s32 s5, $0x0;
	s5 =	sld [smem:$0x3FAB]  }
0x2b: {  	s6 =	sld [smem:$0x3FAC]  }
0x2c: {  	s7 =	sld [smem:$0x3FAD]  }
0x2d: {  	s3 =	simm.s32 $0x108;
	s8 =	sld [smem:$0x3FAE]  }
0x2e: {  	s3 =	simm.s32 @!p0 $0x1082;
	s9 =	sld [smem:$0x3FAF]  }
0x2f: {  	lr =	sadd.s32 s0, s3;
	s0 =	sld [smem:$0x3FA6]  }
0x30: {  	s3 =	sld [smem:$0x3FA9]  }
0x31: {  	[smem:$0x3FB2] =	sst s10  }
0x32: {  	s10 =	sld [smem:$0x3FB0];
	_ =	sdelay $0x3  }
0x33: {  	p0 =	seq.s32 s10, $0x1;
	s10 =	sld [smem:$0x3FB2];
	_ =	sdelay $0x3  }
0x34: {  	[smem:$0x3FB2] =	sst s10  }
0x35: {  	s10 =	sld [smem:$0x3FB1];
	_ =	sdelay $0x3  }
0x36: {  	p1 =	seq.s32 s10, $0x1;
	s10 =	sld [smem:$0x3FB2];
	_ =	sdelay $0x3  }
0x37: {  	[smem:$0x3FB2] =	sst s10  }
0x38: {  	s10 =	sld [smem:$0x3FB3]  }
0x39: {  	_ = 	snop;
	(pc) =	sbr.ind lr, $3  }
0x3a: {  	_ = 	snop  }
0x3b: {  	_ = 	snop  }
0x3c: {  	p2 =	seq.s32 s10, $0x1;
	s10 =	sld [smem:$0x3FB2]  }
0x3d: {  	_ =	shalt  }
0x3e: {  	_ =	shalt  }
0x3f: {  	_ =	shalt  }
0x40: {  	_ =	shalt  }
0x41: {  	_ =	shalt  }
0x42: {  	_ =	shalt  }
0x43: {  	_ =	shalt  }
0x44: {  	_ =	shalt  }
0x45: {  	_ =	shalt  }
0x46: {  	_ =	shalt  }
0x47: {  	_ =	shalt  }
0x48: {  	_ =	shalt  }
0x49: {  	_ =	shalt  }
0x4a: {  	_ =	shalt  }
0x4b: {  	_ =	shalt  }
0x4c: {  	_ =	shalt  }
0x4d: {  	_ =	shalt  }
0x4e: {  	_ =	shalt  }
0x4f: {  	_ =	shalt  }
0x50: {  	_ =	shalt  }
0x51: {  	_ =	shalt  }
0x52: {  	_ =	shalt  }
0x53: {  	_ =	shalt  }
0x54: {  	_ =	shalt  }
0x55: {  	_ =	shalt  }
0x56: {  	_ =	shalt  }
0x57: {  	_ =	shalt  }
0x58: {  	_ =	shalt  }
0x59: {  	_ =	shalt  }
0x5a: {  	_ =	shalt  }
0x5b: {  	_ =	shalt  }
0x5c: {  	_ =	shalt  }
0x5d: {  	_ =	shalt  }
0x5e: {  	_ =	shalt  }
0x5f: {  	_ =	shalt  }
0x60: {  	_ =	shalt  }
0x61: {  	_ =	shalt  }
0x62: {  	_ =	shalt  }
0x63: {  	_ =	shalt  }
0x64: {  	_ =	shalt  }
0x65: {  	_ =	shalt  }
0x66: {  	_ =	shalt  }
0x67: {  	_ =	shalt  }
0x68: {  	_ =	shalt  }
0x69: {  	_ =	shalt  }
0x6a: {  	_ =	shalt  }
0x6b: {  	_ =	shalt  }
0x6c: {  	_ =	shalt  }
0x6d: {  	_ =	shalt  }
0x6e: {  	_ =	shalt  }
0x6f: {  	_ =	shalt  }
0x70: {  	_ =	shalt  }
0x71: {  	_ =	shalt  }
0x72: {  	_ =	shalt  }
0x73: {  	_ =	shalt  }
0x74: {  	_ =	shalt  }
0x75: {  	_ =	shalt  }
0x76: {  	_ =	shalt  }
0x77: {  	_ =	shalt  }
0x78: {  	_ =	shalt  }
0x79: {  	_ =	shalt  }
0x7a: {  	_ =	shalt  }
0x7b: {  	_ =	shalt  }
0x7c: {  	_ =	shalt  }
0x7d: {  	_ =	shalt  }
0x7e: {  	_ =	shalt  }
0x7f: {  	_ =	shalt  }
0x80: {  	_ =	shalt  }
0x81: {  	_ =	shalt  }
0x82: {  	_ =	shalt  }
0x83: {  	_ =	shalt  }
0x84: {  	_ =	shalt  }
0x85: {  	_ =	shalt  }
0x86: {  	_ =	shalt  }
0x87: {  	_ =	shalt  }
.Lfunc_end0:
.L_simem_size_0:
called_computation.2_lowered:
.L_overlay_start_0:
0x88: {  	s2 =	sld [smem:$0x3FD9]  }
0x89: {  	s3 =	sld [smem:$0x3FFE];
	_ =	sdelay $0x1  }
0x8a: {  	s1 =	srdreg.scid  }
0x8b: {  	s0 =	sand.u32 $0x1, s1  }
0x8c: {  	s17 =	sshll.u32 s0, $0xA;
	s2 =	sadd.s32 s3, s2  }
0x8d: {  	s2 =	sadd.s32 s2, s17  }
0x8e: {  	[smem:$0x3FBE] =	sst s2  }
0x8f: {  	_ = 	snop  }
0x90: {  	s2 =	sld [smem:$0x3FD0];
	(tm) =	ssettm $0x1  }
0x91: {  	s18 =	sld [smem:$0x3FFB];
	_ =	sdelay $0x3  }
0x92: {  	_ =	strace s18  }
0x93: {  	s3 =	sld [smem:$0x3FFC];
	_ =	sdelay $0x3  }
0x94: {  	_ =	strace s3  }
0x95: {  	s3 =	sld [smem:$0x3FFD];
	_ =	sdelay $0x3  }
0x96: {  	_ =	strace s3  }
0x97: {  	_ =	strace $0x8FFFFFFF  }
0x98: {  	s19 =	sld [smem:$0x3FDB];
	_ =	sdelay $0x1  }
0x99: {  	s4 =	simm.s32 $_scs_section_size  }
0x9a: {  	s5 =	simm.s32 $_size__tile_overlayer_lowered;
	s6 =	simm.s32 $_tile_overlayer_lowered  }
0x9b: {  	s22 =	simm.s32 $0x1BFF;
	s21 =	sshll.u32 s6, $0x1;
	s3 =	sadd.s32 s4, s19  }
0x9c: {  	s7 =	simm.s32 $0x0;
	s20 =	sshll.u32 s5, $0x1;
	s5 =	sadd.s32 s21, s3  }
0x9d: {  	[timem:s7], [sflag:s22] =	dma.local [hbm:s5], s20  }
0x9e: {  	_ =	swait.ge [sflag:s22], s20  }
0x9f: {  	s4 =	ssub.s32 $0x0, s20;
	[sflag:s22] =	ssyncset.done $0x0  }
0xa0: {  	[sflag:s22] =	ssyncadd.s32 s4;
	_ =	sdelay $0x1  }
0xa1: {  	s23 =	simm.s32 $0x1B8B  }
0xa2: {  	_ =	swait.ge [sflag:s23], $0x1  }
0xa3: {  	[sflag:s23] =	ssyncset.done $0x0  }
0xa4: {  	s25 =	simm.s32 $0x1B8E;
	s24 =	sld [smem:$0x3FFE];
	[sflag:s23] =	ssyncadd.s32 $0xFFFFFFFF  }
0xa5: {  	s26 =	simm.s32 $execute0_lowered;
	[smem:$0x3FD2] =	sst s25  }
0xa6: {  	s5 =	sshll.u32 s26, $0x1;
	_ =	strace $0x8000004C;
	[dreg:$0x1] =	wrdreg $0xFFFFFFFF  }
0xa7: {  	s28 =	simm.s32 $_size_execute0_lowered;
	s3 =	sadd.s32 s3, s5;
	[dreg:$0x0] =	wrdreg $0x0  }
0xa8: {  	s5 =	sshll.u32 s28, $0x1;
	[dreg:$0x2] =	wrdreg s3  }
0xa9: {  	[dreg:$0x3] =	wrdreg s5  }
0xaa: {  	[dreg:$0x4] =	wrdreg $0xC0  }
0xab: {  	_ =	task [dreg:s7], $0x5FFFF  }
0xac: {  	[dreg:$0x1] =	wrdreg $0xFFFFFFFF  }
0xad: {  	[dreg:$0x0] =	wrdreg $0x60  }
0xae: {  	[dreg:$0x2] =	wrdreg s2  }
0xaf: {  	[dreg:$0x3] =	wrdreg s24  }
0xb0: {  	[dreg:$0x4] =	wrdreg $0x0  }
0xb1: {  	[dreg:$0x5] =	wrdreg $0x9  }
0xb2: {  	_ =	task.clear_ibuf [dreg:s7], $0x6FFFF;
	_ =	strace $0x9000004C  }
0xb3: {  	s29 =	simm.s32 $0x9;
	_ =	strace $0x8000004E  }
0xb4: {  	_ =	swait.ge [sflag:s29], $0x1  }
0xb5: {  	[sflag:s29] =	ssyncadd.s32 $0xFFFFFFFF  }
0xb6: {  	_ =	strace $0x9000004E  }
0xb7: {  	_ =	sfence  }
0xb8: {  	s30 =	sld [smem:$0x0];
	_ =	sdelay $0x2  }
0xb9: {  	s31 =	sshll.u32 s1, $0xD;
	s1 =	sshrl.u32 s1, $0x2  }
0xba: {  	s3 =	sand.u32 $0x4000, s31;
	s1 =	sadd.s32 s1, s30  }
0xbb: {  	s0 =	sor.u32 s3, s0;
	s1 =	sshll.u32 s1, $0x11  }
0xbc: {  	s0 =	sor.u32 s1, s0  }
0xbd: {  	s0 =	sadd.s32 $0x8F2B, s0  }
0xbe: {  	[sflag:s0] =	ssyncadd.remote.s32 $0x1  }
0xbf: {  	_ =	sfence.sel $0xFFFF  }
0xc0: {  	[dreg:$0x0] =	wrdreg $0xFFFFFFFF;
	(pc) =	sbr.abs _section_cstart, $3  }
0xc1: {  	[dreg:$0x1] =	wrdreg $0xFFFFFFFF  }
0xc2: {  	_ =	task.clear_ibuf [dreg:s7], $0x2FFFF;
	_ =	strace $0x9FFFFFFF  }
0xc3: {  	(tm) =	ssettm $0x7FFFFFFF  }
tec
execute0_lowered:
.L_overlay_start_1:
0x0: {  	(tag) =	ssettag $0x1  }
0x1: {  	s1 =	rddreg [dreg:$0x0]  }
0x2: {  	s0 =	rddreg [dreg:$0x1]  }
0x3: {  	s2 =	rddreg [dreg:$0x2];
	s3 =	srdreg.scid;
	s4 =	simm.s32 $0x0  }
0x4: {  	s11 =	stileid.u32;
	s28 =	simm.s32 $0x2;
	s29 =	simm.s32 $0x17E00  }
0x5: {  	s30 =	simm.s32 $0x3;
	s31 =	simm.s32 $0x4;
	s7 =	smul.u32 $0x13C00, s11  }
0x6: {  	s3 =	sand.u32 $0x1, s3;
	[smem:$0x7FF] =	sst s4;
	s10 =	smul.u32 $0x4F000, s11  }
0x7: {  	s8 =	sadd.s32 $0xC400, s0;
	s5 =	sadd.s32 $0x2400, s0;
	s18 =	smul.u32 $0x28, s11  }
0x8: {  	s6 =	smul.u32 $0x13C000, s3;
	_ =	strace $0x8000004D;
	s17 =	ssub.s32 $0x2, s3  }
0x9: {  	p0 =	seq.s32 s3, $0x0;
	s3 =	smul.u32 $0x78, s11;
	s9 =	sshrl.u32 s17, $0x1  }
0xa: {  	s19 =	sshrl.u32 s10, $0x2;
	s10 =	sadd.s32 $0x780, s18;
	s6 =	sadd.s32 s7, s6  }
0xb: {  	s9 =	ssub.s32 s17, s9;
	s7 =	sadd.s32 s19, s2;
	s10 =	smov.u32 @p0 s3  }
0xc: {  	s19 =	simm.s32 $0x13E00;
	s6 =	sshrl.u32 s6, $0x3;
	s20 =	sadd.s32 $0x4000, s7  }
0xd: {  	s21 =	sadd.s32 $0x8000, s7;
	s22 =	sadd.s32 $0xC000, s7;
	[dreg:$0x5] =	wrdreg s20  }
0xe: {  	s23 =	sshll.u32 s10, $0x4;
	s24 =	sadd.s32 $0x10000, s7;
	[dreg:$0x6] =	wrdreg s21  }
0xf: {  	s25 =	sshll.u32 s10, $0x7;
	s17 =	smax.u32 s9, $0x1;
	[dreg:$0x7] =	wrdreg s22  }
0x10: {  	s0 =	sadd.s32 s6, s0;
	s6 =	simm.s32 $0x3B00;
	[dreg:$0x8] =	wrdreg s24  }
0x11: {  	s12 =	sadd.s32 s8, s23;
	s15 =	sor.u32 $0x10, s23;
	s3 =	sadd.s32 s5, s23  }
0x12: {  	s26 =	sor.u32 $0x100, s25;
	s20 =	simm.s32 $0x7;
	s21 =	simm.s32 $0x13C00  }
0x13: {  	s22 =	simm.s32 $0x13D00;
	s23 =	simm.s32 $0x13C80;
	s24 =	simm.s32 $0x13D80  }
0x14: {  	s25 =	simm.s32 $0x1;
	s6 =	simm.s32 @!p0 $0x1300;
	[dreg:$0x9] =	wrdreg s3  }
0x15: {  	s14 =	sadd.s32 s8, s15;
	s15 =	sadd.s32 s5, s15;
	s16 =	sadd.s32 $0x16400, s0  }
0x16: {  	[dreg:$0x4] =	wrdreg s26;
	s10 =	sadd.s32 $0x30, s12;
	s26 =	simm.s32 $0x80  }
0x17: {  	v0 =	vimm.f32 $0.0e+00;
	s0 =	simm.s32 $0x5;
	s3 =	simm.s32 $0x6;
	s8 =	simm.s32 $0x0  }
.LBB2_1:
0x18: {  	s9 =	simm.s32 $0x0;
	s18 =	simm.s32 $0x200  }
.LBB2_2:
0x19: {  	p0 =	sne.s32 s18, $0xFE00;
	[tilespmem:s9+$0x13E70] =	vst v0  }
0x1a: {  	[tilespmem:s9+$0x13E00] =	vst v0  }
0x1b: {  	[tilespmem:s9+$0x13E10] =	vst v0  }
.Ltmp0:
0x1c: {  	[tilespmem:s9+$0x13E20] =	vst v0;
	(pc) =	sbr.rel @p0 .LBB2_2-.Ltmp0, $4  }
0x1d: {  	[tilespmem:s9+$0x13E30] =	vst v0  }
0x1e: {  	[tilespmem:s9+$0x13E40] =	vst v0  }
0x1f: {  	[tilespmem:s9+$0x13E50] =	vst v0  }
0x20: {  	[tilespmem:s9+$0x13E60] =	vst v0;
	s9 =	sshra.s32 s18, $0x2;
	s18 =	sadd.s32 $0x200, s18  }
0x21: {  	[tilespmem:s9+$0x13E70] =	vst v0  }
0x22: {  	[tilespmem:s9+$0x13E00] =	vst v0  }
0x23: {  	[tilespmem:s9+$0x13E10] =	vst v0  }
0x24: {  	[tilespmem:s9+$0x13E20] =	vst v0  }
0x25: {  	[tilespmem:s9+$0x13E30] =	vst v0  }
0x26: {  	[tilespmem:s9+$0x13E40] =	vst v0  }
0x27: {  	[tilespmem:s9+$0x13E50] =	vst v0  }
0x28: {  	[tilespmem:s9+$0x13E60] =	vst v0  }
0x29: {  	[spmem:s7] =	stream.linear.scatter [tilespmem:s19], [sflag:$0x7], $0x4000, $0x38;
	[tilespmem:$0x1BE00] =	vst v63  }
0x2a: {  	_ =	swait.ge [sflag:s20], $0x4000  }
0x2b: {  	[sflag:s20] =	ssyncset.done $0x0  }
0x2c: {  	s13 =	rddreg [dreg:$0x5];
	[sflag:s20] =	ssyncadd.s32 $0xFFFFC000  }
0x2d: {  	[spmem:s13] =	stream.linear.scatter [tilespmem:s19], [sflag:$0x7], $0x4000, $0x38;
	[tilespmem:$0x1BE00] =	vst v63  }
0x2e: {  	_ =	swait.ge [sflag:s20], $0x4000  }
0x2f: {  	[sflag:s20] =	ssyncset.done $0x0  }
0x30: {  	s18 =	rddreg [dreg:$0x6];
	[sflag:s20] =	ssyncadd.s32 $0xFFFFC000  }
0x31: {  	[spmem:s18] =	stream.linear.scatter [tilespmem:s19], [sflag:$0x7], $0x4000, $0x38;
	[tilespmem:$0x1BE00] =	vst v63  }
0x32: {  	_ =	swait.ge [sflag:s20], $0x4000  }
0x33: {  	[sflag:s20] =	ssyncset.done $0x0  }
0x34: {  	s11 =	rddreg [dreg:$0x7];
	[sflag:s20] =	ssyncadd.s32 $0xFFFFC000  }
0x35: {  	[spmem:s11] =	stream.linear.scatter [tilespmem:s19], [sflag:$0x7], $0x4000, $0x38;
	[tilespmem:$0x1BE00] =	vst v63  }
0x36: {  	_ =	swait.ge [sflag:s20], $0x4000  }
0x37: {  	[sflag:s20] =	ssyncset.done $0x0  }
0x38: {  	s13 =	rddreg [dreg:$0x8];
	[sflag:s20] =	ssyncadd.s32 $0xFFFFC000  }
0x39: {  	[spmem:s13] =	stream.linear.scatter [tilespmem:s19], [sflag:$0x7], $0x3C00, $0x38;
	[tilespmem:$0x1BE00] =	vst v63  }
0x3a: {  	_ =	swait.ge [sflag:s20], $0x3C00  }
0x3b: {  	[sflag:s20] =	ssyncset.done $0x0  }
0x3c: {  	[sflag:s20] =	ssyncadd.s32 $0xFFFFC400  }
0x3d: {  	s18 =	simm.s32 $0x0;
	[bflag:$0x0] =	sbarrier.arrive $0xFFFF  }
0x3e: {  	[tilespmem:s21], [sflag:$0x1] =	stream.linear.gather [hbm4b:s12+s18], $0x80, $0x38;
	[tilespmem:$0x1BE00] =	vst v63  }
0x3f: {  	s11 =	rddreg [dreg:$0x9]  }
0x40: {  	[tilespmem:s22], [sflag:$0x1] =	stream.linear.gather [hbm4b:s11+s18], $0x80, $0x38;
	[tilespmem:$0x1BE00] =	vst v63  }
0x41: {  	_ = 	snop  }
0x42: {  	[tilespmem:s23], [sflag:$0x2] =	stream.linear.gather [hbm4b:s14+s18], $0x80, $0x38;
	[tilespmem:$0x1BE00] =	vst v63  }
0x43: {  	_ = 	snop  }
0x44: {  	[tilespmem:s24], [sflag:$0x2] =	stream.linear.gather [hbm4b:s15+s18], $0x80, $0x38;
	[tilespmem:$0x1BE00] =	vst v63  }
0x45: {  	_ =	swait.ge [sflag:s25], $0x80  }
0x46: {  	[sflag:s25] =	ssyncset.done $0x0  }
0x47: {  	[sflag:s25] =	ssyncadd.s32 $0xFFFFFF80  }
0x48: {  	_ =	swait.ge [sflag:s25], $0x80  }
0x49: {  	[sflag:s25] =	ssyncset.done $0x0  }
0x4a: {  	[sflag:s25] =	ssyncadd.s32 $0xFFFFFF80  }
0x4b: {  	[tilespmem:s19], [sflag:$0x3] =	stream.indirect.gather [hbm4b:s1+s26], $0x80, s21, s26, $0xb8;
	[tilespmem:$0x1BE00] =	vst v63  }
0x4c: {  	_ =	swait.ge [sflag:s28], $0x80  }
0x4d: {  	[sflag:s28] =	ssyncset.done $0x0  }
0x4e: {  	[sflag:s28] =	ssyncadd.s32 $0xFFFFFF80  }
0x4f: {  	_ =	swait.ge [sflag:s28], $0x80  }
0x50: {  	[sflag:s28] =	ssyncset.done $0x0  }
0x51: {  	[sflag:s28] =	ssyncadd.s32 $0xFFFFFF80  }
0x52: {  	[tilespmem:s29], [sflag:$0x4] =	stream.indirect.gather [hbm4b:s1+s26], $0x80, s23, s26, $0xb8;
	[tilespmem:$0x1BE00] =	vst v63  }
0x53: {  	_ =	swait.ge [sflag:s30], $0x4000  }
0x54: {  	[sflag:s30] =	ssyncset.done $0x0  }
0x55: {  	[sflag:s30] =	ssyncadd.s32 $0xFFFFC000  }
0x56: {  	[spmem:s2] =	stream.indirect.scatter.add.f32 [tilespmem:s19], [sflag:$0x5], $0x80, s22, s26, $0xb8;
	[tilespmem:$0x1BE00] =	vst v63  }
0x57: {  	s11 =	sadd.s32 $0xFFFFFFF0, s10  }
0x58: {  	[tilespmem:s21], [sflag:$0x1] =	stream.linear.gather [hbm4b:s11+s4], $0x80, $0x38;
	[tilespmem:$0x1BE00] =	vst v63  }
0x59: {  	_ =	swait.ge [sflag:s31], $0x4000  }
0x5a: {  	[sflag:s31] =	ssyncset.done $0x0  }
0x5b: {  	[sflag:s31] =	ssyncadd.s32 $0xFFFFC000  }
0x5c: {  	[spmem:s2] =	stream.indirect.scatter.add.f32 [tilespmem:s29], [sflag:$0x6], $0x80, s24, s26, $0xb8;
	[tilespmem:$0x1BE00] =	vst v63  }
0x5d: {  	_ = 	snop  }
0x5e: {  	[tilespmem:s23], [sflag:$0x2] =	stream.linear.gather [hbm4b:s10+s4], $0x80, $0x38;
	[tilespmem:$0x1BE00] =	vst v63  }
0x5f: {  	_ =	swait.ge [sflag:s0], $0x4000  }
0x60: {  	[sflag:s0] =	ssyncset.done $0x0  }
0x61: {  	[sflag:s0] =	ssyncadd.s32 $0xFFFFC000  }
0x62: {  	_ =	swait.ge [sflag:s25], $0x80  }
0x63: {  	s18 =	rddreg [dreg:$0x4]  }
0x64: {  	s9 =	simm.s32 $0x100;
	s18 =	sadd.s32 $0x0, s18  }
0x65: {  	s13 =	sand.u32 $0x300, s9;
	s18 =	sand.u32 $0xFFFFFC00, s18  }
0x66: {  	s11 =	sor.u32 s13, s18  }
0x67: {  	[sflag:s25] =	ssyncset.done $0x0;
	s18 =	sshrl.u32 s11, $0x3  }
0x68: {  	[sflag:s25] =	ssyncadd.s32 $0xFFFFFF80;
	s18 =	sadd.s32 s5, s18  }
0x69: {  	[tilespmem:s22], [sflag:$0x1] =	stream.linear.gather [hbm4b:s18+s4], $0x80, $0x38;
	[tilespmem:$0x1BE00] =	vst v63  }
0x6a: {  	_ = 	snop  }
0x6b: {  	[tilespmem:s19], [sflag:$0x3] =	stream.indirect.gather [hbm4b:s1+s26], $0x80, s21, s26, $0xb8;
	[tilespmem:$0x1BE00] =	vst v63  }
0x6c: {  	_ =	swait.ge [sflag:s25], $0x80  }
0x6d: {  	[sflag:s25] =	ssyncset.done $0x0  }
0x6e: {  	[sflag:s25] =	ssyncadd.s32 $0xFFFFFF80  }
0x6f: {  	_ =	swait.ge [sflag:s3], $0x4000  }
0x70: {  	[sflag:s3] =	ssyncset.done $0x0  }
0x71: {  	[sflag:s3] =	ssyncadd.s32 $0xFFFFC000  }
0x72: {  	s11 =	sor.u32 $0x80, s11;
	_ =	swait.ge [sflag:s28], $0x80  }
0x73: {  	s11 =	sshrl.u32 s11, $0x3;
	[sflag:s28] =	ssyncset.done $0x0  }
0x74: {  	p0 =	sne.s32 s6, $0x100;
	s11 =	sadd.s32 s5, s11;
	[sflag:s28] =	ssyncadd.s32 $0xFFFFFF80  }
0x75: {  	[tilespmem:s24], [sflag:$0x2] =	stream.linear.gather [hbm4b:s11+s4], $0x80, $0x38;
	[tilespmem:$0x1BE00] =	vst v63  }
.Ltmp1:
0x76: {  	_ = 	snop;
	(pc) =	sbr.rel @!p0 .LBB2_5-.Ltmp1, $4  }
0x77: {  	_ = 	snop  }
0x78: {  	[tilespmem:s29], [sflag:$0x4] =	stream.indirect.gather [hbm4b:s1+s26], $0x80, s23, s26, $0xb8;
	[tilespmem:$0x1BE00] =	vst v63  }
0x79: {  	_ =	swait.ge [sflag:s28], $0x80  }
0x7a: {  	s18 =	smov.u32 s10;
	[sflag:s28] =	ssyncset.done $0x0  }
.LBB2_4:
0x7b: {  	[sflag:s28] =	ssyncadd.s32 $0xFFFFFF80  }
0x7c: {  	_ =	swait.ge [sflag:s30], $0x4000  }
0x7d: {  	[sflag:s30] =	ssyncset.done $0x0  }
0x7e: {  	s18 =	sadd.s32 $0x20, s18;
	[sflag:s30] =	ssyncadd.s32 $0xFFFFC000  }
0x7f: {  	[spmem:s2] =	stream.indirect.scatter.add.f32 [tilespmem:s19], [sflag:$0x5], $0x80, s22, s26, $0xb8;
	[tilespmem:$0x1BE00] =	vst v63  }
0x80: {  	s13 =	sadd.s32 $0xFFFFFFF0, s18  }
0x81: {  	[tilespmem:s21], [sflag:$0x1] =	stream.linear.gather [hbm4b:s13+s4], $0x80, $0x38;
	[tilespmem:$0x1BE00] =	vst v63  }
0x82: {  	_ =	swait.ge [sflag:s31], $0x4000  }
0x83: {  	[sflag:s31] =	ssyncset.done $0x0  }
0x84: {  	[sflag:s31] =	ssyncadd.s32 $0xFFFFC000  }
0x85: {  	[spmem:s2] =	stream.indirect.scatter.add.f32 [tilespmem:s29], [sflag:$0x6], $0x80, s24, s26, $0xb8;
	[tilespmem:$0x1BE00] =	vst v63  }
0x86: {  	_ = 	snop  }
0x87: {  	[tilespmem:s23], [sflag:$0x2] =	stream.linear.gather [hbm4b:s18+s4], $0x80, $0x38;
	[tilespmem:$0x1BE00] =	vst v63  }
0x88: {  	_ =	swait.ge [sflag:s0], $0x4000  }
0x89: {  	[sflag:s0] =	ssyncset.done $0x0  }
0x8a: {  	[sflag:s0] =	ssyncadd.s32 $0xFFFFC000  }
0x8b: {  	_ =	swait.ge [sflag:s25], $0x80  }
0x8c: {  	s11 =	smov.u32 s9;
	s13 =	rddreg [dreg:$0x4]  }
0x8d: {  	s9 =	sadd.s32 $0x100, s9;
	s11 =	sadd.s32 s11, s13  }
0x8e: {  	s13 =	sand.u32 $0x300, s9;
	s11 =	sand.u32 $0xFFFFFC00, s11  }
0x8f: {  	s11 =	sor.u32 s13, s11  }
0x90: {  	[sflag:s25] =	ssyncset.done $0x0;
	s13 =	sshrl.u32 s11, $0x3  }
0x91: {  	[sflag:s25] =	ssyncadd.s32 $0xFFFFFF80;
	s13 =	sadd.s32 s5, s13  }
0x92: {  	[tilespmem:s22], [sflag:$0x1] =	stream.linear.gather [hbm4b:s13+s4], $0x80, $0x38;
	[tilespmem:$0x1BE00] =	vst v63  }
0x93: {  	_ = 	snop  }
0x94: {  	[tilespmem:s19], [sflag:$0x3] =	stream.indirect.gather [hbm4b:s1+s26], $0x80, s21, s26, $0xb8;
	[tilespmem:$0x1BE00] =	vst v63  }
0x95: {  	_ =	swait.ge [sflag:s25], $0x80  }
0x96: {  	[sflag:s25] =	ssyncset.done $0x0  }
0x97: {  	[sflag:s25] =	ssyncadd.s32 $0xFFFFFF80  }
0x98: {  	_ =	swait.ge [sflag:s3], $0x4000  }
0x99: {  	[sflag:s3] =	ssyncset.done $0x0  }
0x9a: {  	[sflag:s3] =	ssyncadd.s32 $0xFFFFC000  }
0x9b: {  	s11 =	sor.u32 $0x80, s11;
	_ =	swait.ge [sflag:s28], $0x80  }
0x9c: {  	s11 =	sshrl.u32 s11, $0x3;
	[sflag:s28] =	ssyncset.done $0x0  }
0x9d: {  	p0 =	sne.s32 s6, s9;
	s11 =	sadd.s32 s5, s11;
	[sflag:s28] =	ssyncadd.s32 $0xFFFFFF80  }
0x9e: {  	[tilespmem:s24], [sflag:$0x2] =	stream.linear.gather [hbm4b:s11+s4], $0x80, $0x38;
	[tilespmem:$0x1BE00] =	vst v63  }
.Ltmp2:
0x9f: {  	_ = 	snop;
	(pc) =	sbr.rel @p0 .LBB2_4-.Ltmp2, $4  }
0xa0: {  	_ = 	snop  }
0xa1: {  	[tilespmem:s29], [sflag:$0x4] =	stream.indirect.gather [hbm4b:s1+s26], $0x80, s23, s26, $0xb8;
	[tilespmem:$0x1BE00] =	vst v63  }
0xa2: {  	_ =	swait.ge [sflag:s28], $0x80  }
0xa3: {  	[sflag:s28] =	ssyncset.done $0x0  }
.LBB2_5:
0xa4: {  	[sflag:s28] =	ssyncadd.s32 $0xFFFFFF80  }
0xa5: {  	_ =	swait.ge [sflag:s30], $0x4000  }
0xa6: {  	[sflag:s30] =	ssyncset.done $0x0  }
0xa7: {  	[sflag:s30] =	ssyncadd.s32 $0xFFFFC000  }
0xa8: {  	[spmem:s2] =	stream.indirect.scatter.add.f32 [tilespmem:s19], [sflag:$0x5], $0x80, s22, s26, $0xb8;
	[tilespmem:$0x1BE00] =	vst v63  }
0xa9: {  	_ =	swait.ge [sflag:s31], $0x4000  }
0xaa: {  	[sflag:s31] =	ssyncset.done $0x0  }
0xab: {  	[sflag:s31] =	ssyncadd.s32 $0xFFFFC000  }
0xac: {  	[spmem:s2] =	stream.indirect.scatter.add.f32 [tilespmem:s29], [sflag:$0x6], $0x80, s24, s26, $0xb8;
	[tilespmem:$0x1BE00] =	vst v63  }
0xad: {  	_ =	swait.ge [sflag:s0], $0x4000  }
0xae: {  	[sflag:s0] =	ssyncset.done $0x0  }
0xaf: {  	[sflag:s0] =	ssyncadd.s32 $0xFFFFC000  }
0xb0: {  	s9 =	stileid.u32;
	_ =	swait.ge [sflag:s3], $0x4000  }
0xb1: {  	s11 =	sshrl.u32 s7, $0x3;
	s8 =	sadd.s32 $0x1, s8;
	[sflag:s3] =	ssyncset.done $0x0  }
0xb2: {  	s9 =	sshll.u32 s9, $0x6;
	p0 =	sne.s32 s8, s17;
	[sflag:s3] =	ssyncadd.s32 $0xFFFFC000  }
.Ltmp3:
0xb3: {  	s9 =	sor.u32 $0x1C07, s9;
	[bflag:$0x0] =	sbarrier.arrive $0xFFFF;
	(pc) =	sbr.rel @p0 .LBB2_1-.Ltmp3, $4  }
0xb4: {  	[hbm:s16], [sflag:s9] =	dma.local [spmem:s11], $0x2780  }
0xb5: {  	_ =	swait.ge [sflag:s20], $0x2780  }
0xb6: {  	[sflag:s20] =	ssyncset.done $0x0  }
0xb7: {  	[sflag:s20] =	ssyncadd.s32 $0xFFFFD880  }
0xb8: {  	_ =	sfence.sel $0x180000  }
0xb9: {  	[bflag:$0x0] =	sbarrier.arrive $0xFFFF  }
0xba: {  	_ =	strace $0x9000004D  }
0xbb: {  	s0 =	stileid.u32;
	[bflag:$0x2] =	sbarrier.arrive $0xFFFF  }
0xbc: {  	p0 =	sne.s32 s0, $0x0;
	s0 =	rddreg [dreg:$0x3]  }
0xbd: {  	s0 =	sadd.s32 @!p0 $0x100000, s0  }
0xbe: {  	[sflag:s0] =	ssyncadd.tile.s32 @!p0 $0x1;
	_ =	shalt  }
.Lfunc_end2:
_tile_overlayer_lowered:
.L_overlay_start_2:
0xbf: {  	(tag) =	ssettag $0x2  }
0xc0: {  	s0 =	rddreg [dreg:$0x0];
	s2 =	stileid.u32  }
0xc1: {  	s1 =	rddreg [dreg:$0x1];
	p0 =	sne.s32 s2, $0x0  }
0xc2: {  	s3 =	rddreg [dreg:$0x2];
	[bflag:$0x3] =	sbarrier.arrive $0xFFFF;
	s2 =	simm.s32 @!p0 $0x1C07  }
0xc3: {  	[timem:s3], [sflag:s2] =	dma.local @!p0 [hbm:s0], s1  }
0xc4: {  	s0 =	simm.s32 @!p0 $0x7  }
0xc5: {  	_ =	swait.ge @!p0 [sflag:s0], s1  }
0xc6: {  	s1 =	ssub.s32 @!p0 $0x0, s1;
	[sflag:s0] =	ssyncset.done @!p0 $0x0  }
0xc7: {  	[sflag:s0] =	ssyncadd.s32 @!p0 s1  }
0xc8: {  	[bflag:$0x3] =	sbarrier.arrive $0xFFFF  }
0xc9: {  	_ =	shalt  }

// kernel: kernel.8.cloned.1.call-start
scs
__scs_entry_jumppad:
0x0: {  	(pc) =	sbr.rel $0x88, $3  }
0x1: {  	(tag) =	ssettag $0x0;
	lr =	simm.s32 $0x1  }
0x2: {  	[smem:$0x3F97] =	sst lr;
	_ =	strace $0xD0000000  }
0x3: {  	_ = 	snop  }
0x4: {  	_ = 	snop  }
0x5: {  	_ = 	snop  }
0x6: {  	_ = 	snop  }
0x7: {  	_ = 	snop  }
__scs_overlays_trampoline_lowered:
0x8: {  	[smem:$0x3FA6] =	sst s0  }
0x9: {  	[smem:$0x3FA7] =	sst s1  }
0xa: {  	[smem:$0x3FA8] =	sst s2  }
0xb: {  	[smem:$0x3FA9] =	sst s3  }
0xc: {  	[smem:$0x3FAA] =	sst s4  }
0xd: {  	[smem:$0x3FAB] =	sst s5  }
0xe: {  	[smem:$0x3FAC] =	sst s6  }
0xf: {  	[smem:$0x3FAD] =	sst s7  }
0x10: {  	[smem:$0x3FAE] =	sst s8  }
0x11: {  	[smem:$0x3FAF] =	sst s9;
	s0 =	simm.s32 @!p0 $0x0  }
0x12: {  	s1 =	sld [smem:$0x3F95];
	s0 =	simm.s32 @p0 $0x1  }
0x13: {  	[smem:$0x3FB0] =	sst s0;
	s0 =	simm.s32 @!p1 $0x0  }
0x14: {  	s2 =	sld [smem:$0x3F94];
	s0 =	simm.s32 @p1 $0x1  }
0x15: {  	[smem:$0x3FB1] =	sst s0;
	s0 =	simm.s32 @!p2 $0x0  }
0x16: {  	s3 =	sld [smem:$0x3FDB];
	s0 =	simm.s32 @p2 $0x1  }
0x17: {  	s4 =	simm.s32 $0x1BF5;
	[smem:$0x3FB3] =	sst s0  }
0x18: {  	s0 =	sld [smem:$0x3F96];
	_ =	swait.ge [sflag:s4], $0x0  }
0x19: {  	s7 =	sld [smem:$0x3F97]  }
0x1a: {  	s8 =	sadd.s32 $0xFFFFE003, lr  }
0x1b: {  	s9 =	sadd.s32 $0xFFFFFEF7, lr;
	s5 =	simm.s32 $0xFFFFFFFF;
	p2 =	slt.u32 s8, $0xFFFFF086  }
0x1c: {  	p1 =	slt.u32 s9, $0xF7A;
	s5 =	simm.s32 @!p2 $0x0  }
0x1d: {  	s5 =	simm.s32 @p1 $0x1;
	p0 =	seq.s32 s7, s2  }
0x1e: {  	s7 =	smul.u32 @!p0 $0xF7A, s2;
	p2 =	seq.s32 @!p0 s5, $0x0  }
0x1f: {  	s9 =	smul.u32 $0xF7A, s1;
	s8 =	simm.s32 @!p0 $0x1BF5;
	p2 =	por !p2, p0  }
0x20: {  	[sflag:s8] =	ssyncset.s32 @!p0 $0xFFFFF086;
	s6 =	sadd.s32 @!p0 s3, s7;
	s7 =	simm.s32 @!p0 $0x108  }
0x21: {  	s3 =	sadd.s32 s3, s9;
	s6 =	sadd.s32 @!p0 $0x88, s6;
	s7 =	simm.s32 @p2 $0x1082  }
0x22: {  	[simem:s7], [sflag:s8] =	dma.local @!p0 [hbm:s6], $0xF7A  }
0x23: {  	s9 =	sor.u32 $0xD0000000, s2;
	s6 =	simm.s32 $0x108;
	_ =	swait.ge @!p0 [sflag:s8], $0x0  }
0x24: {  	s3 =	sadd.s32 $0x88, s3;
	s6 =	simm.s32 @!p1 $0x1082;
	[sflag:s4] =	ssyncset.s32 $0xFFFFF086  }
0x25: {  	[simem:s6], [sflag:s4] =	dma.local [hbm:s3], $0xF7A  }
0x26: {  	[smem:$0x3F97] =	sst s1;
	(tag) =	ssettag s2;
	_ =	strace s9  }
0x27: {  	s1 =	sld [smem:$0x3FA7]  }
0x28: {  	s2 =	sld [smem:$0x3FA8]  }
0x29: {  	s4 =	sld [smem:$0x3FAA]  }
0x2a: {  	p0 =	seq.s32 s5, $0x0;
	s5 =	sld [smem:$0x3FAB]  }
0x2b: {  	s6 =	sld [smem:$0x3FAC]  }
0x2c: {  	s7 =	sld [smem:$0x3FAD]  }
0x2d: {  	s3 =	simm.s32 $0x108;
	s8 =	sld [smem:$0x3FAE]  }
0x2e: {  	s3 =	simm.s32 @!p0 $0x1082;
	s9 =	sld [smem:$0x3FAF]  }
0x2f: {  	lr =	sadd.s32 s0, s3;
	s0 =	sld [smem:$0x3FA6]  }
0x30: {  	s3 =	sld [smem:$0x3FA9]  }
0x31: {  	[smem:$0x3FB2] =	sst s10  }
0x32: {  	s10 =	sld [smem:$0x3FB0];
	_ =	sdelay $0x3  }
0x33: {  	p0 =	seq.s32 s10, $0x1;
	s10 =	sld [smem:$0x3FB2];
	_ =	sdelay $0x3  }
0x34: {  	[smem:$0x3FB2] =	sst s10  }
0x35: {  	s10 =	sld [smem:$0x3FB1];
	_ =	sdelay $0x3  }
0x36: {  	p1 =	seq.s32 s10, $0x1;
	s10 =	sld [smem:$0x3FB2];
	_ =	sdelay $0x3  }
0x37: {  	[smem:$0x3FB2] =	sst s10  }
0x38: {  	s10 =	sld [smem:$0x3FB3]  }
0x39: {  	_ = 	snop;
	(pc) =	sbr.ind lr, $3  }
0x3a: {  	_ = 	snop  }
0x3b: {  	_ = 	snop  }
0x3c: {  	p2 =	seq.s32 s10, $0x1;
	s10 =	sld [smem:$0x3FB2]  }
0x3d: {  	_ =	shalt  }
0x3e: {  	_ =	shalt  }
0x3f: {  	_ =	shalt  }
0x40: {  	_ =	shalt  }
0x41: {  	_ =	shalt  }
0x42: {  	_ =	shalt  }
0x43: {  	_ =	shalt  }
0x44: {  	_ =	shalt  }
0x45: {  	_ =	shalt  }
0x46: {  	_ =	shalt  }
0x47: {  	_ =	shalt  }
0x48: {  	_ =	shalt  }
0x49: {  	_ =	shalt  }
0x4a: {  	_ =	shalt  }
0x4b: {  	_ =	shalt  }
0x4c: {  	_ =	shalt  }
0x4d: {  	_ =	shalt  }
0x4e: {  	_ =	shalt  }
0x4f: {  	_ =	shalt  }
0x50: {  	_ =	shalt  }
0x51: {  	_ =	shalt  }
0x52: {  	_ =	shalt  }
0x53: {  	_ =	shalt  }
0x54: {  	_ =	shalt  }
0x55: {  	_ =	shalt  }
0x56: {  	_ =	shalt  }
0x57: {  	_ =	shalt  }
0x58: {  	_ =	shalt  }
0x59: {  	_ =	shalt  }
0x5a: {  	_ =	shalt  }
0x5b: {  	_ =	shalt  }
0x5c: {  	_ =	shalt  }
0x5d: {  	_ =	shalt  }
0x5e: {  	_ =	shalt  }
0x5f: {  	_ =	shalt  }
0x60: {  	_ =	shalt  }
0x61: {  	_ =	shalt  }
0x62: {  	_ =	shalt  }
0x63: {  	_ =	shalt  }
0x64: {  	_ =	shalt  }
0x65: {  	_ =	shalt  }
0x66: {  	_ =	shalt  }
0x67: {  	_ =	shalt  }
0x68: {  	_ =	shalt  }
0x69: {  	_ =	shalt  }
0x6a: {  	_ =	shalt  }
0x6b: {  	_ =	shalt  }
0x6c: {  	_ =	shalt  }
0x6d: {  	_ =	shalt  }
0x6e: {  	_ =	shalt  }
0x6f: {  	_ =	shalt  }
0x70: {  	_ =	shalt  }
0x71: {  	_ =	shalt  }
0x72: {  	_ =	shalt  }
0x73: {  	_ =	shalt  }
0x74: {  	_ =	shalt  }
0x75: {  	_ =	shalt  }
0x76: {  	_ =	shalt  }
0x77: {  	_ =	shalt  }
0x78: {  	_ =	shalt  }
0x79: {  	_ =	shalt  }
0x7a: {  	_ =	shalt  }
0x7b: {  	_ =	shalt  }
0x7c: {  	_ =	shalt  }
0x7d: {  	_ =	shalt  }
0x7e: {  	_ =	shalt  }
0x7f: {  	_ =	shalt  }
0x80: {  	_ =	shalt  }
0x81: {  	_ =	shalt  }
0x82: {  	_ =	shalt  }
0x83: {  	_ =	shalt  }
0x84: {  	_ =	shalt  }
0x85: {  	_ =	shalt  }
0x86: {  	_ =	shalt  }
0x87: {  	_ =	shalt  }
.Lfunc_end0:
.L_simem_size_0:
called_computation_lowered:
.L_overlay_start_0:
0x88: {  	s2 =	sld [smem:$0x3FD9]  }
0x89: {  	s3 =	sld [smem:$0x3FFE];
	_ =	sdelay $0x1  }
0x8a: {  	s1 =	srdreg.scid  }
0x8b: {  	s0 =	sand.u32 $0x1, s1  }
0x8c: {  	s17 =	sshll.u32 s0, $0xA;
	s2 =	sadd.s32 s3, s2  }
0x8d: {  	s2 =	sadd.s32 s2, s17  }
0x8e: {  	[smem:$0x3FBE] =	sst s2  }
0x8f: {  	_ = 	snop  }
0x90: {  	(tm) =	ssettm $0x1  }
0x91: {  	s18 =	sld [smem:$0x3FFB];
	_ =	sdelay $0x3  }
0x92: {  	_ =	strace s18  }
0x93: {  	s2 =	sld [smem:$0x3FFC];
	_ =	sdelay $0x3  }
0x94: {  	_ =	strace s2  }
0x95: {  	s2 =	sld [smem:$0x3FFD];
	_ =	sdelay $0x3  }
0x96: {  	_ =	strace s2  }
0x97: {  	_ =	strace $0x8FFFFFFF  }
0x98: {  	s19 =	sld [smem:$0x3FDB];
	_ =	sdelay $0x1  }
0x99: {  	s20 =	simm.s32 $_scs_section_size  }
0x9a: {  	s4 =	simm.s32 $_size__tile_overlayer_lowered;
	s5 =	simm.s32 $_tile_overlayer_lowered  }
0x9b: {  	s6 =	simm.s32 $0x1BFF;
	s21 =	sshll.u32 s5, $0x1;
	s3 =	sadd.s32 s20, s19  }
0x9c: {  	s22 =	simm.s32 $0x0;
	s4 =	sshll.u32 s4, $0x1;
	s5 =	sadd.s32 s21, s3  }
0x9d: {  	[timem:s22], [sflag:s6] =	dma.local [hbm:s5], s4  }
0x9e: {  	_ =	swait.ge [sflag:s6], s4  }
0x9f: {  	s4 =	ssub.s32 $0x0, s4;
	[sflag:s6] =	ssyncset.done $0x0  }
0xa0: {  	[sflag:s6] =	ssyncadd.s32 s4;
	_ =	sdelay $0x1  }
0xa1: {  	s23 =	simm.s32 $0x1B8B  }
0xa2: {  	_ =	swait.ge [sflag:s23], $0x1  }
0xa3: {  	[sflag:s23] =	ssyncset.done $0x0  }
0xa4: {  	[sflag:s23] =	ssyncadd.s32 $0xFFFFFFFF  }
0xa5: {  	s4 =	sld [smem:$0x0]  }
0xa6: {  	s5 =	sand.u32 $0xFFFFFFFE, s1  }
0xa7: {  	p0 =	sne.s32 s1, s5  }
0xa8: {  	s5 =	sshll.u32 @p0 s5, $0xE  }
0xa9: {  	s5 =	sadd.s32 @p0 $0x11B8D, s5;
	s6 =	sshll.u32 @p0 s4, $0x11  }
0xaa: {  	s5 =	sor.u32 @p0 s6, s5  }
0xab: {  	[sflag:s5] =	ssyncadd.remote.s32 @p0 $0x1;
	_ =	sdelay $0x1  }
0xac: {  	s5 =	simm.s32 @p0 $0x1B8D  }
0xad: {  	_ =	swait.eq @p0 [sflag:s5], $0x1  }
0xae: {  	[sflag:s5] =	ssyncadd.s32 @p0 $0xFFFFFFFF  }
0xaf: {  	s6 =	sshll.u32 @!p0 s1, $0xE  }
0xb0: {  	s6 =	sor.u32 @!p0 $0x4000, s6;
	s5 =	simm.s32 @!p0 $0x1B8D  }
0xb1: {  	s4 =	sshll.u32 @!p0 s4, $0x11;
	s6 =	sadd.s32 @!p0 $0x11B8D, s6;
	_ =	swait.eq @!p0 [sflag:s5], $0x1  }
0xb2: {  	s4 =	sor.u32 @!p0 s4, s6;
	[sflag:s5] =	ssyncadd.s32 @!p0 $0xFFFFFFFF  }
0xb3: {  	s25 =	simm.s32 $0x1B8E;
	s24 =	sld [smem:$0x3FFE];
	[sflag:s4] =	ssyncadd.remote.s32 @!p0 $0x1  }
0xb4: {  	s26 =	simm.s32 $execute0_lowered;
	[smem:$0x3FD2] =	sst s25  }
0xb5: {  	s5 =	sshll.u32 s26, $0x1;
	_ =	strace $0x80000049;
	[dreg:$0x1] =	wrdreg $0xFFFFFFFF  }
0xb6: {  	s28 =	simm.s32 $_size_execute0_lowered;
	s3 =	sadd.s32 s3, s5;
	[dreg:$0x0] =	wrdreg $0x0  }
0xb7: {  	s5 =	sshll.u32 s28, $0x1;
	[dreg:$0x2] =	wrdreg s3  }
0xb8: {  	[dreg:$0x3] =	wrdreg s5  }
0xb9: {  	[dreg:$0x4] =	wrdreg $0xC0  }
0xba: {  	_ =	task [dreg:s22], $0x5FFFF  }
0xbb: {  	[dreg:$0x1] =	wrdreg $0xFFFFFFFF  }
0xbc: {  	[dreg:$0x0] =	wrdreg $0x60  }
0xbd: {  	[dreg:$0x2] =	wrdreg s24  }
0xbe: {  	[dreg:$0x3] =	wrdreg $0x0  }
0xbf: {  	[dreg:$0x4] =	wrdreg $0x9  }
0xc0: {  	_ =	task.clear_ibuf [dreg:s22], $0x5FFFF;
	_ =	strace $0x90000049  }
0xc1: {  	s29 =	simm.s32 $0x9;
	_ =	strace $0x8000004B  }
0xc2: {  	_ =	swait.ge [sflag:s29], $0x1  }
0xc3: {  	[sflag:s29] =	ssyncadd.s32 $0xFFFFFFFF  }
0xc4: {  	_ =	strace $0x9000004B  }
0xc5: {  	_ =	sfence  }
0xc6: {  	s30 =	sld [smem:$0x0];
	_ =	sdelay $0x2  }
0xc7: {  	s31 =	sshll.u32 s1, $0xD;
	s1 =	sshrl.u32 s1, $0x2  }
0xc8: {  	s4 =	sand.u32 $0x4000, s31;
	s1 =	sadd.s32 s1, s30  }
0xc9: {  	s0 =	sor.u32 s4, s0;
	s1 =	sshll.u32 s1, $0x11  }
0xca: {  	s0 =	sor.u32 s1, s0  }
0xcb: {  	s0 =	sadd.s32 $0x8F2B, s0  }
0xcc: {  	[sflag:s0] =	ssyncadd.remote.s32 $0x1  }
0xcd: {  	_ =	sfence.sel $0xFFFF  }
0xce: {  	[dreg:$0x0] =	wrdreg $0xFFFFFFFF;
	(pc) =	sbr.abs _section_cstart, $3  }
0xcf: {  	[dreg:$0x1] =	wrdreg $0xFFFFFFFF  }
0xd0: {  	_ =	task.clear_ibuf [dreg:s22], $0x2FFFF;
	_ =	strace $0x9FFFFFFF  }
0xd1: {  	(tm) =	ssettm $0x7FFFFFFF  }
tec
execute0_lowered:
.L_overlay_start_1:
0x0: {  	(tag) =	ssettag $0x1  }
0x1: {  	s1 =	srdreg.scid;
	s5 =	rddreg [dreg:$0x0]  }
0x2: {  	s0 =	stileid.u32;
	s2 =	rddreg [dreg:$0x1]  }
0x3: {  	s3 =	simm.s32 $0x0;
	s13 =	simm.s32 $0x5;
	s14 =	simm.s32 $0x13C00  }
0x4: {  	s15 =	simm.s32 $0x80;
	s16 =	simm.s32 $0x13C80;
	s17 =	simm.s32 $0x13D00  }
0x5: {  	s18 =	simm.s32 $0x13D80;
	s19 =	simm.s32 $0x1;
	s20 =	simm.s32 $0x2  }
0x6: {  	s21 =	simm.s32 $0x3;
	s22 =	simm.s32 $0x4;
	s8 =	smul.u32 $0x13C00, s0  }
0x7: {  	s4 =	sand.u32 $0x1, s1;
	s26 =	sshll.u32 s0, $0x1;
	s9 =	smul.u32 $0x4F000, s0  }
0x8: {  	s23 =	simm.s32 $0x0;
	s1 =	sor.u32 s4, s26;
	s7 =	smul.u32 $0x13C000, s4  }
0x9: {  	[smem:$0x7FF] =	sst s3;
	s29 =	ssub.s32 $0x2, s4;
	s6 =	smul.u32 $0x500, s1  }
0xa: {  	s1 =	rddreg [dreg:$0x2];
	_ =	strace $0x8000004A;
	s30 =	sshrl.u32 s9, $0x2  }
0xb: {  	s31 =	sshrl.u32 s29, $0x1;
	s28 =	sadd.s32 s8, s7;
	s4 =	sadd.s32 s30, s2  }
0xc: {  	s12 =	ssub.s32 s29, s31;
	s10 =	sadd.s32 s6, s5;
	s6 =	sshrl.u32 s28, $0x3  }
0xd: {  	s7 =	sadd.s32 $0xC000, s4;
	s8 =	sadd.s32 $0x10000, s4;
	s11 =	sadd.s32 s6, s5  }
0xe: {  	s5 =	sadd.s32 $0x4000, s4;
	s6 =	sadd.s32 $0x8000, s4;
	s9 =	sadd.s32 $0x2400, s10  }
0xf: {  	v0 =	vimm.f32 $0.0e+00;
	v1 =	vimm.f32 $1.000000000e+00;
	s10 =	sadd.s32 $0x65400, s11;
	s11 =	smax.u32 s12, $0x1;
	s12 =	simm.s32 $0x16400  }
.LBB2_1:
0x10: {  	s24 =	simm.s32 $0x0;
	s25 =	simm.s32 $0x200  }
.LBB2_2:
0x11: {  	p0 =	sne.s32 s25, $0xFE00;
	[tilespmem:s24+$0x16470] =	vst v0  }
0x12: {  	[tilespmem:s24+$0x16400] =	vst v0  }
0x13: {  	[tilespmem:s24+$0x16410] =	vst v0  }
.Ltmp0:
0x14: {  	[tilespmem:s24+$0x16420] =	vst v0;
	(pc) =	sbr.rel @p0 .LBB2_2-.Ltmp0, $4  }
0x15: {  	[tilespmem:s24+$0x16430] =	vst v0  }
0x16: {  	[tilespmem:s24+$0x16440] =	vst v0  }
0x17: {  	[tilespmem:s24+$0x16450] =	vst v0  }
0x18: {  	[tilespmem:s24+$0x16460] =	vst v0;
	s24 =	sshra.s32 s25, $0x2;
	s25 =	sadd.s32 $0x200, s25  }
0x19: {  	[tilespmem:s24+$0x16470] =	vst v0  }
0x1a: {  	[tilespmem:s24+$0x16400] =	vst v0  }
0x1b: {  	[tilespmem:s24+$0x16410] =	vst v0  }
0x1c: {  	[tilespmem:s24+$0x16420] =	vst v0  }
0x1d: {  	[tilespmem:s24+$0x16430] =	vst v0  }
0x1e: {  	[tilespmem:s24+$0x16440] =	vst v0  }
0x1f: {  	[tilespmem:s24+$0x16450] =	vst v0  }
0x20: {  	[tilespmem:s24+$0x16460] =	vst v0  }
0x21: {  	[spmem:s4] =	stream.linear.scatter [tilespmem:s12], [sflag:$0x5], $0x4000, $0x38;
	[tilespmem:$0x1A400] =	vst v63  }
0x22: {  	_ =	swait.ge [sflag:s13], $0x4000  }
0x23: {  	[sflag:s13] =	ssyncset.done $0x0  }
0x24: {  	[sflag:s13] =	ssyncadd.s32 $0xFFFFC000  }
0x25: {  	[spmem:s5] =	stream.linear.scatter [tilespmem:s12], [sflag:$0x5], $0x4000, $0x38;
	[tilespmem:$0x1A400] =	vst v63  }
0x26: {  	_ =	swait.ge [sflag:s13], $0x4000  }
0x27: {  	[sflag:s13] =	ssyncset.done $0x0  }
0x28: {  	[sflag:s13] =	ssyncadd.s32 $0xFFFFC000  }
0x29: {  	[spmem:s6] =	stream.linear.scatter [tilespmem:s12], [sflag:$0x5], $0x4000, $0x38;
	[tilespmem:$0x1A400] =	vst v63  }
0x2a: {  	_ =	swait.ge [sflag:s13], $0x4000  }
0x2b: {  	[sflag:s13] =	ssyncset.done $0x0  }
0x2c: {  	[sflag:s13] =	ssyncadd.s32 $0xFFFFC000  }
0x2d: {  	[spmem:s7] =	stream.linear.scatter [tilespmem:s12], [sflag:$0x5], $0x4000, $0x38;
	[tilespmem:$0x1A400] =	vst v63  }
0x2e: {  	_ =	swait.ge [sflag:s13], $0x4000  }
0x2f: {  	[sflag:s13] =	ssyncset.done $0x0  }
0x30: {  	[sflag:s13] =	ssyncadd.s32 $0xFFFFC000  }
0x31: {  	[spmem:s8] =	stream.linear.scatter [tilespmem:s12], [sflag:$0x5], $0x3C00, $0x38;
	[tilespmem:$0x1A400] =	vst v63  }
0x32: {  	_ =	swait.ge [sflag:s13], $0x3C00  }
0x33: {  	[sflag:s13] =	ssyncset.done $0x0  }
0x34: {  	s24 =	simm.s32 $0x0;
	s25 =	simm.s32 $0x200;
	[sflag:s13] =	ssyncadd.s32 $0xFFFFC400  }
.LBB2_4:
0x35: {  	p0 =	sne.s32 s25, $0xFE00;
	[tilespmem:s24+$0x16470] =	vst v1  }
0x36: {  	[tilespmem:s24+$0x16400] =	vst v1  }
0x37: {  	[tilespmem:s24+$0x16410] =	vst v1  }
.Ltmp1:
0x38: {  	[tilespmem:s24+$0x16420] =	vst v1;
	(pc) =	sbr.rel @p0 .LBB2_4-.Ltmp1, $4  }
0x39: {  	[tilespmem:s24+$0x16430] =	vst v1  }
0x3a: {  	[tilespmem:s24+$0x16440] =	vst v1  }
0x3b: {  	[tilespmem:s24+$0x16450] =	vst v1  }
0x3c: {  	[tilespmem:s24+$0x16460] =	vst v1;
	s24 =	sshra.s32 s25, $0x2;
	s25 =	sadd.s32 $0x200, s25  }
0x3d: {  	[tilespmem:s24+$0x16470] =	vst v1  }
0x3e: {  	[tilespmem:s24+$0x16400] =	vst v1  }
0x3f: {  	[tilespmem:s24+$0x16410] =	vst v1  }
0x40: {  	[tilespmem:s24+$0x16420] =	vst v1  }
0x41: {  	[tilespmem:s24+$0x16430] =	vst v1  }
0x42: {  	[tilespmem:s24+$0x16440] =	vst v1  }
0x43: {  	[tilespmem:s24+$0x16450] =	vst v1  }
0x44: {  	[tilespmem:s24+$0x16460] =	vst v1  }
0x45: {  	[tilespmem:s14], [sflag:$0x5] =	stream.linear.gather [hbm4b:s9+s3], $0x2800, $0x38;
	[tilespmem:$0x1A400] =	vst v63  }
0x46: {  	_ =	swait.ge [sflag:s13], $0x2800  }
0x47: {  	[sflag:s13] =	ssyncset.done $0x0  }
0x48: {  	[sflag:s13] =	ssyncadd.s32 $0xFFFFD800  }
0x49: {  	[bflag:$0x0] =	sbarrier.arrive $0xFFFF  }
0x4a: {  	[spmem:s2] =	stream.indirect.scatter.add.f32 [tilespmem:s12], [sflag:$0x1], $0x80, s14, s15, $0xb8;
	[tilespmem:$0x1A400] =	vst v63  }
0x4b: {  	_ = 	snop  }
0x4c: {  	[spmem:s2] =	stream.indirect.scatter.add.f32 [tilespmem:s12], [sflag:$0x2], $0x80, s16, s15, $0xb8;
	[tilespmem:$0x1A400] =	vst v63  }
0x4d: {  	_ = 	snop  }
0x4e: {  	[spmem:s2] =	stream.indirect.scatter.add.f32 [tilespmem:s12], [sflag:$0x3], $0x80, s17, s15, $0xb8;
	[tilespmem:$0x1A400] =	vst v63  }
0x4f: {  	_ = 	snop  }
0x50: {  	[spmem:s2] =	stream.indirect.scatter.add.f32 [tilespmem:s12], [sflag:$0x4], $0x80, s18, s15, $0xb8;
	[tilespmem:$0x1A400] =	vst v63  }
0x51: {  	_ =	swait.ge [sflag:s19], $0x4000  }
0x52: {  	[sflag:s19] =	ssyncset.done $0x0  }
0x53: {  	s29 =	simm.s32 $0x13E00;
	[sflag:s19] =	ssyncadd.s32 $0xFFFFC000  }
0x54: {  	[spmem:s2] =	stream.indirect.scatter.add.f32 [tilespmem:s12], [sflag:$0x1], $0x80, s29, s15, $0xb8;
	[tilespmem:$0x1A400] =	vst v63  }
0x55: {  	_ =	swait.ge [sflag:s20], $0x4000  }
0x56: {  	[sflag:s20] =	ssyncset.done $0x0  }
0x57: {  	s30 =	simm.s32 $0x13E80;
	[sflag:s20] =	ssyncadd.s32 $0xFFFFC000  }
0x58: {  	[spmem:s2] =	stream.indirect.scatter.add.f32 [tilespmem:s12], [sflag:$0x2], $0x80, s30, s15, $0xb8;
	[tilespmem:$0x1A400] =	vst v63  }
0x59: {  	_ =	swait.ge [sflag:s21], $0x4000  }
0x5a: {  	[sflag:s21] =	ssyncset.done $0x0  }
0x5b: {  	s31 =	simm.s32 $0x13F00;
	[sflag:s21] =	ssyncadd.s32 $0xFFFFC000  }
0x5c: {  	[spmem:s2] =	stream.indirect.scatter.add.f32 [tilespmem:s12], [sflag:$0x3], $0x80, s31, s15, $0xb8;
	[tilespmem:$0x1A400] =	vst v63  }
0x5d: {  	_ =	swait.ge [sflag:s22], $0x4000  }
0x5e: {  	[sflag:s22] =	ssyncset.done $0x0  }
0x5f: {  	s24 =	simm.s32 $0xFFFF7000;
	s25 =	simm.s32 $0x13F80;
	[sflag:s22] =	ssyncadd.s32 $0xFFFFC000  }
.LBB2_6:
0x60: {  	[spmem:s2] =	stream.indirect.scatter.add.f32 [tilespmem:s12], [sflag:$0x4], $0x80, s25, s15, $0xb8;
	[tilespmem:$0x1A400] =	vst v63  }
0x61: {  	s25 =	smov.u32 s24  }
0x62: {  	p0 =	sne.s32 s24, $0xFFFFF800;
	s24 =	sadd.s32 $0x800, s24;
	_ =	swait.ge [sflag:s19], $0x4000  }
0x63: {  	s25 =	sshra.s32 s25, $0x2;
	[sflag:s19] =	ssyncset.done $0x0  }
0x64: {  	s26 =	sadd.s32 $0x16400, s25;
	[sflag:s19] =	ssyncadd.s32 $0xFFFFC000  }
0x65: {  	[spmem:s2] =	stream.indirect.scatter.add.f32 [tilespmem:s12], [sflag:$0x1], $0x80, s26, s15, $0xb8;
	[tilespmem:$0x1A400] =	vst v63  }
0x66: {  	_ =	swait.ge [sflag:s20], $0x4000  }
0x67: {  	[sflag:s20] =	ssyncset.done $0x0  }
0x68: {  	s26 =	sadd.s32 $0x16480, s25;
	[sflag:s20] =	ssyncadd.s32 $0xFFFFC000  }
0x69: {  	[spmem:s2] =	stream.indirect.scatter.add.f32 [tilespmem:s12], [sflag:$0x2], $0x80, s26, s15, $0xb8;
	[tilespmem:$0x1A400] =	vst v63  }
0x6a: {  	_ =	swait.ge [sflag:s21], $0x4000  }
0x6b: {  	[sflag:s21] =	ssyncset.done $0x0  }
.Ltmp2:
0x6c: {  	s26 =	sadd.s32 $0x16500, s25;
	[sflag:s21] =	ssyncadd.s32 $0xFFFFC000;
	(pc) =	sbr.rel @p0 .LBB2_6-.Ltmp2, $4  }
0x6d: {  	[spmem:s2] =	stream.indirect.scatter.add.f32 [tilespmem:s12], [sflag:$0x3], $0x80, s26, s15, $0xb8;
	[tilespmem:$0x1A400] =	vst v63  }
0x6e: {  	_ =	swait.ge [sflag:s22], $0x4000  }
0x6f: {  	[sflag:s22] =	ssyncset.done $0x0  }
0x70: {  	s25 =	sadd.s32 $0x16580, s25;
	[sflag:s22] =	ssyncadd.s32 $0xFFFFC000  }
0x71: {  	[spmem:s2] =	stream.indirect.scatter.add.f32 [tilespmem:s12], [sflag:$0x4], $0x80, s25, s15, $0xb8;
	[tilespmem:$0x1A400] =	vst v63  }
0x72: {  	_ =	swait.ge [sflag:s19], $0x4000  }
0x73: {  	[sflag:s19] =	ssyncset.done $0x0  }
0x74: {  	[sflag:s19] =	ssyncadd.s32 $0xFFFFC000  }
0x75: {  	_ =	swait.ge [sflag:s20], $0x4000  }
0x76: {  	[sflag:s20] =	ssyncset.done $0x0  }
0x77: {  	[sflag:s20] =	ssyncadd.s32 $0xFFFFC000  }
0x78: {  	_ =	swait.ge [sflag:s21], $0x4000  }
0x79: {  	[sflag:s21] =	ssyncset.done $0x0  }
0x7a: {  	[sflag:s21] =	ssyncadd.s32 $0xFFFFC000  }
0x7b: {  	_ =	swait.ge [sflag:s22], $0x4000  }
0x7c: {  	s24 =	sshll.u32 s0, $0x6;
	s23 =	sadd.s32 $0x1, s23;
	[sflag:s22] =	ssyncset.done $0x0  }
0x7d: {  	s31 =	sshrl.u32 s4, $0x3;
	p0 =	sne.s32 s23, s11;
	[sflag:s22] =	ssyncadd.s32 $0xFFFFC000  }
.Ltmp3:
0x7e: {  	s24 =	sor.u32 $0x1C05, s24;
	[bflag:$0x0] =	sbarrier.arrive $0xFFFF;
	(pc) =	sbr.rel @p0 .LBB2_1-.Ltmp3, $4  }
0x7f: {  	[hbm:s10], [sflag:s24] =	dma.local [spmem:s31], $0x2780  }
0x80: {  	_ =	swait.ge [sflag:s13], $0x2780  }
0x81: {  	[sflag:s13] =	ssyncset.done $0x0  }
0x82: {  	[sflag:s13] =	ssyncadd.s32 $0xFFFFD880  }
0x83: {  	_ =	sfence.sel $0x180000  }
0x84: {  	[bflag:$0x0] =	sbarrier.arrive $0xFFFF  }
0x85: {  	p0 =	sne.s32 s0, $0x0;
	_ =	strace $0x9000004A  }
0x86: {  	s0 =	sadd.s32 @!p0 $0x100000, s1;
	[bflag:$0x2] =	sbarrier.arrive $0xFFFF  }
0x87: {  	[sflag:s0] =	ssyncadd.tile.s32 @!p0 $0x1;
	_ =	shalt  }
.Lfunc_end2:
_tile_overlayer_lowered:
.L_overlay_start_2:
0x88: {  	(tag) =	ssettag $0x2  }
0x89: {  	s0 =	rddreg [dreg:$0x0];
	s2 =	stileid.u32  }
0x8a: {  	s1 =	rddreg [dreg:$0x1];
	p0 =	sne.s32 s2, $0x0  }
0x8b: {  	s3 =	rddreg [dreg:$0x2];
	[bflag:$0x3] =	sbarrier.arrive $0xFFFF;
	s2 =	simm.s32 @!p0 $0x1C05  }
0x8c: {  	[timem:s3], [sflag:s2] =	dma.local @!p0 [hbm:s0], s1  }
0x8d: {  	s0 =	simm.s32 @!p0 $0x5  }
0x8e: {  	_ =	swait.ge @!p0 [sflag:s0], s1  }
0x8f: {  	s1 =	ssub.s32 @!p0 $0x0, s1;
	[sflag:s0] =	ssyncset.done @!p0 $0x0  }
0x90: {  	[sflag:s0] =	ssyncadd.s32 @!p0 s1  }
0x91: {  	[bflag:$0x3] =	sbarrier.arrive $0xFFFF  }
0x92: {  	_ =	shalt  }

</sc_bundles>
